<compile_context>
chip_gen: v7x
topology: tpu7x:2x2x1
jax: 0.10.2.dev20260603
libtpu: 0.0.44.dev20260713+nightly
codegen_flags: <defaults>
</compile_context>

<pallas_src>
import functools

import jax
import jax.numpy as jnp
from jax import lax
from jax.experimental import pallas as pl
from jax.experimental.pallas import tpu as pltpu
from jax.experimental.pallas import tpu_sc as plsc

B, C, H, W = 2, 96, 384, 384
N = H * W
CC = 8
G = C // CC
NT = 16
NPT = N // NT
S = 512
NCH = NPT // S
ROWS = 4 * S
BLK = 1024
ZB = NPT // BLK
WBR = BLK * CC // 128
OUTR = N * CC // 128
PAD = 8
F32 = jnp.float32
I32 = jnp.int32


def _sc_body(frame, flow, out, acc, stage, data, data1, idxc, idxc1,
             ibuf, flow_v, wbuf, sem0, sem1):
    b = lax.axis_index("c")
    s = lax.axis_index("s")
    row0 = s * NPT
    iota = lax.broadcasted_iota(I32, (16,), 0)

    def fill_ibuf(base):
        def f_body(t, carry):
            w = t * 16 + iota
            plsc.store_scatter(ibuf, [w], base + w)
            return carry

        lax.fori_loop(0, BLK // 16, f_body, 0)

    def pass_body(g, carry):
        zvec = jnp.zeros((16,), F32)

        def z_body(t, carry2):
            w = t * 16 + iota
            plsc.store_scatter(data, [w // CC, w % CC], zvec)
            return carry2

        lax.fori_loop(0, ROWS * CC // 16, z_body, 0)

        def zc_body(j, carry2):
            fill_ibuf(row0 + j * BLK)
            pltpu.sync_copy(data.at[pl.ds(0, BLK), :], acc.at[ibuf])
            return carry2

        lax.fori_loop(0, ZB, zc_body, 0)
        plsc.subcore_barrier()

        def do_chunk(ci, dbuf, ibufc, sem, first):
            blk = s * NCH + ci
            pltpu.sync_copy(frame.at[b, pl.ds(g * CC, CC), blk, :], stage)
            pltpu.sync_copy(flow.at[b, :, blk, :], flow_v)

            @pl.when(jnp.logical_not(first))
            def _():
                pltpu.make_async_copy(dbuf, acc.at[ibufc], sem).wait()

            def k_body(k, carry3):
                fx = flow_v[0, pl.ds(k * 16, 16)]
                fy = flow_v[1, pl.ds(k * 16, 16)]
                p = row0 + ci * S + k * 16 + iota
                tx = (p % W).astype(F32) + fx
                ty = (p // W).astype(F32) + fy
                x0 = tx.astype(I32)
                x0 = x0 - jnp.where(x0.astype(F32) > tx, 1, 0)
                y0 = ty.astype(I32)
                y0 = y0 - jnp.where(y0.astype(F32) > ty, 1, 0)
                wx1 = tx - x0.astype(F32)
                wx0 = 1.0 - wx1
                wy1 = ty - y0.astype(F32)
                wy0 = 1.0 - wy1
                x1 = x0 + 1
                y1 = y0 + 1
                zero = jnp.zeros((16,), F32)
                mx0 = (x0 >= 0) & (x0 < W)
                mx1 = (x1 >= 0) & (x1 < W)
                my0 = (y0 >= 0) & (y0 < H)
                my1 = (y1 >= 0) & (y1 < H)
                w00 = jnp.where(mx0 & my0, wx0 * wy0, zero)
                w10 = jnp.where(mx1 & my0, wx1 * wy0, zero)
                w01 = jnp.where(mx0 & my1, wx0 * wy1, zero)
                w11 = jnp.where(mx1 & my1, wx1 * wy1, zero)
                swap = x0 == -1
                wa0 = jnp.where(swap, w10, w00)
                wa1 = jnp.where(swap, zero, w10)
                wb0 = jnp.where(swap, w11, w01)
                wb1 = jnp.where(swap, zero, w11)
                bx = jnp.clip(x0, 0, W - 1)
                ia = jnp.clip(y0, 0, H - 1) * W + bx
                ib = jnp.clip(y1, 0, H - 1) * W + bx
                cbase = 64 * k + 4 * iota
                plsc.store_scatter(ibufc, [cbase], ia)
                plsc.store_scatter(ibufc, [cbase + 1], ia + 1)
                plsc.store_scatter(ibufc, [cbase + 2], ib)
                plsc.store_scatter(ibufc, [cbase + 3], ib + 1)
                rbase = 64 * k + 4 * iota
                for c in range(CC):
                    v = stage[c, pl.ds(k * 16, 16)]
                    ccol = jnp.full((16,), c, I32)
                    plsc.store_scatter(dbuf, [rbase, ccol], wa0 * v)
                    plsc.store_scatter(dbuf, [rbase + 1, ccol], wa1 * v)
                    plsc.store_scatter(dbuf, [rbase + 2, ccol], wb0 * v)
                    plsc.store_scatter(dbuf, [rbase + 3, ccol], wb1 * v)
                return carry3

            lax.fori_loop(0, S // 16, k_body, 0)
            pltpu.async_copy(dbuf, acc.at[ibufc], sem, add=True)

        def chunk_body(jj, carry2):
            do_chunk(2 * jj, data, idxc, sem0, jj == 0)
            do_chunk(2 * jj + 1, data1, idxc1, sem1, jj == 0)
            return carry2

        lax.fori_loop(0, NCH // 2, chunk_body, 0)
        pltpu.make_async_copy(data, acc.at[idxc], sem0).wait()
        pltpu.make_async_copy(data1, acc.at[idxc1], sem1).wait()
        plsc.subcore_barrier()

        def wb_body(j, carry2):
            fill_ibuf(row0 + j * BLK)
            pltpu.sync_copy(acc.at[ibuf], data.at[pl.ds(0, BLK), :])

            def rp_body(t, carry3):
                pix = t * 16 + iota
                for c in range(CC):
                    v = plsc.load_gather(data, [pix, jnp.full((16,), c, I32)])
                    wbuf[c, t // 8, pl.ds((t % 8) * 16, 16)] = v
                return carry3

            lax.fori_loop(0, BLK // 16, rp_body, 0)
            pltpu.sync_copy(
                wbuf,
                out.at[b, pl.ds(g * CC, CC),
                       pl.ds((row0 + j * BLK) // 128, BLK // 128), :])
            return carry2

        lax.fori_loop(0, ZB, wb_body, 0)
        return carry

    lax.fori_loop(0, G, pass_body, 0)


_splat_sc = functools.partial(
    pl.kernel,
    out_type=jax.ShapeDtypeStruct((B, C, N // 128, 128), F32),
    mesh=plsc.VectorSubcoreMesh(core_axis_name="c", subcore_axis_name="s",
                                num_cores=2, num_subcores=16),
    scratch_types=[
        pltpu.VMEM_SHARED((N + PAD, CC), F32),
        pltpu.VMEM((CC, S), F32),
        pltpu.VMEM((ROWS, CC), F32),
        pltpu.VMEM((ROWS, CC), F32),
        pltpu.VMEM((ROWS,), I32),
        pltpu.VMEM((ROWS,), I32),
        pltpu.VMEM((BLK,), I32),
        pltpu.VMEM((2, S), F32),
        pltpu.VMEM((CC, BLK // 128, 128), F32),
        pltpu.SemaphoreType.DMA,
        pltpu.SemaphoreType.DMA,
    ],
    compiler_params=pltpu.CompilerParams(use_tc_tiling_on_sc=False,
                                         needs_layout_passes=False),
)(_sc_body)


def kernel(frame, flow):
    frame_r = frame.reshape(B, C, N // S, S)
    flow_r = flow.reshape(B, 2, N // S, S)
    return _splat_sc(frame_r, flow_r).reshape(B, C, H, W)

# --- scband reference (transcript-rebuilt; emitter-appended) ---
"""Pipeline reference for scband-splatting-8203387535928 (READ-ONLY COPY).

The authoritative reference and input builder live on the scoring server;
editing this copy changes nothing except your own understanding.
"""

import jax, jax.numpy as jnp
import numpy as np


def setup_inputs(seed: int = 0) -> dict:
    key = jax.random.key(seed)
    k1, k2 = jax.random.split(key)
    frame = jax.random.normal(k1, (2, 96, 384, 384), dtype=jnp.float32)
    flow = jax.random.normal(k2, (2, 2, 384, 384), dtype=jnp.float32)
    return {"frame": frame, "flow": flow}


def _splat(frame, flow):
    # Summation (forward-warp) splatting: each source pixel is bilinearly
    # scattered to the 4 integer neighbors of its flow-displaced target.
    B, C, H, W = frame.shape
    gy, gx = jnp.meshgrid(jnp.arange(H, dtype=flow.dtype),
                          jnp.arange(W, dtype=flow.dtype), indexing='ij')
    tx = gx[None] + flow[:, 0]  # [B, H, W]
    ty = gy[None] + flow[:, 1]  # [B, H, W]
    x0 = jnp.floor(tx)
    y0 = jnp.floor(ty)
    x1 = x0 + 1.0
    y1 = y0 + 1.0
    w_nw = (x1 - tx) * (y1 - ty)
    w_ne = (tx - x0) * (y1 - ty)
    w_sw = (x1 - tx) * (ty - y0)
    w_se = (tx - x0) * (ty - y0)
    boff = (jnp.arange(B, dtype=jnp.int32) * (H * W))[:, None, None]
    frame_flat = frame.transpose(1, 0, 2, 3).reshape(C, B * H * W)
    out = jnp.zeros((C, B * H * W), dtype=frame.dtype)
    for xi, yi, w in ((x0, y0, w_nw), (x1, y0, w_ne), (x0, y1, w_sw), (x1, y1, w_se)):
        xi_i = xi.astype(jnp.int32)
        yi_i = yi.astype(jnp.int32)
        valid = (xi_i >= 0) & (xi_i < W) & (yi_i >= 0) & (yi_i < H)
        idx = jnp.where(valid, boff + yi_i * W + xi_i, 0).reshape(-1)
        wv = jnp.where(valid, w, 0.0).reshape(-1)
        out = out.at[:, idx].add(frame_flat * wv[None, :])
    return out.reshape(C, B, H, W).transpose(1, 0, 2, 3)


def reference(frame, flow):
    return _splat(frame, flow)

if __name__ == "__main__":
    import jax
    _d = setup_inputs()
    print(jax.jit(kernel)(*tuple(_d.values())))

</pallas_src>

<mosaic_0001>
#map = affine_map<(d0, d1) -> (0, 0, 0, 0)>
module attributes {stable_mosaic.version = 14 : i64} {
  func.func @_sc_body(%arg0: i32, %arg1: i32, %arg2: memref<2x96x288x512xf32, #tpu.memory_space<hbm>>, %arg3: memref<2x2x288x512xf32, #tpu.memory_space<hbm>>, %arg4: memref<2x96x1152x128xf32, #tpu.memory_space<hbm>>, %arg5: memref<147464x8xf32, #tpu.memory_space<vmem_shared>>, %arg6: memref<8x512xf32, #tpu.memory_space<vmem>>, %arg7: memref<2048x8xf32, #tpu.memory_space<vmem>>, %arg8: memref<2048x8xf32, #tpu.memory_space<vmem>>, %arg9: memref<2048xi32, #tpu.memory_space<vmem>>, %arg10: memref<2048xi32, #tpu.memory_space<vmem>>, %arg11: memref<1024xi32, #tpu.memory_space<vmem>>, %arg12: memref<2x512xf32, #tpu.memory_space<vmem>>, %arg13: memref<8x8x128xf32, #tpu.memory_space<vmem>>, %arg14: memref<!tpu.dma_semaphore, #tpu.memory_space<semaphore_mem>>, %arg15: memref<!tpu.dma_semaphore, #tpu.memory_space<semaphore_mem>>) attributes {dimension_semantics = [#tpu.dimension_semantics<core_parallel>, #tpu.dimension_semantics<subcore_parallel>], iteration_bounds = array<i64: 2, 16>, scalar_prefetch = 0 : i64, scratch_operands = 11 : i64, tpu.core_type = #tpu.core_type<sc_vector_subcore>, window_params = [{transform_indices = #map}, {transform_indices = #map}, {transform_indices = #map}]} {
    %mul3A = arith.constant 9216 : i32
    %mul3A_0 = arith.muli %arg1, %mul3A : i32
    %iota3A = tpu.iota {dimensions = array<i32: 0>} : vector<16xi32>
    %scan3A = arith.constant 0 : i32
    %scan3A_1 = arith.constant 0 : i32
    %scan3A_2 = arith.constant 12 : i32
    %scan3A_3 = arith.addi %scan3A_1, %scan3A_2 : i32
    %scan3A_4 = arith.constant 1 : i32
    scf.for %scan3A_6 = %scan3A_1 to %scan3A_3 step %scan3A_4  : i32 {
      %broadcast_in_dim3A = arith.constant 0.000000e+00 : f32
      %broadcast_in_dim3A_7 = vector.broadcast %broadcast_in_dim3A : f32 to vector<16xf32>
      %scan3A_8 = arith.constant 0 : i32
      %scan3A_9 = arith.constant 0 : i32
      %scan3A_10 = arith.constant 1024 : i32
      %scan3A_11 = arith.addi %scan3A_9, %scan3A_10 : i32
      %scan3A_12 = arith.constant 1 : i32
      scf.for %scan3A_38 = %scan3A_9 to %scan3A_11 step %scan3A_12  : i32 {
        %mul3A_39 = arith.constant 16 : i32
        %mul3A_40 = arith.muli %scan3A_38, %mul3A_39 : i32
        %add3A = vector.broadcast %mul3A_40 : i32 to vector<16xi32>
        %add3A_41 = arith.addi %add3A, %iota3A : vector<16xi32>
        %jit3A = arith.constant 8 : i32
        %div3A = vector.broadcast %jit3A : i32 to vector<16xi32>
        %div3A_42 = arith.divsi %add3A_41, %div3A : vector<16xi32>
        %sign3A = arith.constant 0 : i32
        %sign3A_43 = vector.broadcast %sign3A : i32 to vector<16xi32>
        %sign3A_44 = arith.cmpi sgt, %add3A_41, %sign3A_43 : vector<16xi32>
        %sign3A_45 = arith.extui %sign3A_44 : vector<16xi1> to vector<16xi32>
        %sign3A_46 = arith.constant 0 : i32
        %sign3A_47 = vector.broadcast %sign3A_46 : i32 to vector<16xi32>
        %sign3A_48 = arith.cmpi slt, %add3A_41, %sign3A_47 : vector<16xi32>
        %sign3A_49 = arith.extui %sign3A_48 : vector<16xi1> to vector<16xi32>
        %sign3A_50 = arith.subi %sign3A_45, %sign3A_49 : vector<16xi32>
        %sign3A_51 = arith.constant 0 : i32
        %sign3A_52 = arith.cmpi sgt, %jit3A, %sign3A_51 : i32
        %sign3A_53 = arith.extui %sign3A_52 : i1 to i32
        %sign3A_54 = arith.constant 0 : i32
        %sign3A_55 = arith.cmpi slt, %jit3A, %sign3A_54 : i32
        %sign3A_56 = arith.extui %sign3A_55 : i1 to i32
        %sign3A_57 = arith.subi %sign3A_53, %sign3A_56 : i32
        %ne3A = vector.broadcast %sign3A_57 : i32 to vector<16xi32>
        %ne3A_58 = arith.cmpi ne, %sign3A_50, %ne3A : vector<16xi32>
        %rem3A = vector.broadcast %jit3A : i32 to vector<16xi32>
        %rem3A_59 = arith.remsi %add3A_41, %rem3A : vector<16xi32>
        %ne3A_60 = arith.constant 0 : i32
        %ne3A_61 = vector.broadcast %ne3A_60 : i32 to vector<16xi32>
        %ne3A_62 = arith.cmpi ne, %rem3A_59, %ne3A_61 : vector<16xi32>
        %and3A = arith.andi %ne3A_58, %ne3A_62 : vector<16xi1>
        %sub3A = arith.constant 1 : i32
        %sub3A_63 = vector.broadcast %sub3A : i32 to vector<16xi32>
        %sub3A_64 = arith.subi %div3A_42, %sub3A_63 : vector<16xi32>
        %select_n3A = arith.select %and3A, %sub3A_64, %div3A_42 : vector<16xi1>, vector<16xi32>
        %jit3A_65 = arith.constant 8 : i32
        %eq3A = arith.constant 0 : i32
        %eq3A_66 = arith.cmpi eq, %jit3A_65, %eq3A : i32
        %jit3A_67 = arith.constant 1 : i32
        %select_n3A_68 = arith.select %eq3A_66, %jit3A_67, %jit3A_65 : i32
        %rem3A_69 = vector.broadcast %select_n3A_68 : i32 to vector<16xi32>
        %rem3A_70 = arith.remsi %add3A_41, %rem3A_69 : vector<16xi32>
        %ne3A_71 = arith.constant 0 : i32
        %ne3A_72 = vector.broadcast %ne3A_71 : i32 to vector<16xi32>
        %ne3A_73 = arith.cmpi ne, %rem3A_70, %ne3A_72 : vector<16xi32>
        %lt3A = arith.constant 0 : i32
        %lt3A_74 = vector.broadcast %lt3A : i32 to vector<16xi32>
        %lt3A_75 = arith.cmpi slt, %rem3A_70, %lt3A_74 : vector<16xi32>
        %lt3A_76 = arith.constant 0 : i32
        %lt3A_77 = arith.cmpi slt, %select_n3A_68, %lt3A_76 : i32
        %ne3A_78 = vector.broadcast %lt3A_77 : i1 to vector<16xi1>
        %ne3A_79 = vector.broadcast %ne3A_78 : vector<16xi1> to vector<16xi1>
        %ne3A_80 = arith.xori %lt3A_75, %ne3A_79 : vector<16xi1>
        %and3A_81 = arith.andi %ne3A_80, %ne3A_73 : vector<16xi1>
        %add3A_82 = vector.broadcast %select_n3A_68 : i32 to vector<16xi32>
        %add3A_83 = arith.addi %rem3A_70, %add3A_82 : vector<16xi32>
        %select_n3A_84 = arith.select %and3A_81, %add3A_83, %rem3A_70 : vector<16xi1>, vector<16xi32>
        tpu.vector_store_idx %arg7[%select_n3A, %select_n3A_84], %broadcast_in_dim3A_7 : memref<2048x8xf32, #tpu.memory_space<vmem>>[vector<16xi32>, vector<16xi32>], vector<16xf32>,
      }
      %scan3A_13 = arith.constant 1024 : i32
      %scan3A_14 = arith.constant 0 : i32
      %scan3A_15 = arith.constant 0 : i32
      %scan3A_16 = arith.constant 9 : i32
      %scan3A_17 = arith.addi %scan3A_15, %scan3A_16 : i32
      %scan3A_18 = arith.constant 1 : i32
      scf.for %scan3A_38 = %scan3A_15 to %scan3A_17 step %scan3A_18  : i32 {
        %mul3A_39 = arith.constant 1024 : i32
        %mul3A_40 = arith.muli %scan3A_38, %mul3A_39 : i32
        %add3A = arith.addi %mul3A_0, %mul3A_40 : i32
        %scan3A_41 = arith.constant 0 : i32
        %scan3A_42 = arith.constant 0 : i32
        %scan3A_43 = arith.constant 64 : i32
        %scan3A_44 = arith.addi %scan3A_42, %scan3A_43 : i32
        %scan3A_45 = arith.constant 1 : i32
        scf.for %scan3A_47 = %scan3A_42 to %scan3A_44 step %scan3A_45  : i32 {
          %mul3A_48 = arith.constant 16 : i32
          %mul3A_49 = arith.muli %scan3A_47, %mul3A_48 : i32
          %add3A_50 = vector.broadcast %mul3A_49 : i32 to vector<16xi32>
          %add3A_51 = arith.addi %add3A_50, %iota3A : vector<16xi32>
          %add3A_52 = vector.broadcast %add3A : i32 to vector<16xi32>
          %add3A_53 = arith.addi %add3A_52, %add3A_51 : vector<16xi32>
          tpu.vector_store_idx %arg11[%add3A_51], %add3A_53 : memref<1024xi32, #tpu.memory_space<vmem>>[vector<16xi32>], vector<16xi32>,
        }
        %scan3A_46 = arith.constant 64 : i32
        "tpu.region"() ({
          %run_scoped3A = tpu.sem_alloc : memref<!tpu.dma_semaphore, #tpu.memory_space<semaphore_mem>>
          %dma_start3A = arith.constant 0 : i32
          %dma_start3A_47 = arith.constant 0 : i32
          %dma_start3A_48 = tpu.memref_slice %arg7[%dma_start3A, %dma_start3A_47] : memref<2048x8xf32, #tpu.memory_space<vmem>> -> memref<1024x8xf32, #tpu.memory_space<vmem>>
          %dma_start3A_49 = arith.constant 0 : i32
          %dma_start3A_50 = arith.constant 0 : i32
          %dma_start3A_51 = tpu.memref_slice %arg5[%dma_start3A_49, %dma_start3A_50] : memref<147464x8xf32, #tpu.memory_space<vmem_shared>> -> memref<147464x8xf32, #tpu.memory_space<vmem_shared>>
          tpu.enqueue_indirect_dma source(%dma_start3A_48 : memref<1024x8xf32, #tpu.memory_space<vmem>>) target(%dma_start3A_51 : memref<147464x8xf32, #tpu.memory_space<vmem_shared>>) offsets(%arg11 : memref<1024xi32, #tpu.memory_space<vmem>>) semaphore(%run_scoped3A : memref<!tpu.dma_semaphore, #tpu.memory_space<semaphore_mem>>)
          %dma_wait3A_52 = arith.constant 0 : i32
          %dma_wait3A_53 = arith.constant 0 : i32
          %dma_wait3A_54 = tpu.memref_slice %arg7[%dma_wait3A_52, %dma_wait3A_53] : memref<2048x8xf32, #tpu.memory_space<vmem>> -> memref<1024x8xf32, #tpu.memory_space<vmem>>
          %dma_wait3A_55 = arith.constant 0 : i32
          %dma_wait3A_56 = arith.constant 0 : i32
          %dma_wait3A_57 = tpu.memref_slice %arg5[%dma_wait3A_55, %dma_wait3A_56] : memref<147464x8xf32, #tpu.memory_space<vmem_shared>> -> memref<147464x8xf32, #tpu.memory_space<vmem_shared>>
          tpu.wait_indirect_dma semaphore(%run_scoped3A : memref<!tpu.dma_semaphore, #tpu.memory_space<semaphore_mem>>) src(%dma_wait3A_54 : memref<1024x8xf32, #tpu.memory_space<vmem>>) dst(%dma_wait3A_57 : memref<147464x8xf32, #tpu.memory_space<vmem_shared>>)
          tpu.yield
        }) : () -> ()
      }
      %scan3A_19 = arith.constant 9 : i32
      %barrier3A = arith.constant 0 : index
      tpu.barrier barrier_id(%barrier3A)
      %scan3A_20 = arith.constant 0 : i32
      %scan3A_21 = arith.constant 0 : i32
      %scan3A_22 = arith.constant 9 : i32
      %scan3A_23 = arith.addi %scan3A_21, %scan3A_22 : i32
      %scan3A_24 = arith.constant 1 : i32
      scf.for %scan3A_38 = %scan3A_21 to %scan3A_23 step %scan3A_24  : i32 {
        %mul3A_39 = arith.constant 2 : i32
        %mul3A_40 = arith.muli %mul3A_39, %scan3A_38 : i32
        %eq3A = arith.constant 0 : i32
        %eq3A_41 = arith.cmpi eq, %scan3A_38, %eq3A : i32
        %mul3A_42 = arith.constant 18 : i32
        %mul3A_43 = arith.muli %arg1, %mul3A_42 : i32
        %add3A = arith.addi %mul3A_43, %mul3A_40 : i32
        %mul3A_44 = arith.constant 8 : i32
        %mul3A_45 = arith.muli %scan3A_6, %mul3A_44 : i32
        "tpu.region"() ({
          %run_scoped3A = tpu.sem_alloc : memref<!tpu.dma_semaphore, #tpu.memory_space<semaphore_mem>>
          %dma_start3A_81 = arith.constant 0 : i32
          %dma_start3A_82 = tpu.memref_slice %arg2[%arg0, %mul3A_45, %add3A, %dma_start3A_81] : memref<2x96x288x512xf32, #tpu.memory_space<hbm>> -> memref<1x8x1x512xf32, #tpu.memory_space<hbm>>
          %dma_start3A_83 = tpu.memref_squeeze %dma_start3A_82 : memref<1x8x1x512xf32, #tpu.memory_space<hbm>> -> memref<8x512xf32, #tpu.memory_space<hbm>>
          %dma_start3A_84 = arith.constant 0 : i32
          %dma_start3A_85 = tpu.memref_slice %arg2[%arg0, %mul3A_45, %add3A, %dma_start3A_84] : memref<2x96x288x512xf32, #tpu.memory_space<hbm>> -> memref<1x8x1x512xf32, #tpu.memory_space<hbm>>
          %dma_start3A_86 = tpu.memref_squeeze %dma_start3A_85 : memref<1x8x1x512xf32, #tpu.memory_space<hbm>> -> memref<8x512xf32, #tpu.memory_space<hbm>>
          tpu.enqueue_dma source(%dma_start3A_86 : memref<8x512xf32, #tpu.memory_space<hbm>>) target(%arg6 : memref<8x512xf32, #tpu.memory_space<vmem>>) target_semaphore(%run_scoped3A : memref<!tpu.dma_semaphore, #tpu.memory_space<semaphore_mem>>)
          %dma_wait3A_87 = arith.constant 0 : i32
          %dma_wait3A_88 = tpu.memref_slice %arg2[%arg0, %mul3A_45, %add3A, %dma_wait3A_87] : memref<2x96x288x512xf32, #tpu.memory_space<hbm>> -> memref<1x8x1x512xf32, #tpu.memory_space<hbm>>
          %dma_wait3A_89 = tpu.memref_squeeze %dma_wait3A_88 : memref<1x8x1x512xf32, #tpu.memory_space<hbm>> -> memref<8x512xf32, #tpu.memory_space<hbm>>
          %dma_wait3A_90 = arith.constant 0 : i32
          %dma_wait3A_91 = tpu.memref_slice %arg2[%arg0, %mul3A_45, %add3A, %dma_wait3A_90] : memref<2x96x288x512xf32, #tpu.memory_space<hbm>> -> memref<1x8x1x512xf32, #tpu.memory_space<hbm>>
          %dma_wait3A_92 = tpu.memref_squeeze %dma_wait3A_91 : memref<1x8x1x512xf32, #tpu.memory_space<hbm>> -> memref<8x512xf32, #tpu.memory_space<hbm>>
          tpu.wait_dma2 semaphore(%run_scoped3A : memref<!tpu.dma_semaphore, #tpu.memory_space<semaphore_mem>>) src(%dma_wait3A_92 : memref<8x512xf32, #tpu.memory_space<hbm>>) dst(%arg6 : memref<8x512xf32, #tpu.memory_space<vmem>>)
          tpu.yield
        }) : () -> ()
        "tpu.region"() ({
          %run_scoped3A = tpu.sem_alloc : memref<!tpu.dma_semaphore, #tpu.memory_space<semaphore_mem>>
          %dma_start3A_81 = arith.constant 0 : i32
          %dma_start3A_82 = arith.constant 0 : i32
          %dma_start3A_83 = tpu.memref_slice %arg3[%arg0, %dma_start3A_81, %add3A, %dma_start3A_82] : memref<2x2x288x512xf32, #tpu.memory_space<hbm>> -> memref<1x2x1x512xf32, #tpu.memory_space<hbm>>
          %dma_start3A_84 = tpu.memref_squeeze %dma_start3A_83 : memref<1x2x1x512xf32, #tpu.memory_space<hbm>> -> memref<2x512xf32, #tpu.memory_space<hbm>>
          %dma_start3A_85 = arith.constant 0 : i32
          %dma_start3A_86 = arith.constant 0 : i32
          %dma_start3A_87 = tpu.memref_slice %arg3[%arg0, %dma_start3A_85, %add3A, %dma_start3A_86] : memref<2x2x288x512xf32, #tpu.memory_space<hbm>> -> memref<1x2x1x512xf32, #tpu.memory_space<hbm>>
          %dma_start3A_88 = tpu.memref_squeeze %dma_start3A_87 : memref<1x2x1x512xf32, #tpu.memory_space<hbm>> -> memref<2x512xf32, #tpu.memory_space<hbm>>
          tpu.enqueue_dma source(%dma_start3A_88 : memref<2x512xf32, #tpu.memory_space<hbm>>) target(%arg12 : memref<2x512xf32, #tpu.memory_space<vmem>>) target_semaphore(%run_scoped3A : memref<!tpu.dma_semaphore, #tpu.memory_space<semaphore_mem>>)
          %dma_wait3A_89 = arith.constant 0 : i32
          %dma_wait3A_90 = arith.constant 0 : i32
          %dma_wait3A_91 = tpu.memref_slice %arg3[%arg0, %dma_wait3A_89, %add3A, %dma_wait3A_90] : memref<2x2x288x512xf32, #tpu.memory_space<hbm>> -> memref<1x2x1x512xf32, #tpu.memory_space<hbm>>
          %dma_wait3A_92 = tpu.memref_squeeze %dma_wait3A_91 : memref<1x2x1x512xf32, #tpu.memory_space<hbm>> -> memref<2x512xf32, #tpu.memory_space<hbm>>
          %dma_wait3A_93 = arith.constant 0 : i32
          %dma_wait3A_94 = arith.constant 0 : i32
          %dma_wait3A_95 = tpu.memref_slice %arg3[%arg0, %dma_wait3A_93, %add3A, %dma_wait3A_94] : memref<2x2x288x512xf32, #tpu.memory_space<hbm>> -> memref<1x2x1x512xf32, #tpu.memory_space<hbm>>
          %dma_wait3A_96 = tpu.memref_squeeze %dma_wait3A_95 : memref<1x2x1x512xf32, #tpu.memory_space<hbm>> -> memref<2x512xf32, #tpu.memory_space<hbm>>
          tpu.wait_dma2 semaphore(%run_scoped3A : memref<!tpu.dma_semaphore, #tpu.memory_space<semaphore_mem>>) src(%dma_wait3A_96 : memref<2x512xf32, #tpu.memory_space<hbm>>) dst(%arg12 : memref<2x512xf32, #tpu.memory_space<vmem>>)
          tpu.yield
        }) : () -> ()
        %not3A = arith.constant true
        %not3A_46 = arith.xori %eq3A_41, %not3A : i1
        %convert_element_type3A = arith.extui %not3A_46 : i1 to i32
        %cond3A = arith.constant 0 : i32
        %cond3A_47 = arith.cmpi ne, %convert_element_type3A, %cond3A : i32
        scf.if %cond3A_47 {
          %dma_wait3A_81 = arith.constant 0 : i32
          %dma_wait3A_82 = arith.constant 0 : i32
          %dma_wait3A_83 = tpu.memref_slice %arg5[%dma_wait3A_81, %dma_wait3A_82] : memref<147464x8xf32, #tpu.memory_space<vmem_shared>> -> memref<147464x8xf32, #tpu.memory_space<vmem_shared>>
          tpu.wait_indirect_dma semaphore(%arg14 : memref<!tpu.dma_semaphore, #tpu.memory_space<semaphore_mem>>) src(%arg7 : memref<2048x8xf32, #tpu.memory_space<vmem>>) dst(%dma_wait3A_83 : memref<147464x8xf32, #tpu.memory_space<vmem_shared>>)
        } else {
        }
        %scan3A_48 = arith.constant 0 : i32
        %scan3A_49 = arith.constant 0 : i32
        %scan3A_50 = arith.constant 32 : i32
        %scan3A_51 = arith.addi %scan3A_49, %scan3A_50 : i32
        %scan3A_52 = arith.constant 1 : i32
        scf.for %scan3A_81 = %scan3A_49 to %scan3A_51 step %scan3A_52  : i32 {
          %mul3A_82 = arith.constant 16 : i32
          %mul3A_83 = arith.muli %scan3A_81, %mul3A_82 : i32
          %get3A = arith.constant 0 : i32
          %get3A_84 = arith.index_cast %get3A : i32 to index
          %get3A_85 = arith.index_cast %mul3A_83 : i32 to index
          %get3A_86 = tpu.vector_load %arg12[%get3A_84, %get3A_85] {strides = array<i32>} : memref<2x512xf32, #tpu.memory_space<vmem>>, vector<16xf32>,
          %mul3A_87 = arith.constant 16 : i32
          %mul3A_88 = arith.muli %scan3A_81, %mul3A_87 : i32
          %get3A_89 = arith.constant 1 : i32
          %get3A_90 = arith.index_cast %get3A_89 : i32 to index
          %get3A_91 = arith.index_cast %mul3A_88 : i32 to index
          %get3A_92 = tpu.vector_load %arg12[%get3A_90, %get3A_91] {strides = array<i32>} : memref<2x512xf32, #tpu.memory_space<vmem>>, vector<16xf32>,
          %mul3A_93 = arith.constant 512 : i32
          %mul3A_94 = arith.muli %mul3A_40, %mul3A_93 : i32
          %add3A_95 = arith.addi %mul3A_0, %mul3A_94 : i32
          %mul3A_96 = arith.constant 16 : i32
          %mul3A_97 = arith.muli %scan3A_81, %mul3A_96 : i32
          %add3A_98 = arith.addi %add3A_95, %mul3A_97 : i32
          %add3A_99 = vector.broadcast %add3A_98 : i32 to vector<16xi32>
          %add3A_100 = arith.addi %add3A_99, %iota3A : vector<16xi32>
          %jit3A = arith.constant 384 : i32
          %eq3A_101 = arith.constant 0 : i32
          %eq3A_102 = arith.cmpi eq, %jit3A, %eq3A_101 : i32
          %jit3A_103 = arith.constant 1 : i32
          %select_n3A = arith.select %eq3A_102, %jit3A_103, %jit3A : i32
          %rem3A = vector.broadcast %select_n3A : i32 to vector<16xi32>
          %rem3A_104 = arith.remsi %add3A_100, %rem3A : vector<16xi32>
          %ne3A = arith.constant 0 : i32
          %ne3A_105 = vector.broadcast %ne3A : i32 to vector<16xi32>
          %ne3A_106 = arith.cmpi ne, %rem3A_104, %ne3A_105 : vector<16xi32>
          %lt3A = arith.constant 0 : i32
          %lt3A_107 = vector.broadcast %lt3A : i32 to vector<16xi32>
          %lt3A_108 = arith.cmpi slt, %rem3A_104, %lt3A_107 : vector<16xi32>
          %lt3A_109 = arith.constant 0 : i32
          %lt3A_110 = arith.cmpi slt, %select_n3A, %lt3A_109 : i32
          %ne3A_111 = vector.broadcast %lt3A_110 : i1 to vector<16xi1>
          %ne3A_112 = vector.broadcast %ne3A_111 : vector<16xi1> to vector<16xi1>
          %ne3A_113 = arith.xori %lt3A_108, %ne3A_112 : vector<16xi1>
          %and3A = arith.andi %ne3A_113, %ne3A_106 : vector<16xi1>
          %add3A_114 = vector.broadcast %select_n3A : i32 to vector<16xi32>
          %add3A_115 = arith.addi %rem3A_104, %add3A_114 : vector<16xi32>
          %select_n3A_116 = arith.select %and3A, %add3A_115, %rem3A_104 : vector<16xi1>, vector<16xi32>
          %convert_element_type3A_117 = arith.sitofp %select_n3A_116 : vector<16xi32> to vector<16xf32>
          %add3A_118 = arith.addf %convert_element_type3A_117, %get3A_86 : vector<16xf32>
          %jit3A_119 = arith.constant 384 : i32
          %div3A = vector.broadcast %jit3A_119 : i32 to vector<16xi32>
          %div3A_120 = arith.divsi %add3A_100, %div3A : vector<16xi32>
          %sign3A = arith.constant 0 : i32
          %sign3A_121 = vector.broadcast %sign3A : i32 to vector<16xi32>
          %sign3A_122 = arith.cmpi sgt, %add3A_100, %sign3A_121 : vector<16xi32>
          %sign3A_123 = arith.extui %sign3A_122 : vector<16xi1> to vector<16xi32>
          %sign3A_124 = arith.constant 0 : i32
          %sign3A_125 = vector.broadcast %sign3A_124 : i32 to vector<16xi32>
          %sign3A_126 = arith.cmpi slt, %add3A_100, %sign3A_125 : vector<16xi32>
          %sign3A_127 = arith.extui %sign3A_126 : vector<16xi1> to vector<16xi32>
          %sign3A_128 = arith.subi %sign3A_123, %sign3A_127 : vector<16xi32>
          %sign3A_129 = arith.constant 0 : i32
          %sign3A_130 = arith.cmpi sgt, %jit3A_119, %sign3A_129 : i32
          %sign3A_131 = arith.extui %sign3A_130 : i1 to i32
          %sign3A_132 = arith.constant 0 : i32
          %sign3A_133 = arith.cmpi slt, %jit3A_119, %sign3A_132 : i32
          %sign3A_134 = arith.extui %sign3A_133 : i1 to i32
          %sign3A_135 = arith.subi %sign3A_131, %sign3A_134 : i32
          %ne3A_136 = vector.broadcast %sign3A_135 : i32 to vector<16xi32>
          %ne3A_137 = arith.cmpi ne, %sign3A_128, %ne3A_136 : vector<16xi32>
          %rem3A_138 = vector.broadcast %jit3A_119 : i32 to vector<16xi32>
          %rem3A_139 = arith.remsi %add3A_100, %rem3A_138 : vector<16xi32>
          %ne3A_140 = arith.constant 0 : i32
          %ne3A_141 = vector.broadcast %ne3A_140 : i32 to vector<16xi32>
          %ne3A_142 = arith.cmpi ne, %rem3A_139, %ne3A_141 : vector<16xi32>
          %and3A_143 = arith.andi %ne3A_137, %ne3A_142 : vector<16xi1>
          %sub3A = arith.constant 1 : i32
          %sub3A_144 = vector.broadcast %sub3A : i32 to vector<16xi32>
          %sub3A_145 = arith.subi %div3A_120, %sub3A_144 : vector<16xi32>
          %select_n3A_146 = arith.select %and3A_143, %sub3A_145, %div3A_120 : vector<16xi1>, vector<16xi32>
          %convert_element_type3A_147 = arith.sitofp %select_n3A_146 : vector<16xi32> to vector<16xf32>
          %add3A_148 = arith.addf %convert_element_type3A_147, %get3A_92 : vector<16xf32>
          %convert_element_type3A_149 = arith.fptosi %add3A_118 : vector<16xf32> to vector<16xi32>
          %convert_element_type3A_150 = arith.sitofp %convert_element_type3A_149 : vector<16xi32> to vector<16xf32>
          %gt3A = arith.cmpf ogt, %convert_element_type3A_150, %add3A_118 : vector<16xf32>
          %jit3A_151 = arith.constant 1 : i32
          %jit3A_152 = arith.constant 0 : i32
          %broadcast_in_dim3A_153 = vector.broadcast %jit3A_151 : i32 to vector<16xi32>
          %broadcast_in_dim3A_154 = vector.broadcast %jit3A_152 : i32 to vector<16xi32>
          %select_n3A_155 = arith.select %gt3A, %broadcast_in_dim3A_153, %broadcast_in_dim3A_154 : vector<16xi1>, vector<16xi32>
          %sub3A_156 = arith.subi %convert_element_type3A_149, %select_n3A_155 : vector<16xi32>
          %convert_element_type3A_157 = arith.fptosi %add3A_148 : vector<16xf32> to vector<16xi32>
          %convert_element_type3A_158 = arith.sitofp %convert_element_type3A_157 : vector<16xi32> to vector<16xf32>
          %gt3A_159 = arith.cmpf ogt, %convert_element_type3A_158, %add3A_148 : vector<16xf32>
          %jit3A_160 = arith.constant 1 : i32
          %jit3A_161 = arith.constant 0 : i32
          %broadcast_in_dim3A_162 = vector.broadcast %jit3A_160 : i32 to vector<16xi32>
          %broadcast_in_dim3A_163 = vector.broadcast %jit3A_161 : i32 to vector<16xi32>
          %select_n3A_164 = arith.select %gt3A_159, %broadcast_in_dim3A_162, %broadcast_in_dim3A_163 : vector<16xi1>, vector<16xi32>
          %sub3A_165 = arith.subi %convert_element_type3A_157, %select_n3A_164 : vector<16xi32>
          %convert_element_type3A_166 = arith.sitofp %sub3A_156 : vector<16xi32> to vector<16xf32>
          %sub3A_167 = arith.subf %add3A_118, %convert_element_type3A_166 : vector<16xf32>
          %sub3A_168 = arith.constant 1.000000e+00 : f32
          %sub3A_169 = vector.broadcast %sub3A_168 : f32 to vector<16xf32>
          %sub3A_170 = arith.subf %sub3A_169, %sub3A_167 : vector<16xf32>
          %convert_element_type3A_171 = arith.sitofp %sub3A_165 : vector<16xi32> to vector<16xf32>
          %sub3A_172 = arith.subf %add3A_148, %convert_element_type3A_171 : vector<16xf32>
          %sub3A_173 = arith.constant 1.000000e+00 : f32
          %sub3A_174 = vector.broadcast %sub3A_173 : f32 to vector<16xf32>
          %sub3A_175 = arith.subf %sub3A_174, %sub3A_172 : vector<16xf32>
          %add3A_176 = arith.constant 1 : i32
          %add3A_177 = vector.broadcast %add3A_176 : i32 to vector<16xi32>
          %add3A_178 = arith.addi %sub3A_156, %add3A_177 : vector<16xi32>
          %add3A_179 = arith.constant 1 : i32
          %add3A_180 = vector.broadcast %add3A_179 : i32 to vector<16xi32>
          %add3A_181 = arith.addi %sub3A_165, %add3A_180 : vector<16xi32>
          %broadcast_in_dim3A_182 = arith.constant 0.000000e+00 : f32
          %broadcast_in_dim3A_183 = vector.broadcast %broadcast_in_dim3A_182 : f32 to vector<16xf32>
          %ge3A = arith.constant 0 : i32
          %ge3A_184 = vector.broadcast %ge3A : i32 to vector<16xi32>
          %ge3A_185 = arith.cmpi sge, %sub3A_156, %ge3A_184 : vector<16xi32>
          %lt3A_186 = arith.constant 384 : i32
          %lt3A_187 = vector.broadcast %lt3A_186 : i32 to vector<16xi32>
          %lt3A_188 = arith.cmpi slt, %sub3A_156, %lt3A_187 : vector<16xi32>
          %and3A_189 = arith.andi %ge3A_185, %lt3A_188 : vector<16xi1>
          %ge3A_190 = arith.constant 0 : i32
          %ge3A_191 = vector.broadcast %ge3A_190 : i32 to vector<16xi32>
          %ge3A_192 = arith.cmpi sge, %add3A_178, %ge3A_191 : vector<16xi32>
          %lt3A_193 = arith.constant 384 : i32
          %lt3A_194 = vector.broadcast %lt3A_193 : i32 to vector<16xi32>
          %lt3A_195 = arith.cmpi slt, %add3A_178, %lt3A_194 : vector<16xi32>
          %and3A_196 = arith.andi %ge3A_192, %lt3A_195 : vector<16xi1>
          %ge3A_197 = arith.constant 0 : i32
          %ge3A_198 = vector.broadcast %ge3A_197 : i32 to vector<16xi32>
          %ge3A_199 = arith.cmpi sge, %sub3A_165, %ge3A_198 : vector<16xi32>
          %lt3A_200 = arith.constant 384 : i32
          %lt3A_201 = vector.broadcast %lt3A_200 : i32 to vector<16xi32>
          %lt3A_202 = arith.cmpi slt, %sub3A_165, %lt3A_201 : vector<16xi32>
          %and3A_203 = arith.andi %ge3A_199, %lt3A_202 : vector<16xi1>
          %ge3A_204 = arith.constant 0 : i32
          %ge3A_205 = vector.broadcast %ge3A_204 : i32 to vector<16xi32>
          %ge3A_206 = arith.cmpi sge, %add3A_181, %ge3A_205 : vector<16xi32>
          %lt3A_207 = arith.constant 384 : i32
          %lt3A_208 = vector.broadcast %lt3A_207 : i32 to vector<16xi32>
          %lt3A_209 = arith.cmpi slt, %add3A_181, %lt3A_208 : vector<16xi32>
          %and3A_210 = arith.andi %ge3A_206, %lt3A_209 : vector<16xi1>
          %and3A_211 = arith.andi %and3A_189, %and3A_203 : vector<16xi1>
          %mul3A_212 = arith.mulf %sub3A_170, %sub3A_175 : vector<16xf32>
          %select_n3A_213 = arith.select %and3A_211, %mul3A_212, %broadcast_in_dim3A_183 : vector<16xi1>, vector<16xf32>
          %and3A_214 = arith.andi %and3A_196, %and3A_203 : vector<16xi1>
          %mul3A_215 = arith.mulf %sub3A_167, %sub3A_175 : vector<16xf32>
          %select_n3A_216 = arith.select %and3A_214, %mul3A_215, %broadcast_in_dim3A_183 : vector<16xi1>, vector<16xf32>
          %and3A_217 = arith.andi %and3A_189, %and3A_210 : vector<16xi1>
          %mul3A_218 = arith.mulf %sub3A_170, %sub3A_172 : vector<16xf32>
          %select_n3A_219 = arith.select %and3A_217, %mul3A_218, %broadcast_in_dim3A_183 : vector<16xi1>, vector<16xf32>
          %and3A_220 = arith.andi %and3A_196, %and3A_210 : vector<16xi1>
          %mul3A_221 = arith.mulf %sub3A_167, %sub3A_172 : vector<16xf32>
          %select_n3A_222 = arith.select %and3A_220, %mul3A_221, %broadcast_in_dim3A_183 : vector<16xi1>, vector<16xf32>
          %eq3A_223 = arith.constant -1 : i32
          %eq3A_224 = vector.broadcast %eq3A_223 : i32 to vector<16xi32>
          %eq3A_225 = arith.cmpi eq, %sub3A_156, %eq3A_224 : vector<16xi32>
          %select_n3A_226 = arith.select %eq3A_225, %select_n3A_216, %select_n3A_213 : vector<16xi1>, vector<16xf32>
          %select_n3A_227 = arith.select %eq3A_225, %broadcast_in_dim3A_183, %select_n3A_216 : vector<16xi1>, vector<16xf32>
          %select_n3A_228 = arith.select %eq3A_225, %select_n3A_222, %select_n3A_219 : vector<16xi1>, vector<16xf32>
          %select_n3A_229 = arith.select %eq3A_225, %broadcast_in_dim3A_183, %select_n3A_222 : vector<16xi1>, vector<16xf32>
          %jit3A_230 = arith.constant 0 : i32
          %jit3A_231 = arith.constant 383 : i32
          %max3A = vector.broadcast %jit3A_230 : i32 to vector<16xi32>
          %max3A_232 = arith.maxsi %max3A, %sub3A_156 : vector<16xi32>
          %min3A = vector.broadcast %jit3A_231 : i32 to vector<16xi32>
          %min3A_233 = arith.minsi %min3A, %max3A_232 : vector<16xi32>
          %jit3A_234 = arith.constant 0 : i32
          %jit3A_235 = arith.constant 383 : i32
          %max3A_236 = vector.broadcast %jit3A_234 : i32 to vector<16xi32>
          %max3A_237 = arith.maxsi %max3A_236, %sub3A_165 : vector<16xi32>
          %min3A_238 = vector.broadcast %jit3A_235 : i32 to vector<16xi32>
          %min3A_239 = arith.minsi %min3A_238, %max3A_237 : vector<16xi32>
          %mul3A_240 = arith.constant 384 : i32
          %mul3A_241 = vector.broadcast %mul3A_240 : i32 to vector<16xi32>
          %mul3A_242 = arith.muli %min3A_239, %mul3A_241 : vector<16xi32>
          %add3A_243 = arith.addi %mul3A_242, %min3A_233 : vector<16xi32>
          %jit3A_244 = arith.constant 0 : i32
          %jit3A_245 = arith.constant 383 : i32
          %max3A_246 = vector.broadcast %jit3A_244 : i32 to vector<16xi32>
          %max3A_247 = arith.maxsi %max3A_246, %add3A_181 : vector<16xi32>
          %min3A_248 = vector.broadcast %jit3A_245 : i32 to vector<16xi32>
          %min3A_249 = arith.minsi %min3A_248, %max3A_247 : vector<16xi32>
          %mul3A_250 = arith.constant 384 : i32
          %mul3A_251 = vector.broadcast %mul3A_250 : i32 to vector<16xi32>
          %mul3A_252 = arith.muli %min3A_249, %mul3A_251 : vector<16xi32>
          %add3A_253 = arith.addi %mul3A_252, %min3A_233 : vector<16xi32>
          %mul3A_254 = arith.constant 64 : i32
          %mul3A_255 = arith.muli %mul3A_254, %scan3A_81 : i32
          %mul3A_256 = arith.constant 4 : i32
          %mul3A_257 = vector.broadcast %mul3A_256 : i32 to vector<16xi32>
          %mul3A_258 = arith.muli %mul3A_257, %iota3A : vector<16xi32>
          %add3A_259 = vector.broadcast %mul3A_255 : i32 to vector<16xi32>
          %add3A_260 = arith.addi %add3A_259, %mul3A_258 : vector<16xi32>
          tpu.vector_store_idx %arg9[%add3A_260], %add3A_243 : memref<2048xi32, #tpu.memory_space<vmem>>[vector<16xi32>], vector<16xi32>,
          %add3A_261 = arith.constant 1 : i32
          %add3A_262 = vector.broadcast %add3A_261 : i32 to vector<16xi32>
          %add3A_263 = arith.addi %add3A_260, %add3A_262 : vector<16xi32>
          %add3A_264 = arith.constant 1 : i32
          %add3A_265 = vector.broadcast %add3A_264 : i32 to vector<16xi32>
          %add3A_266 = arith.addi %add3A_243, %add3A_265 : vector<16xi32>
          tpu.vector_store_idx %arg9[%add3A_263], %add3A_266 : memref<2048xi32, #tpu.memory_space<vmem>>[vector<16xi32>], vector<16xi32>,
          %add3A_267 = arith.constant 2 : i32
          %add3A_268 = vector.broadcast %add3A_267 : i32 to vector<16xi32>
          %add3A_269 = arith.addi %add3A_260, %add3A_268 : vector<16xi32>
          tpu.vector_store_idx %arg9[%add3A_269], %add3A_253 : memref<2048xi32, #tpu.memory_space<vmem>>[vector<16xi32>], vector<16xi32>,
          %add3A_270 = arith.constant 3 : i32
          %add3A_271 = vector.broadcast %add3A_270 : i32 to vector<16xi32>
          %add3A_272 = arith.addi %add3A_260, %add3A_271 : vector<16xi32>
          %add3A_273 = arith.constant 1 : i32
          %add3A_274 = vector.broadcast %add3A_273 : i32 to vector<16xi32>
          %add3A_275 = arith.addi %add3A_253, %add3A_274 : vector<16xi32>
          tpu.vector_store_idx %arg9[%add3A_272], %add3A_275 : memref<2048xi32, #tpu.memory_space<vmem>>[vector<16xi32>], vector<16xi32>,
          %mul3A_276 = arith.constant 64 : i32
          %mul3A_277 = arith.muli %mul3A_276, %scan3A_81 : i32
          %mul3A_278 = arith.constant 4 : i32
          %mul3A_279 = vector.broadcast %mul3A_278 : i32 to vector<16xi32>
          %mul3A_280 = arith.muli %mul3A_279, %iota3A : vector<16xi32>
          %add3A_281 = vector.broadcast %mul3A_277 : i32 to vector<16xi32>
          %add3A_282 = arith.addi %add3A_281, %mul3A_280 : vector<16xi32>
          %mul3A_283 = arith.constant 16 : i32
          %mul3A_284 = arith.muli %scan3A_81, %mul3A_283 : i32
          %get3A_285 = arith.constant 0 : i32
          %get3A_286 = arith.index_cast %get3A_285 : i32 to index
          %get3A_287 = arith.index_cast %mul3A_284 : i32 to index
          %get3A_288 = tpu.vector_load %arg6[%get3A_286, %get3A_287] {strides = array<i32>} : memref<8x512xf32, #tpu.memory_space<vmem>>, vector<16xf32>,
          %broadcast_in_dim3A_289 = arith.constant 0 : i32
          %broadcast_in_dim3A_290 = vector.broadcast %broadcast_in_dim3A_289 : i32 to vector<16xi32>
          %mul3A_291 = arith.mulf %select_n3A_226, %get3A_288 : vector<16xf32>
          tpu.vector_store_idx %arg7[%add3A_282, %broadcast_in_dim3A_290], %mul3A_291 : memref<2048x8xf32, #tpu.memory_space<vmem>>[vector<16xi32>, vector<16xi32>], vector<16xf32>,
          %add3A_292 = arith.constant 1 : i32
          %add3A_293 = vector.broadcast %add3A_292 : i32 to vector<16xi32>
          %add3A_294 = arith.addi %add3A_282, %add3A_293 : vector<16xi32>
          %mul3A_295 = arith.mulf %select_n3A_227, %get3A_288 : vector<16xf32>
          tpu.vector_store_idx %arg7[%add3A_294, %broadcast_in_dim3A_290], %mul3A_295 : memref<2048x8xf32, #tpu.memory_space<vmem>>[vector<16xi32>, vector<16xi32>], vector<16xf32>,
          %add3A_296 = arith.constant 2 : i32
          %add3A_297 = vector.broadcast %add3A_296 : i32 to vector<16xi32>
          %add3A_298 = arith.addi %add3A_282, %add3A_297 : vector<16xi32>
          %mul3A_299 = arith.mulf %select_n3A_228, %get3A_288 : vector<16xf32>
          tpu.vector_store_idx %arg7[%add3A_298, %broadcast_in_dim3A_290], %mul3A_299 : memref<2048x8xf32, #tpu.memory_space<vmem>>[vector<16xi32>, vector<16xi32>], vector<16xf32>,
          %add3A_300 = arith.constant 3 : i32
          %add3A_301 = vector.broadcast %add3A_300 : i32 to vector<16xi32>
          %add3A_302 = arith.addi %add3A_282, %add3A_301 : vector<16xi32>
          %mul3A_303 = arith.mulf %select_n3A_229, %get3A_288 : vector<16xf32>
          tpu.vector_store_idx %arg7[%add3A_302, %broadcast_in_dim3A_290], %mul3A_303 : memref<2048x8xf32, #tpu.memory_space<vmem>>[vector<16xi32>, vector<16xi32>], vector<16xf32>,
          %mul3A_304 = arith.constant 16 : i32
          %mul3A_305 = arith.muli %scan3A_81, %mul3A_304 : i32
          %get3A_306 = arith.constant 1 : i32
          %get3A_307 = arith.index_cast %get3A_306 : i32 to index
          %get3A_308 = arith.index_cast %mul3A_305 : i32 to index
          %get3A_309 = tpu.vector_load %arg6[%get3A_307, %get3A_308] {strides = array<i32>} : memref<8x512xf32, #tpu.memory_space<vmem>>, vector<16xf32>,
          %broadcast_in_dim3A_310 = arith.constant 1 : i32
          %broadcast_in_dim3A_311 = vector.broadcast %broadcast_in_dim3A_310 : i32 to vector<16xi32>
          %mul3A_312 = arith.mulf %select_n3A_226, %get3A_309 : vector<16xf32>
          tpu.vector_store_idx %arg7[%add3A_282, %broadcast_in_dim3A_311], %mul3A_312 : memref<2048x8xf32, #tpu.memory_space<vmem>>[vector<16xi32>, vector<16xi32>], vector<16xf32>,
          %add3A_313 = arith.constant 1 : i32
          %add3A_314 = vector.broadcast %add3A_313 : i32 to vector<16xi32>
          %add3A_315 = arith.addi %add3A_282, %add3A_314 : vector<16xi32>
          %mul3A_316 = arith.mulf %select_n3A_227, %get3A_309 : vector<16xf32>
          tpu.vector_store_idx %arg7[%add3A_315, %broadcast_in_dim3A_311], %mul3A_316 : memref<2048x8xf32, #tpu.memory_space<vmem>>[vector<16xi32>, vector<16xi32>], vector<16xf32>,
          %add3A_317 = arith.constant 2 : i32
          %add3A_318 = vector.broadcast %add3A_317 : i32 to vector<16xi32>
          %add3A_319 = arith.addi %add3A_282, %add3A_318 : vector<16xi32>
          %mul3A_320 = arith.mulf %select_n3A_228, %get3A_309 : vector<16xf32>
          tpu.vector_store_idx %arg7[%add3A_319, %broadcast_in_dim3A_311], %mul3A_320 : memref<2048x8xf32, #tpu.memory_space<vmem>>[vector<16xi32>, vector<16xi32>], vector<16xf32>,
          %add3A_321 = arith.constant 3 : i32
          %add3A_322 = vector.broadcast %add3A_321 : i32 to vector<16xi32>
          %add3A_323 = arith.addi %add3A_282, %add3A_322 : vector<16xi32>
          %mul3A_324 = arith.mulf %select_n3A_229, %get3A_309 : vector<16xf32>
          tpu.vector_store_idx %arg7[%add3A_323, %broadcast_in_dim3A_311], %mul3A_324 : memref<2048x8xf32, #tpu.memory_space<vmem>>[vector<16xi32>, vector<16xi32>], vector<16xf32>,
          %mul3A_325 = arith.constant 16 : i32
          %mul3A_326 = arith.muli %scan3A_81, %mul3A_325 : i32
          %get3A_327 = arith.constant 2 : i32
          %get3A_328 = arith.index_cast %get3A_327 : i32 to index
          %get3A_329 = arith.index_cast %mul3A_326 : i32 to index
          %get3A_330 = tpu.vector_load %arg6[%get3A_328, %get3A_329] {strides = array<i32>} : memref<8x512xf32, #tpu.memory_space<vmem>>, vector<16xf32>,
          %broadcast_in_dim3A_331 = arith.constant 2 : i32
          %broadcast_in_dim3A_332 = vector.broadcast %broadcast_in_dim3A_331 : i32 to vector<16xi32>
          %mul3A_333 = arith.mulf %select_n3A_226, %get3A_330 : vector<16xf32>
          tpu.vector_store_idx %arg7[%add3A_282, %broadcast_in_dim3A_332], %mul3A_333 : memref<2048x8xf32, #tpu.memory_space<vmem>>[vector<16xi32>, vector<16xi32>], vector<16xf32>,
          %add3A_334 = arith.constant 1 : i32
          %add3A_335 = vector.broadcast %add3A_334 : i32 to vector<16xi32>
          %add3A_336 = arith.addi %add3A_282, %add3A_335 : vector<16xi32>
          %mul3A_337 = arith.mulf %select_n3A_227, %get3A_330 : vector<16xf32>
          tpu.vector_store_idx %arg7[%add3A_336, %broadcast_in_dim3A_332], %mul3A_337 : memref<2048x8xf32, #tpu.memory_space<vmem>>[vector<16xi32>, vector<16xi32>], vector<16xf32>,
          %add3A_338 = arith.constant 2 : i32
          %add3A_339 = vector.broadcast %add3A_338 : i32 to vector<16xi32>
          %add3A_340 = arith.addi %add3A_282, %add3A_339 : vector<16xi32>
          %mul3A_341 = arith.mulf %select_n3A_228, %get3A_330 : vector<16xf32>
          tpu.vector_store_idx %arg7[%add3A_340, %broadcast_in_dim3A_332], %mul3A_341 : memref<2048x8xf32, #tpu.memory_space<vmem>>[vector<16xi32>, vector<16xi32>], vector<16xf32>,
          %add3A_342 = arith.constant 3 : i32
          %add3A_343 = vector.broadcast %add3A_342 : i32 to vector<16xi32>
          %add3A_344 = arith.addi %add3A_282, %add3A_343 : vector<16xi32>
          %mul3A_345 = arith.mulf %select_n3A_229, %get3A_330 : vector<16xf32>
          tpu.vector_store_idx %arg7[%add3A_344, %broadcast_in_dim3A_332], %mul3A_345 : memref<2048x8xf32, #tpu.memory_space<vmem>>[vector<16xi32>, vector<16xi32>], vector<16xf32>,
          %mul3A_346 = arith.constant 16 : i32
          %mul3A_347 = arith.muli %scan3A_81, %mul3A_346 : i32
          %get3A_348 = arith.constant 3 : i32
          %get3A_349 = arith.index_cast %get3A_348 : i32 to index
          %get3A_350 = arith.index_cast %mul3A_347 : i32 to index
          %get3A_351 = tpu.vector_load %arg6[%get3A_349, %get3A_350] {strides = array<i32>} : memref<8x512xf32, #tpu.memory_space<vmem>>, vector<16xf32>,
          %broadcast_in_dim3A_352 = arith.constant 3 : i32
          %broadcast_in_dim3A_353 = vector.broadcast %broadcast_in_dim3A_352 : i32 to vector<16xi32>
          %mul3A_354 = arith.mulf %select_n3A_226, %get3A_351 : vector<16xf32>
          tpu.vector_store_idx %arg7[%add3A_282, %broadcast_in_dim3A_353], %mul3A_354 : memref<2048x8xf32, #tpu.memory_space<vmem>>[vector<16xi32>, vector<16xi32>], vector<16xf32>,
          %add3A_355 = arith.constant 1 : i32
          %add3A_356 = vector.broadcast %add3A_355 : i32 to vector<16xi32>
          %add3A_357 = arith.addi %add3A_282, %add3A_356 : vector<16xi32>
          %mul3A_358 = arith.mulf %select_n3A_227, %get3A_351 : vector<16xf32>
          tpu.vector_store_idx %arg7[%add3A_357, %broadcast_in_dim3A_353], %mul3A_358 : memref<2048x8xf32, #tpu.memory_space<vmem>>[vector<16xi32>, vector<16xi32>], vector<16xf32>,
          %add3A_359 = arith.constant 2 : i32
          %add3A_360 = vector.broadcast %add3A_359 : i32 to vector<16xi32>
          %add3A_361 = arith.addi %add3A_282, %add3A_360 : vector<16xi32>
          %mul3A_362 = arith.mulf %select_n3A_228, %get3A_351 : vector<16xf32>
          tpu.vector_store_idx %arg7[%add3A_361, %broadcast_in_dim3A_353], %mul3A_362 : memref<2048x8xf32, #tpu.memory_space<vmem>>[vector<16xi32>, vector<16xi32>], vector<16xf32>,
          %add3A_363 = arith.constant 3 : i32
          %add3A_364 = vector.broadcast %add3A_363 : i32 to vector<16xi32>
          %add3A_365 = arith.addi %add3A_282, %add3A_364 : vector<16xi32>
          %mul3A_366 = arith.mulf %select_n3A_229, %get3A_351 : vector<16xf32>
          tpu.vector_store_idx %arg7[%add3A_365, %broadcast_in_dim3A_353], %mul3A_366 : memref<2048x8xf32, #tpu.memory_space<vmem>>[vector<16xi32>, vector<16xi32>], vector<16xf32>,
          %mul3A_367 = arith.constant 16 : i32
          %mul3A_368 = arith.muli %scan3A_81, %mul3A_367 : i32
          %get3A_369 = arith.constant 4 : i32
          %get3A_370 = arith.index_cast %get3A_369 : i32 to index
          %get3A_371 = arith.index_cast %mul3A_368 : i32 to index
          %get3A_372 = tpu.vector_load %arg6[%get3A_370, %get3A_371] {strides = array<i32>} : memref<8x512xf32, #tpu.memory_space<vmem>>, vector<16xf32>,
          %broadcast_in_dim3A_373 = arith.constant 4 : i32
          %broadcast_in_dim3A_374 = vector.broadcast %broadcast_in_dim3A_373 : i32 to vector<16xi32>
          %mul3A_375 = arith.mulf %select_n3A_226, %get3A_372 : vector<16xf32>
          tpu.vector_store_idx %arg7[%add3A_282, %broadcast_in_dim3A_374], %mul3A_375 : memref<2048x8xf32, #tpu.memory_space<vmem>>[vector<16xi32>, vector<16xi32>], vector<16xf32>,
          %add3A_376 = arith.constant 1 : i32
          %add3A_377 = vector.broadcast %add3A_376 : i32 to vector<16xi32>
          %add3A_378 = arith.addi %add3A_282, %add3A_377 : vector<16xi32>
          %mul3A_379 = arith.mulf %select_n3A_227, %get3A_372 : vector<16xf32>
          tpu.vector_store_idx %arg7[%add3A_378, %broadcast_in_dim3A_374], %mul3A_379 : memref<2048x8xf32, #tpu.memory_space<vmem>>[vector<16xi32>, vector<16xi32>], vector<16xf32>,
          %add3A_380 = arith.constant 2 : i32
          %add3A_381 = vector.broadcast %add3A_380 : i32 to vector<16xi32>
          %add3A_382 = arith.addi %add3A_282, %add3A_381 : vector<16xi32>
          %mul3A_383 = arith.mulf %select_n3A_228, %get3A_372 : vector<16xf32>
          tpu.vector_store_idx %arg7[%add3A_382, %broadcast_in_dim3A_374], %mul3A_383 : memref<2048x8xf32, #tpu.memory_space<vmem>>[vector<16xi32>, vector<16xi32>], vector<16xf32>,
          %add3A_384 = arith.constant 3 : i32
          %add3A_385 = vector.broadcast %add3A_384 : i32 to vector<16xi32>
          %add3A_386 = arith.addi %add3A_282, %add3A_385 : vector<16xi32>
          %mul3A_387 = arith.mulf %select_n3A_229, %get3A_372 : vector<16xf32>
          tpu.vector_store_idx %arg7[%add3A_386, %broadcast_in_dim3A_374], %mul3A_387 : memref<2048x8xf32, #tpu.memory_space<vmem>>[vector<16xi32>, vector<16xi32>], vector<16xf32>,
          %mul3A_388 = arith.constant 16 : i32
          %mul3A_389 = arith.muli %scan3A_81, %mul3A_388 : i32
          %get3A_390 = arith.constant 5 : i32
          %get3A_391 = arith.index_cast %get3A_390 : i32 to index
          %get3A_392 = arith.index_cast %mul3A_389 : i32 to index
          %get3A_393 = tpu.vector_load %arg6[%get3A_391, %get3A_392] {strides = array<i32>} : memref<8x512xf32, #tpu.memory_space<vmem>>, vector<16xf32>,
          %broadcast_in_dim3A_394 = arith.constant 5 : i32
          %broadcast_in_dim3A_395 = vector.broadcast %broadcast_in_dim3A_394 : i32 to vector<16xi32>
          %mul3A_396 = arith.mulf %select_n3A_226, %get3A_393 : vector<16xf32>
          tpu.vector_store_idx %arg7[%add3A_282, %broadcast_in_dim3A_395], %mul3A_396 : memref<2048x8xf32, #tpu.memory_space<vmem>>[vector<16xi32>, vector<16xi32>], vector<16xf32>,
          %add3A_397 = arith.constant 1 : i32
          %add3A_398 = vector.broadcast %add3A_397 : i32 to vector<16xi32>
          %add3A_399 = arith.addi %add3A_282, %add3A_398 : vector<16xi32>
          %mul3A_400 = arith.mulf %select_n3A_227, %get3A_393 : vector<16xf32>
          tpu.vector_store_idx %arg7[%add3A_399, %broadcast_in_dim3A_395], %mul3A_400 : memref<2048x8xf32, #tpu.memory_space<vmem>>[vector<16xi32>, vector<16xi32>], vector<16xf32>,
          %add3A_401 = arith.constant 2 : i32
          %add3A_402 = vector.broadcast %add3A_401 : i32 to vector<16xi32>
          %add3A_403 = arith.addi %add3A_282, %add3A_402 : vector<16xi32>
          %mul3A_404 = arith.mulf %select_n3A_228, %get3A_393 : vector<16xf32>
          tpu.vector_store_idx %arg7[%add3A_403, %broadcast_in_dim3A_395], %mul3A_404 : memref<2048x8xf32, #tpu.memory_space<vmem>>[vector<16xi32>, vector<16xi32>], vector<16xf32>,
          %add3A_405 = arith.constant 3 : i32
          %add3A_406 = vector.broadcast %add3A_405 : i32 to vector<16xi32>
          %add3A_407 = arith.addi %add3A_282, %add3A_406 : vector<16xi32>
          %mul3A_408 = arith.mulf %select_n3A_229, %get3A_393 : vector<16xf32>
          tpu.vector_store_idx %arg7[%add3A_407, %broadcast_in_dim3A_395], %mul3A_408 : memref<2048x8xf32, #tpu.memory_space<vmem>>[vector<16xi32>, vector<16xi32>], vector<16xf32>,
          %mul3A_409 = arith.constant 16 : i32
          %mul3A_410 = arith.muli %scan3A_81, %mul3A_409 : i32
          %get3A_411 = arith.constant 6 : i32
          %get3A_412 = arith.index_cast %get3A_411 : i32 to index
          %get3A_413 = arith.index_cast %mul3A_410 : i32 to index
          %get3A_414 = tpu.vector_load %arg6[%get3A_412, %get3A_413] {strides = array<i32>} : memref<8x512xf32, #tpu.memory_space<vmem>>, vector<16xf32>,
          %broadcast_in_dim3A_415 = arith.constant 6 : i32
          %broadcast_in_dim3A_416 = vector.broadcast %broadcast_in_dim3A_415 : i32 to vector<16xi32>
          %mul3A_417 = arith.mulf %select_n3A_226, %get3A_414 : vector<16xf32>
          tpu.vector_store_idx %arg7[%add3A_282, %broadcast_in_dim3A_416], %mul3A_417 : memref<2048x8xf32, #tpu.memory_space<vmem>>[vector<16xi32>, vector<16xi32>], vector<16xf32>,
          %add3A_418 = arith.constant 1 : i32
          %add3A_419 = vector.broadcast %add3A_418 : i32 to vector<16xi32>
          %add3A_420 = arith.addi %add3A_282, %add3A_419 : vector<16xi32>
          %mul3A_421 = arith.mulf %select_n3A_227, %get3A_414 : vector<16xf32>
          tpu.vector_store_idx %arg7[%add3A_420, %broadcast_in_dim3A_416], %mul3A_421 : memref<2048x8xf32, #tpu.memory_space<vmem>>[vector<16xi32>, vector<16xi32>], vector<16xf32>,
          %add3A_422 = arith.constant 2 : i32
          %add3A_423 = vector.broadcast %add3A_422 : i32 to vector<16xi32>
          %add3A_424 = arith.addi %add3A_282, %add3A_423 : vector<16xi32>
          %mul3A_425 = arith.mulf %select_n3A_228, %get3A_414 : vector<16xf32>
          tpu.vector_store_idx %arg7[%add3A_424, %broadcast_in_dim3A_416], %mul3A_425 : memref<2048x8xf32, #tpu.memory_space<vmem>>[vector<16xi32>, vector<16xi32>], vector<16xf32>,
          %add3A_426 = arith.constant 3 : i32
          %add3A_427 = vector.broadcast %add3A_426 : i32 to vector<16xi32>
          %add3A_428 = arith.addi %add3A_282, %add3A_427 : vector<16xi32>
          %mul3A_429 = arith.mulf %select_n3A_229, %get3A_414 : vector<16xf32>
          tpu.vector_store_idx %arg7[%add3A_428, %broadcast_in_dim3A_416], %mul3A_429 : memref<2048x8xf32, #tpu.memory_space<vmem>>[vector<16xi32>, vector<16xi32>], vector<16xf32>,
          %mul3A_430 = arith.constant 16 : i32
          %mul3A_431 = arith.muli %scan3A_81, %mul3A_430 : i32
          %get3A_432 = arith.constant 7 : i32
          %get3A_433 = arith.index_cast %get3A_432 : i32 to index
          %get3A_434 = arith.index_cast %mul3A_431 : i32 to index
          %get3A_435 = tpu.vector_load %arg6[%get3A_433, %get3A_434] {strides = array<i32>} : memref<8x512xf32, #tpu.memory_space<vmem>>, vector<16xf32>,
          %broadcast_in_dim3A_436 = arith.constant 7 : i32
          %broadcast_in_dim3A_437 = vector.broadcast %broadcast_in_dim3A_436 : i32 to vector<16xi32>
          %mul3A_438 = arith.mulf %select_n3A_226, %get3A_435 : vector<16xf32>
          tpu.vector_store_idx %arg7[%add3A_282, %broadcast_in_dim3A_437], %mul3A_438 : memref<2048x8xf32, #tpu.memory_space<vmem>>[vector<16xi32>, vector<16xi32>], vector<16xf32>,
          %add3A_439 = arith.constant 1 : i32
          %add3A_440 = vector.broadcast %add3A_439 : i32 to vector<16xi32>
          %add3A_441 = arith.addi %add3A_282, %add3A_440 : vector<16xi32>
          %mul3A_442 = arith.mulf %select_n3A_227, %get3A_435 : vector<16xf32>
          tpu.vector_store_idx %arg7[%add3A_441, %broadcast_in_dim3A_437], %mul3A_442 : memref<2048x8xf32, #tpu.memory_space<vmem>>[vector<16xi32>, vector<16xi32>], vector<16xf32>,
          %add3A_443 = arith.constant 2 : i32
          %add3A_444 = vector.broadcast %add3A_443 : i32 to vector<16xi32>
          %add3A_445 = arith.addi %add3A_282, %add3A_444 : vector<16xi32>
          %mul3A_446 = arith.mulf %select_n3A_228, %get3A_435 : vector<16xf32>
          tpu.vector_store_idx %arg7[%add3A_445, %broadcast_in_dim3A_437], %mul3A_446 : memref<2048x8xf32, #tpu.memory_space<vmem>>[vector<16xi32>, vector<16xi32>], vector<16xf32>,
          %add3A_447 = arith.constant 3 : i32
          %add3A_448 = vector.broadcast %add3A_447 : i32 to vector<16xi32>
          %add3A_449 = arith.addi %add3A_282, %add3A_448 : vector<16xi32>
          %mul3A_450 = arith.mulf %select_n3A_229, %get3A_435 : vector<16xf32>
          tpu.vector_store_idx %arg7[%add3A_449, %broadcast_in_dim3A_437], %mul3A_450 : memref<2048x8xf32, #tpu.memory_space<vmem>>[vector<16xi32>, vector<16xi32>], vector<16xf32>,
        }
        %scan3A_53 = arith.constant 32 : i32
        %dma_start3A = arith.constant 0 : i32
        %dma_start3A_54 = arith.constant 0 : i32
        %dma_start3A_55 = tpu.memref_slice %arg5[%dma_start3A, %dma_start3A_54] : memref<147464x8xf32, #tpu.memory_space<vmem_shared>> -> memref<147464x8xf32, #tpu.memory_space<vmem_shared>>
        tpu.enqueue_indirect_dma source(%arg7 : memref<2048x8xf32, #tpu.memory_space<vmem>>) target(%dma_start3A_55 : memref<147464x8xf32, #tpu.memory_space<vmem_shared>>) offsets(%arg9 : memref<2048xi32, #tpu.memory_space<vmem>>) semaphore(%arg14 : memref<!tpu.dma_semaphore, #tpu.memory_space<semaphore_mem>>) {add = true}
        %mul3A_56 = arith.constant 2 : i32
        %mul3A_57 = arith.muli %mul3A_56, %scan3A_38 : i32
        %add3A_58 = arith.constant 1 : i32
        %add3A_59 = arith.addi %mul3A_57, %add3A_58 : i32
        %eq3A_60 = arith.constant 0 : i32
        %eq3A_61 = arith.cmpi eq, %scan3A_38, %eq3A_60 : i32
        %mul3A_62 = arith.constant 18 : i32
        %mul3A_63 = arith.muli %arg1, %mul3A_62 : i32
        %add3A_64 = arith.addi %mul3A_63, %add3A_59 : i32
        %mul3A_65 = arith.constant 8 : i32
        %mul3A_66 = arith.muli %scan3A_6, %mul3A_65 : i32
        "tpu.region"() ({
          %run_scoped3A = tpu.sem_alloc : memref<!tpu.dma_semaphore, #tpu.memory_space<semaphore_mem>>
          %dma_start3A_81 = arith.constant 0 : i32
          %dma_start3A_82 = tpu.memref_slice %arg2[%arg0, %mul3A_66, %add3A_64, %dma_start3A_81] : memref<2x96x288x512xf32, #tpu.memory_space<hbm>> -> memref<1x8x1x512xf32, #tpu.memory_space<hbm>>
          %dma_start3A_83 = tpu.memref_squeeze %dma_start3A_82 : memref<1x8x1x512xf32, #tpu.memory_space<hbm>> -> memref<8x512xf32, #tpu.memory_space<hbm>>
          %dma_start3A_84 = arith.constant 0 : i32
          %dma_start3A_85 = tpu.memref_slice %arg2[%arg0, %mul3A_66, %add3A_64, %dma_start3A_84] : memref<2x96x288x512xf32, #tpu.memory_space<hbm>> -> memref<1x8x1x512xf32, #tpu.memory_space<hbm>>
          %dma_start3A_86 = tpu.memref_squeeze %dma_start3A_85 : memref<1x8x1x512xf32, #tpu.memory_space<hbm>> -> memref<8x512xf32, #tpu.memory_space<hbm>>
          tpu.enqueue_dma source(%dma_start3A_86 : memref<8x512xf32, #tpu.memory_space<hbm>>) target(%arg6 : memref<8x512xf32, #tpu.memory_space<vmem>>) target_semaphore(%run_scoped3A : memref<!tpu.dma_semaphore, #tpu.memory_space<semaphore_mem>>)
          %dma_wait3A_87 = arith.constant 0 : i32
          %dma_wait3A_88 = tpu.memref_slice %arg2[%arg0, %mul3A_66, %add3A_64, %dma_wait3A_87] : memref<2x96x288x512xf32, #tpu.memory_space<hbm>> -> memref<1x8x1x512xf32, #tpu.memory_space<hbm>>
          %dma_wait3A_89 = tpu.memref_squeeze %dma_wait3A_88 : memref<1x8x1x512xf32, #tpu.memory_space<hbm>> -> memref<8x512xf32, #tpu.memory_space<hbm>>
          %dma_wait3A_90 = arith.constant 0 : i32
          %dma_wait3A_91 = tpu.memref_slice %arg2[%arg0, %mul3A_66, %add3A_64, %dma_wait3A_90] : memref<2x96x288x512xf32, #tpu.memory_space<hbm>> -> memref<1x8x1x512xf32, #tpu.memory_space<hbm>>
          %dma_wait3A_92 = tpu.memref_squeeze %dma_wait3A_91 : memref<1x8x1x512xf32, #tpu.memory_space<hbm>> -> memref<8x512xf32, #tpu.memory_space<hbm>>
          tpu.wait_dma2 semaphore(%run_scoped3A : memref<!tpu.dma_semaphore, #tpu.memory_space<semaphore_mem>>) src(%dma_wait3A_92 : memref<8x512xf32, #tpu.memory_space<hbm>>) dst(%arg6 : memref<8x512xf32, #tpu.memory_space<vmem>>)
          tpu.yield
        }) : () -> ()
        "tpu.region"() ({
          %run_scoped3A = tpu.sem_alloc : memref<!tpu.dma_semaphore, #tpu.memory_space<semaphore_mem>>
          %dma_start3A_81 = arith.constant 0 : i32
          %dma_start3A_82 = arith.constant 0 : i32
          %dma_start3A_83 = tpu.memref_slice %arg3[%arg0, %dma_start3A_81, %add3A_64, %dma_start3A_82] : memref<2x2x288x512xf32, #tpu.memory_space<hbm>> -> memref<1x2x1x512xf32, #tpu.memory_space<hbm>>
          %dma_start3A_84 = tpu.memref_squeeze %dma_start3A_83 : memref<1x2x1x512xf32, #tpu.memory_space<hbm>> -> memref<2x512xf32, #tpu.memory_space<hbm>>
          %dma_start3A_85 = arith.constant 0 : i32
          %dma_start3A_86 = arith.constant 0 : i32
          %dma_start3A_87 = tpu.memref_slice %arg3[%arg0, %dma_start3A_85, %add3A_64, %dma_start3A_86] : memref<2x2x288x512xf32, #tpu.memory_space<hbm>> -> memref<1x2x1x512xf32, #tpu.memory_space<hbm>>
          %dma_start3A_88 = tpu.memref_squeeze %dma_start3A_87 : memref<1x2x1x512xf32, #tpu.memory_space<hbm>> -> memref<2x512xf32, #tpu.memory_space<hbm>>
          tpu.enqueue_dma source(%dma_start3A_88 : memref<2x512xf32, #tpu.memory_space<hbm>>) target(%arg12 : memref<2x512xf32, #tpu.memory_space<vmem>>) target_semaphore(%run_scoped3A : memref<!tpu.dma_semaphore, #tpu.memory_space<semaphore_mem>>)
          %dma_wait3A_89 = arith.constant 0 : i32
          %dma_wait3A_90 = arith.constant 0 : i32
          %dma_wait3A_91 = tpu.memref_slice %arg3[%arg0, %dma_wait3A_89, %add3A_64, %dma_wait3A_90] : memref<2x2x288x512xf32, #tpu.memory_space<hbm>> -> memref<1x2x1x512xf32, #tpu.memory_space<hbm>>
          %dma_wait3A_92 = tpu.memref_squeeze %dma_wait3A_91 : memref<1x2x1x512xf32, #tpu.memory_space<hbm>> -> memref<2x512xf32, #tpu.memory_space<hbm>>
          %dma_wait3A_93 = arith.constant 0 : i32
          %dma_wait3A_94 = arith.constant 0 : i32
          %dma_wait3A_95 = tpu.memref_slice %arg3[%arg0, %dma_wait3A_93, %add3A_64, %dma_wait3A_94] : memref<2x2x288x512xf32, #tpu.memory_space<hbm>> -> memref<1x2x1x512xf32, #tpu.memory_space<hbm>>
          %dma_wait3A_96 = tpu.memref_squeeze %dma_wait3A_95 : memref<1x2x1x512xf32, #tpu.memory_space<hbm>> -> memref<2x512xf32, #tpu.memory_space<hbm>>
          tpu.wait_dma2 semaphore(%run_scoped3A : memref<!tpu.dma_semaphore, #tpu.memory_space<semaphore_mem>>) src(%dma_wait3A_96 : memref<2x512xf32, #tpu.memory_space<hbm>>) dst(%arg12 : memref<2x512xf32, #tpu.memory_space<vmem>>)
          tpu.yield
        }) : () -> ()
        %not3A_67 = arith.constant true
        %not3A_68 = arith.xori %eq3A_61, %not3A_67 : i1
        %convert_element_type3A_69 = arith.extui %not3A_68 : i1 to i32
        %cond3A_70 = arith.constant 0 : i32
        %cond3A_71 = arith.cmpi ne, %convert_element_type3A_69, %cond3A_70 : i32
        scf.if %cond3A_71 {
          %dma_wait3A_81 = arith.constant 0 : i32
          %dma_wait3A_82 = arith.constant 0 : i32
          %dma_wait3A_83 = tpu.memref_slice %arg5[%dma_wait3A_81, %dma_wait3A_82] : memref<147464x8xf32, #tpu.memory_space<vmem_shared>> -> memref<147464x8xf32, #tpu.memory_space<vmem_shared>>
          tpu.wait_indirect_dma semaphore(%arg15 : memref<!tpu.dma_semaphore, #tpu.memory_space<semaphore_mem>>) src(%arg8 : memref<2048x8xf32, #tpu.memory_space<vmem>>) dst(%dma_wait3A_83 : memref<147464x8xf32, #tpu.memory_space<vmem_shared>>)
        } else {
        }
        %scan3A_72 = arith.constant 0 : i32
        %scan3A_73 = arith.constant 0 : i32
        %scan3A_74 = arith.constant 32 : i32
        %scan3A_75 = arith.addi %scan3A_73, %scan3A_74 : i32
        %scan3A_76 = arith.constant 1 : i32
        scf.for %scan3A_81 = %scan3A_73 to %scan3A_75 step %scan3A_76  : i32 {
          %mul3A_82 = arith.constant 16 : i32
          %mul3A_83 = arith.muli %scan3A_81, %mul3A_82 : i32
          %get3A = arith.constant 0 : i32
          %get3A_84 = arith.index_cast %get3A : i32 to index
          %get3A_85 = arith.index_cast %mul3A_83 : i32 to index
          %get3A_86 = tpu.vector_load %arg12[%get3A_84, %get3A_85] {strides = array<i32>} : memref<2x512xf32, #tpu.memory_space<vmem>>, vector<16xf32>,
          %mul3A_87 = arith.constant 16 : i32
          %mul3A_88 = arith.muli %scan3A_81, %mul3A_87 : i32
          %get3A_89 = arith.constant 1 : i32
          %get3A_90 = arith.index_cast %get3A_89 : i32 to index
          %get3A_91 = arith.index_cast %mul3A_88 : i32 to index
          %get3A_92 = tpu.vector_load %arg12[%get3A_90, %get3A_91] {strides = array<i32>} : memref<2x512xf32, #tpu.memory_space<vmem>>, vector<16xf32>,
          %mul3A_93 = arith.constant 512 : i32
          %mul3A_94 = arith.muli %add3A_59, %mul3A_93 : i32
          %add3A_95 = arith.addi %mul3A_0, %mul3A_94 : i32
          %mul3A_96 = arith.constant 16 : i32
          %mul3A_97 = arith.muli %scan3A_81, %mul3A_96 : i32
          %add3A_98 = arith.addi %add3A_95, %mul3A_97 : i32
          %add3A_99 = vector.broadcast %add3A_98 : i32 to vector<16xi32>
          %add3A_100 = arith.addi %add3A_99, %iota3A : vector<16xi32>
          %jit3A = arith.constant 384 : i32
          %eq3A_101 = arith.constant 0 : i32
          %eq3A_102 = arith.cmpi eq, %jit3A, %eq3A_101 : i32
          %jit3A_103 = arith.constant 1 : i32
          %select_n3A = arith.select %eq3A_102, %jit3A_103, %jit3A : i32
          %rem3A = vector.broadcast %select_n3A : i32 to vector<16xi32>
          %rem3A_104 = arith.remsi %add3A_100, %rem3A : vector<16xi32>
          %ne3A = arith.constant 0 : i32
          %ne3A_105 = vector.broadcast %ne3A : i32 to vector<16xi32>
          %ne3A_106 = arith.cmpi ne, %rem3A_104, %ne3A_105 : vector<16xi32>
          %lt3A = arith.constant 0 : i32
          %lt3A_107 = vector.broadcast %lt3A : i32 to vector<16xi32>
          %lt3A_108 = arith.cmpi slt, %rem3A_104, %lt3A_107 : vector<16xi32>
          %lt3A_109 = arith.constant 0 : i32
          %lt3A_110 = arith.cmpi slt, %select_n3A, %lt3A_109 : i32
          %ne3A_111 = vector.broadcast %lt3A_110 : i1 to vector<16xi1>
          %ne3A_112 = vector.broadcast %ne3A_111 : vector<16xi1> to vector<16xi1>
          %ne3A_113 = arith.xori %lt3A_108, %ne3A_112 : vector<16xi1>
          %and3A = arith.andi %ne3A_113, %ne3A_106 : vector<16xi1>
          %add3A_114 = vector.broadcast %select_n3A : i32 to vector<16xi32>
          %add3A_115 = arith.addi %rem3A_104, %add3A_114 : vector<16xi32>
          %select_n3A_116 = arith.select %and3A, %add3A_115, %rem3A_104 : vector<16xi1>, vector<16xi32>
          %convert_element_type3A_117 = arith.sitofp %select_n3A_116 : vector<16xi32> to vector<16xf32>
          %add3A_118 = arith.addf %convert_element_type3A_117, %get3A_86 : vector<16xf32>
          %jit3A_119 = arith.constant 384 : i32
          %div3A = vector.broadcast %jit3A_119 : i32 to vector<16xi32>
          %div3A_120 = arith.divsi %add3A_100, %div3A : vector<16xi32>
          %sign3A = arith.constant 0 : i32
          %sign3A_121 = vector.broadcast %sign3A : i32 to vector<16xi32>
          %sign3A_122 = arith.cmpi sgt, %add3A_100, %sign3A_121 : vector<16xi32>
          %sign3A_123 = arith.extui %sign3A_122 : vector<16xi1> to vector<16xi32>
          %sign3A_124 = arith.constant 0 : i32
          %sign3A_125 = vector.broadcast %sign3A_124 : i32 to vector<16xi32>
          %sign3A_126 = arith.cmpi slt, %add3A_100, %sign3A_125 : vector<16xi32>
          %sign3A_127 = arith.extui %sign3A_126 : vector<16xi1> to vector<16xi32>
          %sign3A_128 = arith.subi %sign3A_123, %sign3A_127 : vector<16xi32>
          %sign3A_129 = arith.constant 0 : i32
          %sign3A_130 = arith.cmpi sgt, %jit3A_119, %sign3A_129 : i32
          %sign3A_131 = arith.extui %sign3A_130 : i1 to i32
          %sign3A_132 = arith.constant 0 : i32
          %sign3A_133 = arith.cmpi slt, %jit3A_119, %sign3A_132 : i32
          %sign3A_134 = arith.extui %sign3A_133 : i1 to i32
          %sign3A_135 = arith.subi %sign3A_131, %sign3A_134 : i32
          %ne3A_136 = vector.broadcast %sign3A_135 : i32 to vector<16xi32>
          %ne3A_137 = arith.cmpi ne, %sign3A_128, %ne3A_136 : vector<16xi32>
          %rem3A_138 = vector.broadcast %jit3A_119 : i32 to vector<16xi32>
          %rem3A_139 = arith.remsi %add3A_100, %rem3A_138 : vector<16xi32>
          %ne3A_140 = arith.constant 0 : i32
          %ne3A_141 = vector.broadcast %ne3A_140 : i32 to vector<16xi32>
          %ne3A_142 = arith.cmpi ne, %rem3A_139, %ne3A_141 : vector<16xi32>
          %and3A_143 = arith.andi %ne3A_137, %ne3A_142 : vector<16xi1>
          %sub3A = arith.constant 1 : i32
          %sub3A_144 = vector.broadcast %sub3A : i32 to vector<16xi32>
          %sub3A_145 = arith.subi %div3A_120, %sub3A_144 : vector<16xi32>
          %select_n3A_146 = arith.select %and3A_143, %sub3A_145, %div3A_120 : vector<16xi1>, vector<16xi32>
          %convert_element_type3A_147 = arith.sitofp %select_n3A_146 : vector<16xi32> to vector<16xf32>
          %add3A_148 = arith.addf %convert_element_type3A_147, %get3A_92 : vector<16xf32>
          %convert_element_type3A_149 = arith.fptosi %add3A_118 : vector<16xf32> to vector<16xi32>
          %convert_element_type3A_150 = arith.sitofp %convert_element_type3A_149 : vector<16xi32> to vector<16xf32>
          %gt3A = arith.cmpf ogt, %convert_element_type3A_150, %add3A_118 : vector<16xf32>
          %jit3A_151 = arith.constant 1 : i32
          %jit3A_152 = arith.constant 0 : i32
          %broadcast_in_dim3A_153 = vector.broadcast %jit3A_151 : i32 to vector<16xi32>
          %broadcast_in_dim3A_154 = vector.broadcast %jit3A_152 : i32 to vector<16xi32>
          %select_n3A_155 = arith.select %gt3A, %broadcast_in_dim3A_153, %broadcast_in_dim3A_154 : vector<16xi1>, vector<16xi32>
          %sub3A_156 = arith.subi %convert_element_type3A_149, %select_n3A_155 : vector<16xi32>
          %convert_element_type3A_157 = arith.fptosi %add3A_148 : vector<16xf32> to vector<16xi32>
          %convert_element_type3A_158 = arith.sitofp %convert_element_type3A_157 : vector<16xi32> to vector<16xf32>
          %gt3A_159 = arith.cmpf ogt, %convert_element_type3A_158, %add3A_148 : vector<16xf32>
          %jit3A_160 = arith.constant 1 : i32
          %jit3A_161 = arith.constant 0 : i32
          %broadcast_in_dim3A_162 = vector.broadcast %jit3A_160 : i32 to vector<16xi32>
          %broadcast_in_dim3A_163 = vector.broadcast %jit3A_161 : i32 to vector<16xi32>
          %select_n3A_164 = arith.select %gt3A_159, %broadcast_in_dim3A_162, %broadcast_in_dim3A_163 : vector<16xi1>, vector<16xi32>
          %sub3A_165 = arith.subi %convert_element_type3A_157, %select_n3A_164 : vector<16xi32>
          %convert_element_type3A_166 = arith.sitofp %sub3A_156 : vector<16xi32> to vector<16xf32>
          %sub3A_167 = arith.subf %add3A_118, %convert_element_type3A_166 : vector<16xf32>
          %sub3A_168 = arith.constant 1.000000e+00 : f32
          %sub3A_169 = vector.broadcast %sub3A_168 : f32 to vector<16xf32>
          %sub3A_170 = arith.subf %sub3A_169, %sub3A_167 : vector<16xf32>
          %convert_element_type3A_171 = arith.sitofp %sub3A_165 : vector<16xi32> to vector<16xf32>
          %sub3A_172 = arith.subf %add3A_148, %convert_element_type3A_171 : vector<16xf32>
          %sub3A_173 = arith.constant 1.000000e+00 : f32
          %sub3A_174 = vector.broadcast %sub3A_173 : f32 to vector<16xf32>
          %sub3A_175 = arith.subf %sub3A_174, %sub3A_172 : vector<16xf32>
          %add3A_176 = arith.constant 1 : i32
          %add3A_177 = vector.broadcast %add3A_176 : i32 to vector<16xi32>
          %add3A_178 = arith.addi %sub3A_156, %add3A_177 : vector<16xi32>
          %add3A_179 = arith.constant 1 : i32
          %add3A_180 = vector.broadcast %add3A_179 : i32 to vector<16xi32>
          %add3A_181 = arith.addi %sub3A_165, %add3A_180 : vector<16xi32>
          %broadcast_in_dim3A_182 = arith.constant 0.000000e+00 : f32
          %broadcast_in_dim3A_183 = vector.broadcast %broadcast_in_dim3A_182 : f32 to vector<16xf32>
          %ge3A = arith.constant 0 : i32
          %ge3A_184 = vector.broadcast %ge3A : i32 to vector<16xi32>
          %ge3A_185 = arith.cmpi sge, %sub3A_156, %ge3A_184 : vector<16xi32>
          %lt3A_186 = arith.constant 384 : i32
          %lt3A_187 = vector.broadcast %lt3A_186 : i32 to vector<16xi32>
          %lt3A_188 = arith.cmpi slt, %sub3A_156, %lt3A_187 : vector<16xi32>
          %and3A_189 = arith.andi %ge3A_185, %lt3A_188 : vector<16xi1>
          %ge3A_190 = arith.constant 0 : i32
          %ge3A_191 = vector.broadcast %ge3A_190 : i32 to vector<16xi32>
          %ge3A_192 = arith.cmpi sge, %add3A_178, %ge3A_191 : vector<16xi32>
          %lt3A_193 = arith.constant 384 : i32
          %lt3A_194 = vector.broadcast %lt3A_193 : i32 to vector<16xi32>
          %lt3A_195 = arith.cmpi slt, %add3A_178, %lt3A_194 : vector<16xi32>
          %and3A_196 = arith.andi %ge3A_192, %lt3A_195 : vector<16xi1>
          %ge3A_197 = arith.constant 0 : i32
          %ge3A_198 = vector.broadcast %ge3A_197 : i32 to vector<16xi32>
          %ge3A_199 = arith.cmpi sge, %sub3A_165, %ge3A_198 : vector<16xi32>
          %lt3A_200 = arith.constant 384 : i32
          %lt3A_201 = vector.broadcast %lt3A_200 : i32 to vector<16xi32>
          %lt3A_202 = arith.cmpi slt, %sub3A_165, %lt3A_201 : vector<16xi32>
          %and3A_203 = arith.andi %ge3A_199, %lt3A_202 : vector<16xi1>
          %ge3A_204 = arith.constant 0 : i32
          %ge3A_205 = vector.broadcast %ge3A_204 : i32 to vector<16xi32>
          %ge3A_206 = arith.cmpi sge, %add3A_181, %ge3A_205 : vector<16xi32>
          %lt3A_207 = arith.constant 384 : i32
          %lt3A_208 = vector.broadcast %lt3A_207 : i32 to vector<16xi32>
          %lt3A_209 = arith.cmpi slt, %add3A_181, %lt3A_208 : vector<16xi32>
          %and3A_210 = arith.andi %ge3A_206, %lt3A_209 : vector<16xi1>
          %and3A_211 = arith.andi %and3A_189, %and3A_203 : vector<16xi1>
          %mul3A_212 = arith.mulf %sub3A_170, %sub3A_175 : vector<16xf32>
          %select_n3A_213 = arith.select %and3A_211, %mul3A_212, %broadcast_in_dim3A_183 : vector<16xi1>, vector<16xf32>
          %and3A_214 = arith.andi %and3A_196, %and3A_203 : vector<16xi1>
          %mul3A_215 = arith.mulf %sub3A_167, %sub3A_175 : vector<16xf32>
          %select_n3A_216 = arith.select %and3A_214, %mul3A_215, %broadcast_in_dim3A_183 : vector<16xi1>, vector<16xf32>
          %and3A_217 = arith.andi %and3A_189, %and3A_210 : vector<16xi1>
          %mul3A_218 = arith.mulf %sub3A_170, %sub3A_172 : vector<16xf32>
          %select_n3A_219 = arith.select %and3A_217, %mul3A_218, %broadcast_in_dim3A_183 : vector<16xi1>, vector<16xf32>
          %and3A_220 = arith.andi %and3A_196, %and3A_210 : vector<16xi1>
          %mul3A_221 = arith.mulf %sub3A_167, %sub3A_172 : vector<16xf32>
          %select_n3A_222 = arith.select %and3A_220, %mul3A_221, %broadcast_in_dim3A_183 : vector<16xi1>, vector<16xf32>
          %eq3A_223 = arith.constant -1 : i32
          %eq3A_224 = vector.broadcast %eq3A_223 : i32 to vector<16xi32>
          %eq3A_225 = arith.cmpi eq, %sub3A_156, %eq3A_224 : vector<16xi32>
          %select_n3A_226 = arith.select %eq3A_225, %select_n3A_216, %select_n3A_213 : vector<16xi1>, vector<16xf32>
          %select_n3A_227 = arith.select %eq3A_225, %broadcast_in_dim3A_183, %select_n3A_216 : vector<16xi1>, vector<16xf32>
          %select_n3A_228 = arith.select %eq3A_225, %select_n3A_222, %select_n3A_219 : vector<16xi1>, vector<16xf32>
          %select_n3A_229 = arith.select %eq3A_225, %broadcast_in_dim3A_183, %select_n3A_222 : vector<16xi1>, vector<16xf32>
          %jit3A_230 = arith.constant 0 : i32
          %jit3A_231 = arith.constant 383 : i32
          %max3A = vector.broadcast %jit3A_230 : i32 to vector<16xi32>
          %max3A_232 = arith.maxsi %max3A, %sub3A_156 : vector<16xi32>
          %min3A = vector.broadcast %jit3A_231 : i32 to vector<16xi32>
          %min3A_233 = arith.minsi %min3A, %max3A_232 : vector<16xi32>
          %jit3A_234 = arith.constant 0 : i32
          %jit3A_235 = arith.constant 383 : i32
          %max3A_236 = vector.broadcast %jit3A_234 : i32 to vector<16xi32>
          %max3A_237 = arith.maxsi %max3A_236, %sub3A_165 : vector<16xi32>
          %min3A_238 = vector.broadcast %jit3A_235 : i32 to vector<16xi32>
          %min3A_239 = arith.minsi %min3A_238, %max3A_237 : vector<16xi32>
          %mul3A_240 = arith.constant 384 : i32
          %mul3A_241 = vector.broadcast %mul3A_240 : i32 to vector<16xi32>
          %mul3A_242 = arith.muli %min3A_239, %mul3A_241 : vector<16xi32>
          %add3A_243 = arith.addi %mul3A_242, %min3A_233 : vector<16xi32>
          %jit3A_244 = arith.constant 0 : i32
          %jit3A_245 = arith.constant 383 : i32
          %max3A_246 = vector.broadcast %jit3A_244 : i32 to vector<16xi32>
          %max3A_247 = arith.maxsi %max3A_246, %add3A_181 : vector<16xi32>
          %min3A_248 = vector.broadcast %jit3A_245 : i32 to vector<16xi32>
          %min3A_249 = arith.minsi %min3A_248, %max3A_247 : vector<16xi32>
          %mul3A_250 = arith.constant 384 : i32
          %mul3A_251 = vector.broadcast %mul3A_250 : i32 to vector<16xi32>
          %mul3A_252 = arith.muli %min3A_249, %mul3A_251 : vector<16xi32>
          %add3A_253 = arith.addi %mul3A_252, %min3A_233 : vector<16xi32>
          %mul3A_254 = arith.constant 64 : i32
          %mul3A_255 = arith.muli %mul3A_254, %scan3A_81 : i32
          %mul3A_256 = arith.constant 4 : i32
          %mul3A_257 = vector.broadcast %mul3A_256 : i32 to vector<16xi32>
          %mul3A_258 = arith.muli %mul3A_257, %iota3A : vector<16xi32>
          %add3A_259 = vector.broadcast %mul3A_255 : i32 to vector<16xi32>
          %add3A_260 = arith.addi %add3A_259, %mul3A_258 : vector<16xi32>
          tpu.vector_store_idx %arg10[%add3A_260], %add3A_243 : memref<2048xi32, #tpu.memory_space<vmem>>[vector<16xi32>], vector<16xi32>,
          %add3A_261 = arith.constant 1 : i32
          %add3A_262 = vector.broadcast %add3A_261 : i32 to vector<16xi32>
          %add3A_263 = arith.addi %add3A_260, %add3A_262 : vector<16xi32>
          %add3A_264 = arith.constant 1 : i32
          %add3A_265 = vector.broadcast %add3A_264 : i32 to vector<16xi32>
          %add3A_266 = arith.addi %add3A_243, %add3A_265 : vector<16xi32>
          tpu.vector_store_idx %arg10[%add3A_263], %add3A_266 : memref<2048xi32, #tpu.memory_space<vmem>>[vector<16xi32>], vector<16xi32>,
          %add3A_267 = arith.constant 2 : i32
          %add3A_268 = vector.broadcast %add3A_267 : i32 to vector<16xi32>
          %add3A_269 = arith.addi %add3A_260, %add3A_268 : vector<16xi32>
          tpu.vector_store_idx %arg10[%add3A_269], %add3A_253 : memref<2048xi32, #tpu.memory_space<vmem>>[vector<16xi32>], vector<16xi32>,
          %add3A_270 = arith.constant 3 : i32
          %add3A_271 = vector.broadcast %add3A_270 : i32 to vector<16xi32>
          %add3A_272 = arith.addi %add3A_260, %add3A_271 : vector<16xi32>
          %add3A_273 = arith.constant 1 : i32
          %add3A_274 = vector.broadcast %add3A_273 : i32 to vector<16xi32>
          %add3A_275 = arith.addi %add3A_253, %add3A_274 : vector<16xi32>
          tpu.vector_store_idx %arg10[%add3A_272], %add3A_275 : memref<2048xi32, #tpu.memory_space<vmem>>[vector<16xi32>], vector<16xi32>,
          %mul3A_276 = arith.constant 64 : i32
          %mul3A_277 = arith.muli %mul3A_276, %scan3A_81 : i32
          %mul3A_278 = arith.constant 4 : i32
          %mul3A_279 = vector.broadcast %mul3A_278 : i32 to vector<16xi32>
          %mul3A_280 = arith.muli %mul3A_279, %iota3A : vector<16xi32>
          %add3A_281 = vector.broadcast %mul3A_277 : i32 to vector<16xi32>
          %add3A_282 = arith.addi %add3A_281, %mul3A_280 : vector<16xi32>
          %mul3A_283 = arith.constant 16 : i32
          %mul3A_284 = arith.muli %scan3A_81, %mul3A_283 : i32
          %get3A_285 = arith.constant 0 : i32
          %get3A_286 = arith.index_cast %get3A_285 : i32 to index
          %get3A_287 = arith.index_cast %mul3A_284 : i32 to index
          %get3A_288 = tpu.vector_load %arg6[%get3A_286, %get3A_287] {strides = array<i32>} : memref<8x512xf32, #tpu.memory_space<vmem>>, vector<16xf32>,
          %broadcast_in_dim3A_289 = arith.constant 0 : i32
          %broadcast_in_dim3A_290 = vector.broadcast %broadcast_in_dim3A_289 : i32 to vector<16xi32>
          %mul3A_291 = arith.mulf %select_n3A_226, %get3A_288 : vector<16xf32>
          tpu.vector_store_idx %arg8[%add3A_282, %broadcast_in_dim3A_290], %mul3A_291 : memref<2048x8xf32, #tpu.memory_space<vmem>>[vector<16xi32>, vector<16xi32>], vector<16xf32>,
          %add3A_292 = arith.constant 1 : i32
          %add3A_293 = vector.broadcast %add3A_292 : i32 to vector<16xi32>
          %add3A_294 = arith.addi %add3A_282, %add3A_293 : vector<16xi32>
          %mul3A_295 = arith.mulf %select_n3A_227, %get3A_288 : vector<16xf32>
          tpu.vector_store_idx %arg8[%add3A_294, %broadcast_in_dim3A_290], %mul3A_295 : memref<2048x8xf32, #tpu.memory_space<vmem>>[vector<16xi32>, vector<16xi32>], vector<16xf32>,
          %add3A_296 = arith.constant 2 : i32
          %add3A_297 = vector.broadcast %add3A_296 : i32 to vector<16xi32>
          %add3A_298 = arith.addi %add3A_282, %add3A_297 : vector<16xi32>
          %mul3A_299 = arith.mulf %select_n3A_228, %get3A_288 : vector<16xf32>
          tpu.vector_store_idx %arg8[%add3A_298, %broadcast_in_dim3A_290], %mul3A_299 : memref<2048x8xf32, #tpu.memory_space<vmem>>[vector<16xi32>, vector<16xi32>], vector<16xf32>,
          %add3A_300 = arith.constant 3 : i32
          %add3A_301 = vector.broadcast %add3A_300 : i32 to vector<16xi32>
          %add3A_302 = arith.addi %add3A_282, %add3A_301 : vector<16xi32>
          %mul3A_303 = arith.mulf %select_n3A_229, %get3A_288 : vector<16xf32>
          tpu.vector_store_idx %arg8[%add3A_302, %broadcast_in_dim3A_290], %mul3A_303 : memref<2048x8xf32, #tpu.memory_space<vmem>>[vector<16xi32>, vector<16xi32>], vector<16xf32>,
          %mul3A_304 = arith.constant 16 : i32
          %mul3A_305 = arith.muli %scan3A_81, %mul3A_304 : i32
          %get3A_306 = arith.constant 1 : i32
          %get3A_307 = arith.index_cast %get3A_306 : i32 to index
          %get3A_308 = arith.index_cast %mul3A_305 : i32 to index
          %get3A_309 = tpu.vector_load %arg6[%get3A_307, %get3A_308] {strides = array<i32>} : memref<8x512xf32, #tpu.memory_space<vmem>>, vector<16xf32>,
          %broadcast_in_dim3A_310 = arith.constant 1 : i32
          %broadcast_in_dim3A_311 = vector.broadcast %broadcast_in_dim3A_310 : i32 to vector<16xi32>
          %mul3A_312 = arith.mulf %select_n3A_226, %get3A_309 : vector<16xf32>
          tpu.vector_store_idx %arg8[%add3A_282, %broadcast_in_dim3A_311], %mul3A_312 : memref<2048x8xf32, #tpu.memory_space<vmem>>[vector<16xi32>, vector<16xi32>], vector<16xf32>,
          %add3A_313 = arith.constant 1 : i32
          %add3A_314 = vector.broadcast %add3A_313 : i32 to vector<16xi32>
          %add3A_315 = arith.addi %add3A_282, %add3A_314 : vector<16xi32>
          %mul3A_316 = arith.mulf %select_n3A_227, %get3A_309 : vector<16xf32>
          tpu.vector_store_idx %arg8[%add3A_315, %broadcast_in_dim3A_311], %mul3A_316 : memref<2048x8xf32, #tpu.memory_space<vmem>>[vector<16xi32>, vector<16xi32>], vector<16xf32>,
          %add3A_317 = arith.constant 2 : i32
          %add3A_318 = vector.broadcast %add3A_317 : i32 to vector<16xi32>
          %add3A_319 = arith.addi %add3A_282, %add3A_318 : vector<16xi32>
          %mul3A_320 = arith.mulf %select_n3A_228, %get3A_309 : vector<16xf32>
          tpu.vector_store_idx %arg8[%add3A_319, %broadcast_in_dim3A_311], %mul3A_320 : memref<2048x8xf32, #tpu.memory_space<vmem>>[vector<16xi32>, vector<16xi32>], vector<16xf32>,
          %add3A_321 = arith.constant 3 : i32
          %add3A_322 = vector.broadcast %add3A_321 : i32 to vector<16xi32>
          %add3A_323 = arith.addi %add3A_282, %add3A_322 : vector<16xi32>
          %mul3A_324 = arith.mulf %select_n3A_229, %get3A_309 : vector<16xf32>
          tpu.vector_store_idx %arg8[%add3A_323, %broadcast_in_dim3A_311], %mul3A_324 : memref<2048x8xf32, #tpu.memory_space<vmem>>[vector<16xi32>, vector<16xi32>], vector<16xf32>,
          %mul3A_325 = arith.constant 16 : i32
          %mul3A_326 = arith.muli %scan3A_81, %mul3A_325 : i32
          %get3A_327 = arith.constant 2 : i32
          %get3A_328 = arith.index_cast %get3A_327 : i32 to index
          %get3A_329 = arith.index_cast %mul3A_326 : i32 to index
          %get3A_330 = tpu.vector_load %arg6[%get3A_328, %get3A_329] {strides = array<i32>} : memref<8x512xf32, #tpu.memory_space<vmem>>, vector<16xf32>,
          %broadcast_in_dim3A_331 = arith.constant 2 : i32
          %broadcast_in_dim3A_332 = vector.broadcast %broadcast_in_dim3A_331 : i32 to vector<16xi32>
          %mul3A_333 = arith.mulf %select_n3A_226, %get3A_330 : vector<16xf32>
          tpu.vector_store_idx %arg8[%add3A_282, %broadcast_in_dim3A_332], %mul3A_333 : memref<2048x8xf32, #tpu.memory_space<vmem>>[vector<16xi32>, vector<16xi32>], vector<16xf32>,
          %add3A_334 = arith.constant 1 : i32
          %add3A_335 = vector.broadcast %add3A_334 : i32 to vector<16xi32>
          %add3A_336 = arith.addi %add3A_282, %add3A_335 : vector<16xi32>
          %mul3A_337 = arith.mulf %select_n3A_227, %get3A_330 : vector<16xf32>
          tpu.vector_store_idx %arg8[%add3A_336, %broadcast_in_dim3A_332], %mul3A_337 : memref<2048x8xf32, #tpu.memory_space<vmem>>[vector<16xi32>, vector<16xi32>], vector<16xf32>,
          %add3A_338 = arith.constant 2 : i32
          %add3A_339 = vector.broadcast %add3A_338 : i32 to vector<16xi32>
          %add3A_340 = arith.addi %add3A_282, %add3A_339 : vector<16xi32>
          %mul3A_341 = arith.mulf %select_n3A_228, %get3A_330 : vector<16xf32>
          tpu.vector_store_idx %arg8[%add3A_340, %broadcast_in_dim3A_332], %mul3A_341 : memref<2048x8xf32, #tpu.memory_space<vmem>>[vector<16xi32>, vector<16xi32>], vector<16xf32>,
          %add3A_342 = arith.constant 3 : i32
          %add3A_343 = vector.broadcast %add3A_342 : i32 to vector<16xi32>
          %add3A_344 = arith.addi %add3A_282, %add3A_343 : vector<16xi32>
          %mul3A_345 = arith.mulf %select_n3A_229, %get3A_330 : vector<16xf32>
          tpu.vector_store_idx %arg8[%add3A_344, %broadcast_in_dim3A_332], %mul3A_345 : memref<2048x8xf32, #tpu.memory_space<vmem>>[vector<16xi32>, vector<16xi32>], vector<16xf32>,
          %mul3A_346 = arith.constant 16 : i32
          %mul3A_347 = arith.muli %scan3A_81, %mul3A_346 : i32
          %get3A_348 = arith.constant 3 : i32
          %get3A_349 = arith.index_cast %get3A_348 : i32 to index
          %get3A_350 = arith.index_cast %mul3A_347 : i32 to index
          %get3A_351 = tpu.vector_load %arg6[%get3A_349, %get3A_350] {strides = array<i32>} : memref<8x512xf32, #tpu.memory_space<vmem>>, vector<16xf32>,
          %broadcast_in_dim3A_352 = arith.constant 3 : i32
          %broadcast_in_dim3A_353 = vector.broadcast %broadcast_in_dim3A_352 : i32 to vector<16xi32>
          %mul3A_354 = arith.mulf %select_n3A_226, %get3A_351 : vector<16xf32>
          tpu.vector_store_idx %arg8[%add3A_282, %broadcast_in_dim3A_353], %mul3A_354 : memref<2048x8xf32, #tpu.memory_space<vmem>>[vector<16xi32>, vector<16xi32>], vector<16xf32>,
          %add3A_355 = arith.constant 1 : i32
          %add3A_356 = vector.broadcast %add3A_355 : i32 to vector<16xi32>
          %add3A_357 = arith.addi %add3A_282, %add3A_356 : vector<16xi32>
          %mul3A_358 = arith.mulf %select_n3A_227, %get3A_351 : vector<16xf32>
          tpu.vector_store_idx %arg8[%add3A_357, %broadcast_in_dim3A_353], %mul3A_358 : memref<2048x8xf32, #tpu.memory_space<vmem>>[vector<16xi32>, vector<16xi32>], vector<16xf32>,
          %add3A_359 = arith.constant 2 : i32
          %add3A_360 = vector.broadcast %add3A_359 : i32 to vector<16xi32>
          %add3A_361 = arith.addi %add3A_282, %add3A_360 : vector<16xi32>
          %mul3A_362 = arith.mulf %select_n3A_228, %get3A_351 : vector<16xf32>
          tpu.vector_store_idx %arg8[%add3A_361, %broadcast_in_dim3A_353], %mul3A_362 : memref<2048x8xf32, #tpu.memory_space<vmem>>[vector<16xi32>, vector<16xi32>], vector<16xf32>,
          %add3A_363 = arith.constant 3 : i32
          %add3A_364 = vector.broadcast %add3A_363 : i32 to vector<16xi32>
          %add3A_365 = arith.addi %add3A_282, %add3A_364 : vector<16xi32>
          %mul3A_366 = arith.mulf %select_n3A_229, %get3A_351 : vector<16xf32>
          tpu.vector_store_idx %arg8[%add3A_365, %broadcast_in_dim3A_353], %mul3A_366 : memref<2048x8xf32, #tpu.memory_space<vmem>>[vector<16xi32>, vector<16xi32>], vector<16xf32>,
          %mul3A_367 = arith.constant 16 : i32
          %mul3A_368 = arith.muli %scan3A_81, %mul3A_367 : i32
          %get3A_369 = arith.constant 4 : i32
          %get3A_370 = arith.index_cast %get3A_369 : i32 to index
          %get3A_371 = arith.index_cast %mul3A_368 : i32 to index
          %get3A_372 = tpu.vector_load %arg6[%get3A_370, %get3A_371] {strides = array<i32>} : memref<8x512xf32, #tpu.memory_space<vmem>>, vector<16xf32>,
          %broadcast_in_dim3A_373 = arith.constant 4 : i32
          %broadcast_in_dim3A_374 = vector.broadcast %broadcast_in_dim3A_373 : i32 to vector<16xi32>
          %mul3A_375 = arith.mulf %select_n3A_226, %get3A_372 : vector<16xf32>
          tpu.vector_store_idx %arg8[%add3A_282, %broadcast_in_dim3A_374], %mul3A_375 : memref<2048x8xf32, #tpu.memory_space<vmem>>[vector<16xi32>, vector<16xi32>], vector<16xf32>,
          %add3A_376 = arith.constant 1 : i32
          %add3A_377 = vector.broadcast %add3A_376 : i32 to vector<16xi32>
          %add3A_378 = arith.addi %add3A_282, %add3A_377 : vector<16xi32>
          %mul3A_379 = arith.mulf %select_n3A_227, %get3A_372 : vector<16xf32>
          tpu.vector_store_idx %arg8[%add3A_378, %broadcast_in_dim3A_374], %mul3A_379 : memref<2048x8xf32, #tpu.memory_space<vmem>>[vector<16xi32>, vector<16xi32>], vector<16xf32>,
          %add3A_380 = arith.constant 2 : i32
          %add3A_381 = vector.broadcast %add3A_380 : i32 to vector<16xi32>
          %add3A_382 = arith.addi %add3A_282, %add3A_381 : vector<16xi32>
          %mul3A_383 = arith.mulf %select_n3A_228, %get3A_372 : vector<16xf32>
          tpu.vector_store_idx %arg8[%add3A_382, %broadcast_in_dim3A_374], %mul3A_383 : memref<2048x8xf32, #tpu.memory_space<vmem>>[vector<16xi32>, vector<16xi32>], vector<16xf32>,
          %add3A_384 = arith.constant 3 : i32
          %add3A_385 = vector.broadcast %add3A_384 : i32 to vector<16xi32>
          %add3A_386 = arith.addi %add3A_282, %add3A_385 : vector<16xi32>
          %mul3A_387 = arith.mulf %select_n3A_229, %get3A_372 : vector<16xf32>
          tpu.vector_store_idx %arg8[%add3A_386, %broadcast_in_dim3A_374], %mul3A_387 : memref<2048x8xf32, #tpu.memory_space<vmem>>[vector<16xi32>, vector<16xi32>], vector<16xf32>,
          %mul3A_388 = arith.constant 16 : i32
          %mul3A_389 = arith.muli %scan3A_81, %mul3A_388 : i32
          %get3A_390 = arith.constant 5 : i32
          %get3A_391 = arith.index_cast %get3A_390 : i32 to index
          %get3A_392 = arith.index_cast %mul3A_389 : i32 to index
          %get3A_393 = tpu.vector_load %arg6[%get3A_391, %get3A_392] {strides = array<i32>} : memref<8x512xf32, #tpu.memory_space<vmem>>, vector<16xf32>,
          %broadcast_in_dim3A_394 = arith.constant 5 : i32
          %broadcast_in_dim3A_395 = vector.broadcast %broadcast_in_dim3A_394 : i32 to vector<16xi32>
          %mul3A_396 = arith.mulf %select_n3A_226, %get3A_393 : vector<16xf32>
          tpu.vector_store_idx %arg8[%add3A_282, %broadcast_in_dim3A_395], %mul3A_396 : memref<2048x8xf32, #tpu.memory_space<vmem>>[vector<16xi32>, vector<16xi32>], vector<16xf32>,
          %add3A_397 = arith.constant 1 : i32
          %add3A_398 = vector.broadcast %add3A_397 : i32 to vector<16xi32>
          %add3A_399 = arith.addi %add3A_282, %add3A_398 : vector<16xi32>
          %mul3A_400 = arith.mulf %select_n3A_227, %get3A_393 : vector<16xf32>
          tpu.vector_store_idx %arg8[%add3A_399, %broadcast_in_dim3A_395], %mul3A_400 : memref<2048x8xf32, #tpu.memory_space<vmem>>[vector<16xi32>, vector<16xi32>], vector<16xf32>,
          %add3A_401 = arith.constant 2 : i32
          %add3A_402 = vector.broadcast %add3A_401 : i32 to vector<16xi32>
          %add3A_403 = arith.addi %add3A_282, %add3A_402 : vector<16xi32>
          %mul3A_404 = arith.mulf %select_n3A_228, %get3A_393 : vector<16xf32>
          tpu.vector_store_idx %arg8[%add3A_403, %broadcast_in_dim3A_395], %mul3A_404 : memref<2048x8xf32, #tpu.memory_space<vmem>>[vector<16xi32>, vector<16xi32>], vector<16xf32>,
          %add3A_405 = arith.constant 3 : i32
          %add3A_406 = vector.broadcast %add3A_405 : i32 to vector<16xi32>
          %add3A_407 = arith.addi %add3A_282, %add3A_406 : vector<16xi32>
          %mul3A_408 = arith.mulf %select_n3A_229, %get3A_393 : vector<16xf32>
          tpu.vector_store_idx %arg8[%add3A_407, %broadcast_in_dim3A_395], %mul3A_408 : memref<2048x8xf32, #tpu.memory_space<vmem>>[vector<16xi32>, vector<16xi32>], vector<16xf32>,
          %mul3A_409 = arith.constant 16 : i32
          %mul3A_410 = arith.muli %scan3A_81, %mul3A_409 : i32
          %get3A_411 = arith.constant 6 : i32
          %get3A_412 = arith.index_cast %get3A_411 : i32 to index
          %get3A_413 = arith.index_cast %mul3A_410 : i32 to index
          %get3A_414 = tpu.vector_load %arg6[%get3A_412, %get3A_413] {strides = array<i32>} : memref<8x512xf32, #tpu.memory_space<vmem>>, vector<16xf32>,
          %broadcast_in_dim3A_415 = arith.constant 6 : i32
          %broadcast_in_dim3A_416 = vector.broadcast %broadcast_in_dim3A_415 : i32 to vector<16xi32>
          %mul3A_417 = arith.mulf %select_n3A_226, %get3A_414 : vector<16xf32>
          tpu.vector_store_idx %arg8[%add3A_282, %broadcast_in_dim3A_416], %mul3A_417 : memref<2048x8xf32, #tpu.memory_space<vmem>>[vector<16xi32>, vector<16xi32>], vector<16xf32>,
          %add3A_418 = arith.constant 1 : i32
          %add3A_419 = vector.broadcast %add3A_418 : i32 to vector<16xi32>
          %add3A_420 = arith.addi %add3A_282, %add3A_419 : vector<16xi32>
          %mul3A_421 = arith.mulf %select_n3A_227, %get3A_414 : vector<16xf32>
          tpu.vector_store_idx %arg8[%add3A_420, %broadcast_in_dim3A_416], %mul3A_421 : memref<2048x8xf32, #tpu.memory_space<vmem>>[vector<16xi32>, vector<16xi32>], vector<16xf32>,
          %add3A_422 = arith.constant 2 : i32
          %add3A_423 = vector.broadcast %add3A_422 : i32 to vector<16xi32>
          %add3A_424 = arith.addi %add3A_282, %add3A_423 : vector<16xi32>
          %mul3A_425 = arith.mulf %select_n3A_228, %get3A_414 : vector<16xf32>
          tpu.vector_store_idx %arg8[%add3A_424, %broadcast_in_dim3A_416], %mul3A_425 : memref<2048x8xf32, #tpu.memory_space<vmem>>[vector<16xi32>, vector<16xi32>], vector<16xf32>,
          %add3A_426 = arith.constant 3 : i32
          %add3A_427 = vector.broadcast %add3A_426 : i32 to vector<16xi32>
          %add3A_428 = arith.addi %add3A_282, %add3A_427 : vector<16xi32>
          %mul3A_429 = arith.mulf %select_n3A_229, %get3A_414 : vector<16xf32>
          tpu.vector_store_idx %arg8[%add3A_428, %broadcast_in_dim3A_416], %mul3A_429 : memref<2048x8xf32, #tpu.memory_space<vmem>>[vector<16xi32>, vector<16xi32>], vector<16xf32>,
          %mul3A_430 = arith.constant 16 : i32
          %mul3A_431 = arith.muli %scan3A_81, %mul3A_430 : i32
          %get3A_432 = arith.constant 7 : i32
          %get3A_433 = arith.index_cast %get3A_432 : i32 to index
          %get3A_434 = arith.index_cast %mul3A_431 : i32 to index
          %get3A_435 = tpu.vector_load %arg6[%get3A_433, %get3A_434] {strides = array<i32>} : memref<8x512xf32, #tpu.memory_space<vmem>>, vector<16xf32>,
          %broadcast_in_dim3A_436 = arith.constant 7 : i32
          %broadcast_in_dim3A_437 = vector.broadcast %broadcast_in_dim3A_436 : i32 to vector<16xi32>
          %mul3A_438 = arith.mulf %select_n3A_226, %get3A_435 : vector<16xf32>
          tpu.vector_store_idx %arg8[%add3A_282, %broadcast_in_dim3A_437], %mul3A_438 : memref<2048x8xf32, #tpu.memory_space<vmem>>[vector<16xi32>, vector<16xi32>], vector<16xf32>,
          %add3A_439 = arith.constant 1 : i32
          %add3A_440 = vector.broadcast %add3A_439 : i32 to vector<16xi32>
          %add3A_441 = arith.addi %add3A_282, %add3A_440 : vector<16xi32>
          %mul3A_442 = arith.mulf %select_n3A_227, %get3A_435 : vector<16xf32>
          tpu.vector_store_idx %arg8[%add3A_441, %broadcast_in_dim3A_437], %mul3A_442 : memref<2048x8xf32, #tpu.memory_space<vmem>>[vector<16xi32>, vector<16xi32>], vector<16xf32>,
          %add3A_443 = arith.constant 2 : i32
          %add3A_444 = vector.broadcast %add3A_443 : i32 to vector<16xi32>
          %add3A_445 = arith.addi %add3A_282, %add3A_444 : vector<16xi32>
          %mul3A_446 = arith.mulf %select_n3A_228, %get3A_435 : vector<16xf32>
          tpu.vector_store_idx %arg8[%add3A_445, %broadcast_in_dim3A_437], %mul3A_446 : memref<2048x8xf32, #tpu.memory_space<vmem>>[vector<16xi32>, vector<16xi32>], vector<16xf32>,
          %add3A_447 = arith.constant 3 : i32
          %add3A_448 = vector.broadcast %add3A_447 : i32 to vector<16xi32>
          %add3A_449 = arith.addi %add3A_282, %add3A_448 : vector<16xi32>
          %mul3A_450 = arith.mulf %select_n3A_229, %get3A_435 : vector<16xf32>
          tpu.vector_store_idx %arg8[%add3A_449, %broadcast_in_dim3A_437], %mul3A_450 : memref<2048x8xf32, #tpu.memory_space<vmem>>[vector<16xi32>, vector<16xi32>], vector<16xf32>,
        }
        %scan3A_77 = arith.constant 32 : i32
        %dma_start3A_78 = arith.constant 0 : i32
        %dma_start3A_79 = arith.constant 0 : i32
        %dma_start3A_80 = tpu.memref_slice %arg5[%dma_start3A_78, %dma_start3A_79] : memref<147464x8xf32, #tpu.memory_space<vmem_shared>> -> memref<147464x8xf32, #tpu.memory_space<vmem_shared>>
        tpu.enqueue_indirect_dma source(%arg8 : memref<2048x8xf32, #tpu.memory_space<vmem>>) target(%dma_start3A_80 : memref<147464x8xf32, #tpu.memory_space<vmem_shared>>) offsets(%arg10 : memref<2048xi32, #tpu.memory_space<vmem>>) semaphore(%arg15 : memref<!tpu.dma_semaphore, #tpu.memory_space<semaphore_mem>>) {add = true}
      }
      %scan3A_25 = arith.constant 9 : i32
      %dma_wait3A = arith.constant 0 : i32
      %dma_wait3A_26 = arith.constant 0 : i32
      %dma_wait3A_27 = tpu.memref_slice %arg5[%dma_wait3A, %dma_wait3A_26] : memref<147464x8xf32, #tpu.memory_space<vmem_shared>> -> memref<147464x8xf32, #tpu.memory_space<vmem_shared>>
      tpu.wait_indirect_dma semaphore(%arg14 : memref<!tpu.dma_semaphore, #tpu.memory_space<semaphore_mem>>) src(%arg7 : memref<2048x8xf32, #tpu.memory_space<vmem>>) dst(%dma_wait3A_27 : memref<147464x8xf32, #tpu.memory_space<vmem_shared>>)
      %dma_wait3A_28 = arith.constant 0 : i32
      %dma_wait3A_29 = arith.constant 0 : i32
      %dma_wait3A_30 = tpu.memref_slice %arg5[%dma_wait3A_28, %dma_wait3A_29] : memref<147464x8xf32, #tpu.memory_space<vmem_shared>> -> memref<147464x8xf32, #tpu.memory_space<vmem_shared>>
      tpu.wait_indirect_dma semaphore(%arg15 : memref<!tpu.dma_semaphore, #tpu.memory_space<semaphore_mem>>) src(%arg8 : memref<2048x8xf32, #tpu.memory_space<vmem>>) dst(%dma_wait3A_30 : memref<147464x8xf32, #tpu.memory_space<vmem_shared>>)
      %barrier3A_31 = arith.constant 0 : index
      tpu.barrier barrier_id(%barrier3A_31)
      %scan3A_32 = arith.constant 0 : i32
      %scan3A_33 = arith.constant 0 : i32
      %scan3A_34 = arith.constant 9 : i32
      %scan3A_35 = arith.addi %scan3A_33, %scan3A_34 : i32
      %scan3A_36 = arith.constant 1 : i32
      scf.for %scan3A_38 = %scan3A_33 to %scan3A_35 step %scan3A_36  : i32 {
        %mul3A_39 = arith.constant 1024 : i32
        %mul3A_40 = arith.muli %scan3A_38, %mul3A_39 : i32
        %add3A = arith.addi %mul3A_0, %mul3A_40 : i32
        %scan3A_41 = arith.constant 0 : i32
        %scan3A_42 = arith.constant 0 : i32
        %scan3A_43 = arith.constant 64 : i32
        %scan3A_44 = arith.addi %scan3A_42, %scan3A_43 : i32
        %scan3A_45 = arith.constant 1 : i32
        scf.for %scan3A_74 = %scan3A_42 to %scan3A_44 step %scan3A_45  : i32 {
          %mul3A_75 = arith.constant 16 : i32
          %mul3A_76 = arith.muli %scan3A_74, %mul3A_75 : i32
          %add3A_77 = vector.broadcast %mul3A_76 : i32 to vector<16xi32>
          %add3A_78 = arith.addi %add3A_77, %iota3A : vector<16xi32>
          %add3A_79 = vector.broadcast %add3A : i32 to vector<16xi32>
          %add3A_80 = arith.addi %add3A_79, %add3A_78 : vector<16xi32>
          tpu.vector_store_idx %arg11[%add3A_78], %add3A_80 : memref<1024xi32, #tpu.memory_space<vmem>>[vector<16xi32>], vector<16xi32>,
        }
        %scan3A_46 = arith.constant 64 : i32
        "tpu.region"() ({
          %run_scoped3A = tpu.sem_alloc : memref<!tpu.dma_semaphore, #tpu.memory_space<semaphore_mem>>
          %dma_start3A = arith.constant 0 : i32
          %dma_start3A_74 = arith.constant 0 : i32
          %dma_start3A_75 = tpu.memref_slice %arg7[%dma_start3A, %dma_start3A_74] : memref<2048x8xf32, #tpu.memory_space<vmem>> -> memref<1024x8xf32, #tpu.memory_space<vmem>>
          %dma_start3A_76 = arith.constant 0 : i32
          %dma_start3A_77 = arith.constant 0 : i32
          %dma_start3A_78 = tpu.memref_slice %arg5[%dma_start3A_76, %dma_start3A_77] : memref<147464x8xf32, #tpu.memory_space<vmem_shared>> -> memref<147464x8xf32, #tpu.memory_space<vmem_shared>>
          tpu.enqueue_indirect_dma source(%dma_start3A_78 : memref<147464x8xf32, #tpu.memory_space<vmem_shared>>) target(%dma_start3A_75 : memref<1024x8xf32, #tpu.memory_space<vmem>>) offsets(%arg11 : memref<1024xi32, #tpu.memory_space<vmem>>) semaphore(%run_scoped3A : memref<!tpu.dma_semaphore, #tpu.memory_space<semaphore_mem>>)
          %dma_wait3A_79 = arith.constant 0 : i32
          %dma_wait3A_80 = arith.constant 0 : i32
          %dma_wait3A_81 = tpu.memref_slice %arg7[%dma_wait3A_79, %dma_wait3A_80] : memref<2048x8xf32, #tpu.memory_space<vmem>> -> memref<1024x8xf32, #tpu.memory_space<vmem>>
          %dma_wait3A_82 = arith.constant 0 : i32
          %dma_wait3A_83 = arith.constant 0 : i32
          %dma_wait3A_84 = tpu.memref_slice %arg5[%dma_wait3A_82, %dma_wait3A_83] : memref<147464x8xf32, #tpu.memory_space<vmem_shared>> -> memref<147464x8xf32, #tpu.memory_space<vmem_shared>>
          tpu.wait_indirect_dma semaphore(%run_scoped3A : memref<!tpu.dma_semaphore, #tpu.memory_space<semaphore_mem>>) src(%dma_wait3A_84 : memref<147464x8xf32, #tpu.memory_space<vmem_shared>>) dst(%dma_wait3A_81 : memref<1024x8xf32, #tpu.memory_space<vmem>>)
          tpu.yield
        }) : () -> ()
        %scan3A_47 = arith.constant 0 : i32
        %scan3A_48 = arith.constant 0 : i32
        %scan3A_49 = arith.constant 64 : i32
        %scan3A_50 = arith.addi %scan3A_48, %scan3A_49 : i32
        %scan3A_51 = arith.constant 1 : i32
        scf.for %scan3A_74 = %scan3A_48 to %scan3A_50 step %scan3A_51  : i32 {
          %mul3A_75 = arith.constant 16 : i32
          %mul3A_76 = arith.muli %scan3A_74, %mul3A_75 : i32
          %add3A_77 = vector.broadcast %mul3A_76 : i32 to vector<16xi32>
          %add3A_78 = arith.addi %add3A_77, %iota3A : vector<16xi32>
          %broadcast_in_dim3A_79 = arith.constant 0 : i32
          %broadcast_in_dim3A_80 = vector.broadcast %broadcast_in_dim3A_79 : i32 to vector<16xi32>
          %gather3A = tpu.vector_load_idx %arg7[%add3A_78, %broadcast_in_dim3A_80] : memref<2048x8xf32, #tpu.memory_space<vmem>>[vector<16xi32>, vector<16xi32>], vector<16xf32>,
          %jit3A_81 = arith.constant 8 : i32
          %div3A_82 = arith.divsi %scan3A_74, %jit3A_81 : i32
          %sign3A_83 = arith.constant 0 : i32
          %sign3A_84 = arith.cmpi sgt, %scan3A_74, %sign3A_83 : i32
          %sign3A_85 = arith.extui %sign3A_84 : i1 to i32
          %sign3A_86 = arith.constant 0 : i32
          %sign3A_87 = arith.cmpi slt, %scan3A_74, %sign3A_86 : i32
          %sign3A_88 = arith.extui %sign3A_87 : i1 to i32
          %sign3A_89 = arith.subi %sign3A_85, %sign3A_88 : i32
          %sign3A_90 = arith.constant 0 : i32
          %sign3A_91 = arith.cmpi sgt, %jit3A_81, %sign3A_90 : i32
          %sign3A_92 = arith.extui %sign3A_91 : i1 to i32
          %sign3A_93 = arith.constant 0 : i32
          %sign3A_94 = arith.cmpi slt, %jit3A_81, %sign3A_93 : i32
          %sign3A_95 = arith.extui %sign3A_94 : i1 to i32
          %sign3A_96 = arith.subi %sign3A_92, %sign3A_95 : i32
          %ne3A_97 = arith.cmpi ne, %sign3A_89, %sign3A_96 : i32
          %rem3A_98 = arith.remsi %scan3A_74, %jit3A_81 : i32
          %ne3A_99 = arith.constant 0 : i32
          %ne3A_100 = arith.cmpi ne, %rem3A_98, %ne3A_99 : i32
          %and3A_101 = arith.andi %ne3A_97, %ne3A_100 : i1
          %sub3A_102 = arith.constant 1 : i32
          %sub3A_103 = arith.subi %div3A_82, %sub3A_102 : i32
          %select_n3A_104 = arith.select %and3A_101, %sub3A_103, %div3A_82 : i32
          %jit3A_105 = arith.constant 8 : i32
          %eq3A = arith.constant 0 : i32
          %eq3A_106 = arith.cmpi eq, %jit3A_105, %eq3A : i32
          %jit3A_107 = arith.constant 1 : i32
          %select_n3A_108 = arith.select %eq3A_106, %jit3A_107, %jit3A_105 : i32
          %rem3A_109 = arith.remsi %scan3A_74, %select_n3A_108 : i32
          %ne3A_110 = arith.constant 0 : i32
          %ne3A_111 = arith.cmpi ne, %rem3A_109, %ne3A_110 : i32
          %lt3A = arith.constant 0 : i32
          %lt3A_112 = arith.cmpi slt, %rem3A_109, %lt3A : i32
          %lt3A_113 = arith.constant 0 : i32
          %lt3A_114 = arith.cmpi slt, %select_n3A_108, %lt3A_113 : i32
          %ne3A_115 = arith.xori %lt3A_112, %lt3A_114 : i1
          %and3A_116 = arith.andi %ne3A_115, %ne3A_111 : i1
          %add3A_117 = arith.addi %rem3A_109, %select_n3A_108 : i32
          %select_n3A_118 = arith.select %and3A_116, %add3A_117, %rem3A_109 : i32
          %mul3A_119 = arith.constant 16 : i32
          %mul3A_120 = arith.muli %select_n3A_118, %mul3A_119 : i32
          %swap3A = arith.constant 0 : i32
          %swap3A_121 = arith.index_cast %swap3A : i32 to index
          %swap3A_122 = arith.index_cast %select_n3A_104 : i32 to index
          %swap3A_123 = arith.index_cast %mul3A_120 : i32 to index
          %swap3A_124 = tpu.vector_load %arg13[%swap3A_121, %swap3A_122, %swap3A_123] {strides = array<i32>} : memref<8x8x128xf32, #tpu.memory_space<vmem>>, vector<16xf32>,
          tpu.vector_store %arg13[%swap3A_121, %swap3A_122, %swap3A_123], %gather3A {strides = array<i32>} : memref<8x8x128xf32, #tpu.memory_space<vmem>>, vector<16xf32>,
          %broadcast_in_dim3A_125 = arith.constant 1 : i32
          %broadcast_in_dim3A_126 = vector.broadcast %broadcast_in_dim3A_125 : i32 to vector<16xi32>
          %gather3A_127 = tpu.vector_load_idx %arg7[%add3A_78, %broadcast_in_dim3A_126] : memref<2048x8xf32, #tpu.memory_space<vmem>>[vector<16xi32>, vector<16xi32>], vector<16xf32>,
          %jit3A_128 = arith.constant 8 : i32
          %div3A_129 = arith.divsi %scan3A_74, %jit3A_128 : i32
          %sign3A_130 = arith.constant 0 : i32
          %sign3A_131 = arith.cmpi sgt, %scan3A_74, %sign3A_130 : i32
          %sign3A_132 = arith.extui %sign3A_131 : i1 to i32
          %sign3A_133 = arith.constant 0 : i32
          %sign3A_134 = arith.cmpi slt, %scan3A_74, %sign3A_133 : i32
          %sign3A_135 = arith.extui %sign3A_134 : i1 to i32
          %sign3A_136 = arith.subi %sign3A_132, %sign3A_135 : i32
          %sign3A_137 = arith.constant 0 : i32
          %sign3A_138 = arith.cmpi sgt, %jit3A_128, %sign3A_137 : i32
          %sign3A_139 = arith.extui %sign3A_138 : i1 to i32
          %sign3A_140 = arith.constant 0 : i32
          %sign3A_141 = arith.cmpi slt, %jit3A_128, %sign3A_140 : i32
          %sign3A_142 = arith.extui %sign3A_141 : i1 to i32
          %sign3A_143 = arith.subi %sign3A_139, %sign3A_142 : i32
          %ne3A_144 = arith.cmpi ne, %sign3A_136, %sign3A_143 : i32
          %rem3A_145 = arith.remsi %scan3A_74, %jit3A_128 : i32
          %ne3A_146 = arith.constant 0 : i32
          %ne3A_147 = arith.cmpi ne, %rem3A_145, %ne3A_146 : i32
          %and3A_148 = arith.andi %ne3A_144, %ne3A_147 : i1
          %sub3A_149 = arith.constant 1 : i32
          %sub3A_150 = arith.subi %div3A_129, %sub3A_149 : i32
          %select_n3A_151 = arith.select %and3A_148, %sub3A_150, %div3A_129 : i32
          %jit3A_152 = arith.constant 8 : i32
          %eq3A_153 = arith.constant 0 : i32
          %eq3A_154 = arith.cmpi eq, %jit3A_152, %eq3A_153 : i32
          %jit3A_155 = arith.constant 1 : i32
          %select_n3A_156 = arith.select %eq3A_154, %jit3A_155, %jit3A_152 : i32
          %rem3A_157 = arith.remsi %scan3A_74, %select_n3A_156 : i32
          %ne3A_158 = arith.constant 0 : i32
          %ne3A_159 = arith.cmpi ne, %rem3A_157, %ne3A_158 : i32
          %lt3A_160 = arith.constant 0 : i32
          %lt3A_161 = arith.cmpi slt, %rem3A_157, %lt3A_160 : i32
          %lt3A_162 = arith.constant 0 : i32
          %lt3A_163 = arith.cmpi slt, %select_n3A_156, %lt3A_162 : i32
          %ne3A_164 = arith.xori %lt3A_161, %lt3A_163 : i1
          %and3A_165 = arith.andi %ne3A_164, %ne3A_159 : i1
          %add3A_166 = arith.addi %rem3A_157, %select_n3A_156 : i32
          %select_n3A_167 = arith.select %and3A_165, %add3A_166, %rem3A_157 : i32
          %mul3A_168 = arith.constant 16 : i32
          %mul3A_169 = arith.muli %select_n3A_167, %mul3A_168 : i32
          %swap3A_170 = arith.constant 1 : i32
          %swap3A_171 = arith.index_cast %swap3A_170 : i32 to index
          %swap3A_172 = arith.index_cast %select_n3A_151 : i32 to index
          %swap3A_173 = arith.index_cast %mul3A_169 : i32 to index
          %swap3A_174 = tpu.vector_load %arg13[%swap3A_171, %swap3A_172, %swap3A_173] {strides = array<i32>} : memref<8x8x128xf32, #tpu.memory_space<vmem>>, vector<16xf32>,
          tpu.vector_store %arg13[%swap3A_171, %swap3A_172, %swap3A_173], %gather3A_127 {strides = array<i32>} : memref<8x8x128xf32, #tpu.memory_space<vmem>>, vector<16xf32>,
          %broadcast_in_dim3A_175 = arith.constant 2 : i32
          %broadcast_in_dim3A_176 = vector.broadcast %broadcast_in_dim3A_175 : i32 to vector<16xi32>
          %gather3A_177 = tpu.vector_load_idx %arg7[%add3A_78, %broadcast_in_dim3A_176] : memref<2048x8xf32, #tpu.memory_space<vmem>>[vector<16xi32>, vector<16xi32>], vector<16xf32>,
          %jit3A_178 = arith.constant 8 : i32
          %div3A_179 = arith.divsi %scan3A_74, %jit3A_178 : i32
          %sign3A_180 = arith.constant 0 : i32
          %sign3A_181 = arith.cmpi sgt, %scan3A_74, %sign3A_180 : i32
          %sign3A_182 = arith.extui %sign3A_181 : i1 to i32
          %sign3A_183 = arith.constant 0 : i32
          %sign3A_184 = arith.cmpi slt, %scan3A_74, %sign3A_183 : i32
          %sign3A_185 = arith.extui %sign3A_184 : i1 to i32
          %sign3A_186 = arith.subi %sign3A_182, %sign3A_185 : i32
          %sign3A_187 = arith.constant 0 : i32
          %sign3A_188 = arith.cmpi sgt, %jit3A_178, %sign3A_187 : i32
          %sign3A_189 = arith.extui %sign3A_188 : i1 to i32
          %sign3A_190 = arith.constant 0 : i32
          %sign3A_191 = arith.cmpi slt, %jit3A_178, %sign3A_190 : i32
          %sign3A_192 = arith.extui %sign3A_191 : i1 to i32
          %sign3A_193 = arith.subi %sign3A_189, %sign3A_192 : i32
          %ne3A_194 = arith.cmpi ne, %sign3A_186, %sign3A_193 : i32
          %rem3A_195 = arith.remsi %scan3A_74, %jit3A_178 : i32
          %ne3A_196 = arith.constant 0 : i32
          %ne3A_197 = arith.cmpi ne, %rem3A_195, %ne3A_196 : i32
          %and3A_198 = arith.andi %ne3A_194, %ne3A_197 : i1
          %sub3A_199 = arith.constant 1 : i32
          %sub3A_200 = arith.subi %div3A_179, %sub3A_199 : i32
          %select_n3A_201 = arith.select %and3A_198, %sub3A_200, %div3A_179 : i32
          %jit3A_202 = arith.constant 8 : i32
          %eq3A_203 = arith.constant 0 : i32
          %eq3A_204 = arith.cmpi eq, %jit3A_202, %eq3A_203 : i32
          %jit3A_205 = arith.constant 1 : i32
          %select_n3A_206 = arith.select %eq3A_204, %jit3A_205, %jit3A_202 : i32
          %rem3A_207 = arith.remsi %scan3A_74, %select_n3A_206 : i32
          %ne3A_208 = arith.constant 0 : i32
          %ne3A_209 = arith.cmpi ne, %rem3A_207, %ne3A_208 : i32
          %lt3A_210 = arith.constant 0 : i32
          %lt3A_211 = arith.cmpi slt, %rem3A_207, %lt3A_210 : i32
          %lt3A_212 = arith.constant 0 : i32
          %lt3A_213 = arith.cmpi slt, %select_n3A_206, %lt3A_212 : i32
          %ne3A_214 = arith.xori %lt3A_211, %lt3A_213 : i1
          %and3A_215 = arith.andi %ne3A_214, %ne3A_209 : i1
          %add3A_216 = arith.addi %rem3A_207, %select_n3A_206 : i32
          %select_n3A_217 = arith.select %and3A_215, %add3A_216, %rem3A_207 : i32
          %mul3A_218 = arith.constant 16 : i32
          %mul3A_219 = arith.muli %select_n3A_217, %mul3A_218 : i32
          %swap3A_220 = arith.constant 2 : i32
          %swap3A_221 = arith.index_cast %swap3A_220 : i32 to index
          %swap3A_222 = arith.index_cast %select_n3A_201 : i32 to index
          %swap3A_223 = arith.index_cast %mul3A_219 : i32 to index
          %swap3A_224 = tpu.vector_load %arg13[%swap3A_221, %swap3A_222, %swap3A_223] {strides = array<i32>} : memref<8x8x128xf32, #tpu.memory_space<vmem>>, vector<16xf32>,
          tpu.vector_store %arg13[%swap3A_221, %swap3A_222, %swap3A_223], %gather3A_177 {strides = array<i32>} : memref<8x8x128xf32, #tpu.memory_space<vmem>>, vector<16xf32>,
          %broadcast_in_dim3A_225 = arith.constant 3 : i32
          %broadcast_in_dim3A_226 = vector.broadcast %broadcast_in_dim3A_225 : i32 to vector<16xi32>
          %gather3A_227 = tpu.vector_load_idx %arg7[%add3A_78, %broadcast_in_dim3A_226] : memref<2048x8xf32, #tpu.memory_space<vmem>>[vector<16xi32>, vector<16xi32>], vector<16xf32>,
          %jit3A_228 = arith.constant 8 : i32
          %div3A_229 = arith.divsi %scan3A_74, %jit3A_228 : i32
          %sign3A_230 = arith.constant 0 : i32
          %sign3A_231 = arith.cmpi sgt, %scan3A_74, %sign3A_230 : i32
          %sign3A_232 = arith.extui %sign3A_231 : i1 to i32
          %sign3A_233 = arith.constant 0 : i32
          %sign3A_234 = arith.cmpi slt, %scan3A_74, %sign3A_233 : i32
          %sign3A_235 = arith.extui %sign3A_234 : i1 to i32
          %sign3A_236 = arith.subi %sign3A_232, %sign3A_235 : i32
          %sign3A_237 = arith.constant 0 : i32
          %sign3A_238 = arith.cmpi sgt, %jit3A_228, %sign3A_237 : i32
          %sign3A_239 = arith.extui %sign3A_238 : i1 to i32
          %sign3A_240 = arith.constant 0 : i32
          %sign3A_241 = arith.cmpi slt, %jit3A_228, %sign3A_240 : i32
          %sign3A_242 = arith.extui %sign3A_241 : i1 to i32
          %sign3A_243 = arith.subi %sign3A_239, %sign3A_242 : i32
          %ne3A_244 = arith.cmpi ne, %sign3A_236, %sign3A_243 : i32
          %rem3A_245 = arith.remsi %scan3A_74, %jit3A_228 : i32
          %ne3A_246 = arith.constant 0 : i32
          %ne3A_247 = arith.cmpi ne, %rem3A_245, %ne3A_246 : i32
          %and3A_248 = arith.andi %ne3A_244, %ne3A_247 : i1
          %sub3A_249 = arith.constant 1 : i32
          %sub3A_250 = arith.subi %div3A_229, %sub3A_249 : i32
          %select_n3A_251 = arith.select %and3A_248, %sub3A_250, %div3A_229 : i32
          %jit3A_252 = arith.constant 8 : i32
          %eq3A_253 = arith.constant 0 : i32
          %eq3A_254 = arith.cmpi eq, %jit3A_252, %eq3A_253 : i32
          %jit3A_255 = arith.constant 1 : i32
          %select_n3A_256 = arith.select %eq3A_254, %jit3A_255, %jit3A_252 : i32
          %rem3A_257 = arith.remsi %scan3A_74, %select_n3A_256 : i32
          %ne3A_258 = arith.constant 0 : i32
          %ne3A_259 = arith.cmpi ne, %rem3A_257, %ne3A_258 : i32
          %lt3A_260 = arith.constant 0 : i32
          %lt3A_261 = arith.cmpi slt, %rem3A_257, %lt3A_260 : i32
          %lt3A_262 = arith.constant 0 : i32
          %lt3A_263 = arith.cmpi slt, %select_n3A_256, %lt3A_262 : i32
          %ne3A_264 = arith.xori %lt3A_261, %lt3A_263 : i1
          %and3A_265 = arith.andi %ne3A_264, %ne3A_259 : i1
          %add3A_266 = arith.addi %rem3A_257, %select_n3A_256 : i32
          %select_n3A_267 = arith.select %and3A_265, %add3A_266, %rem3A_257 : i32
          %mul3A_268 = arith.constant 16 : i32
          %mul3A_269 = arith.muli %select_n3A_267, %mul3A_268 : i32
          %swap3A_270 = arith.constant 3 : i32
          %swap3A_271 = arith.index_cast %swap3A_270 : i32 to index
          %swap3A_272 = arith.index_cast %select_n3A_251 : i32 to index
          %swap3A_273 = arith.index_cast %mul3A_269 : i32 to index
          %swap3A_274 = tpu.vector_load %arg13[%swap3A_271, %swap3A_272, %swap3A_273] {strides = array<i32>} : memref<8x8x128xf32, #tpu.memory_space<vmem>>, vector<16xf32>,
          tpu.vector_store %arg13[%swap3A_271, %swap3A_272, %swap3A_273], %gather3A_227 {strides = array<i32>} : memref<8x8x128xf32, #tpu.memory_space<vmem>>, vector<16xf32>,
          %broadcast_in_dim3A_275 = arith.constant 4 : i32
          %broadcast_in_dim3A_276 = vector.broadcast %broadcast_in_dim3A_275 : i32 to vector<16xi32>
          %gather3A_277 = tpu.vector_load_idx %arg7[%add3A_78, %broadcast_in_dim3A_276] : memref<2048x8xf32, #tpu.memory_space<vmem>>[vector<16xi32>, vector<16xi32>], vector<16xf32>,
          %jit3A_278 = arith.constant 8 : i32
          %div3A_279 = arith.divsi %scan3A_74, %jit3A_278 : i32
          %sign3A_280 = arith.constant 0 : i32
          %sign3A_281 = arith.cmpi sgt, %scan3A_74, %sign3A_280 : i32
          %sign3A_282 = arith.extui %sign3A_281 : i1 to i32
          %sign3A_283 = arith.constant 0 : i32
          %sign3A_284 = arith.cmpi slt, %scan3A_74, %sign3A_283 : i32
          %sign3A_285 = arith.extui %sign3A_284 : i1 to i32
          %sign3A_286 = arith.subi %sign3A_282, %sign3A_285 : i32
          %sign3A_287 = arith.constant 0 : i32
          %sign3A_288 = arith.cmpi sgt, %jit3A_278, %sign3A_287 : i32
          %sign3A_289 = arith.extui %sign3A_288 : i1 to i32
          %sign3A_290 = arith.constant 0 : i32
          %sign3A_291 = arith.cmpi slt, %jit3A_278, %sign3A_290 : i32
          %sign3A_292 = arith.extui %sign3A_291 : i1 to i32
          %sign3A_293 = arith.subi %sign3A_289, %sign3A_292 : i32
          %ne3A_294 = arith.cmpi ne, %sign3A_286, %sign3A_293 : i32
          %rem3A_295 = arith.remsi %scan3A_74, %jit3A_278 : i32
          %ne3A_296 = arith.constant 0 : i32
          %ne3A_297 = arith.cmpi ne, %rem3A_295, %ne3A_296 : i32
          %and3A_298 = arith.andi %ne3A_294, %ne3A_297 : i1
          %sub3A_299 = arith.constant 1 : i32
          %sub3A_300 = arith.subi %div3A_279, %sub3A_299 : i32
          %select_n3A_301 = arith.select %and3A_298, %sub3A_300, %div3A_279 : i32
          %jit3A_302 = arith.constant 8 : i32
          %eq3A_303 = arith.constant 0 : i32
          %eq3A_304 = arith.cmpi eq, %jit3A_302, %eq3A_303 : i32
          %jit3A_305 = arith.constant 1 : i32
          %select_n3A_306 = arith.select %eq3A_304, %jit3A_305, %jit3A_302 : i32
          %rem3A_307 = arith.remsi %scan3A_74, %select_n3A_306 : i32
          %ne3A_308 = arith.constant 0 : i32
          %ne3A_309 = arith.cmpi ne, %rem3A_307, %ne3A_308 : i32
          %lt3A_310 = arith.constant 0 : i32
          %lt3A_311 = arith.cmpi slt, %rem3A_307, %lt3A_310 : i32
          %lt3A_312 = arith.constant 0 : i32
          %lt3A_313 = arith.cmpi slt, %select_n3A_306, %lt3A_312 : i32
          %ne3A_314 = arith.xori %lt3A_311, %lt3A_313 : i1
          %and3A_315 = arith.andi %ne3A_314, %ne3A_309 : i1
          %add3A_316 = arith.addi %rem3A_307, %select_n3A_306 : i32
          %select_n3A_317 = arith.select %and3A_315, %add3A_316, %rem3A_307 : i32
          %mul3A_318 = arith.constant 16 : i32
          %mul3A_319 = arith.muli %select_n3A_317, %mul3A_318 : i32
          %swap3A_320 = arith.constant 4 : i32
          %swap3A_321 = arith.index_cast %swap3A_320 : i32 to index
          %swap3A_322 = arith.index_cast %select_n3A_301 : i32 to index
          %swap3A_323 = arith.index_cast %mul3A_319 : i32 to index
          %swap3A_324 = tpu.vector_load %arg13[%swap3A_321, %swap3A_322, %swap3A_323] {strides = array<i32>} : memref<8x8x128xf32, #tpu.memory_space<vmem>>, vector<16xf32>,
          tpu.vector_store %arg13[%swap3A_321, %swap3A_322, %swap3A_323], %gather3A_277 {strides = array<i32>} : memref<8x8x128xf32, #tpu.memory_space<vmem>>, vector<16xf32>,
          %broadcast_in_dim3A_325 = arith.constant 5 : i32
          %broadcast_in_dim3A_326 = vector.broadcast %broadcast_in_dim3A_325 : i32 to vector<16xi32>
          %gather3A_327 = tpu.vector_load_idx %arg7[%add3A_78, %broadcast_in_dim3A_326] : memref<2048x8xf32, #tpu.memory_space<vmem>>[vector<16xi32>, vector<16xi32>], vector<16xf32>,
          %jit3A_328 = arith.constant 8 : i32
          %div3A_329 = arith.divsi %scan3A_74, %jit3A_328 : i32
          %sign3A_330 = arith.constant 0 : i32
          %sign3A_331 = arith.cmpi sgt, %scan3A_74, %sign3A_330 : i32
          %sign3A_332 = arith.extui %sign3A_331 : i1 to i32
          %sign3A_333 = arith.constant 0 : i32
          %sign3A_334 = arith.cmpi slt, %scan3A_74, %sign3A_333 : i32
          %sign3A_335 = arith.extui %sign3A_334 : i1 to i32
          %sign3A_336 = arith.subi %sign3A_332, %sign3A_335 : i32
          %sign3A_337 = arith.constant 0 : i32
          %sign3A_338 = arith.cmpi sgt, %jit3A_328, %sign3A_337 : i32
          %sign3A_339 = arith.extui %sign3A_338 : i1 to i32
          %sign3A_340 = arith.constant 0 : i32
          %sign3A_341 = arith.cmpi slt, %jit3A_328, %sign3A_340 : i32
          %sign3A_342 = arith.extui %sign3A_341 : i1 to i32
          %sign3A_343 = arith.subi %sign3A_339, %sign3A_342 : i32
          %ne3A_344 = arith.cmpi ne, %sign3A_336, %sign3A_343 : i32
          %rem3A_345 = arith.remsi %scan3A_74, %jit3A_328 : i32
          %ne3A_346 = arith.constant 0 : i32
          %ne3A_347 = arith.cmpi ne, %rem3A_345, %ne3A_346 : i32
          %and3A_348 = arith.andi %ne3A_344, %ne3A_347 : i1
          %sub3A_349 = arith.constant 1 : i32
          %sub3A_350 = arith.subi %div3A_329, %sub3A_349 : i32
          %select_n3A_351 = arith.select %and3A_348, %sub3A_350, %div3A_329 : i32
          %jit3A_352 = arith.constant 8 : i32
          %eq3A_353 = arith.constant 0 : i32
          %eq3A_354 = arith.cmpi eq, %jit3A_352, %eq3A_353 : i32
          %jit3A_355 = arith.constant 1 : i32
          %select_n3A_356 = arith.select %eq3A_354, %jit3A_355, %jit3A_352 : i32
          %rem3A_357 = arith.remsi %scan3A_74, %select_n3A_356 : i32
          %ne3A_358 = arith.constant 0 : i32
          %ne3A_359 = arith.cmpi ne, %rem3A_357, %ne3A_358 : i32
          %lt3A_360 = arith.constant 0 : i32
          %lt3A_361 = arith.cmpi slt, %rem3A_357, %lt3A_360 : i32
          %lt3A_362 = arith.constant 0 : i32
          %lt3A_363 = arith.cmpi slt, %select_n3A_356, %lt3A_362 : i32
          %ne3A_364 = arith.xori %lt3A_361, %lt3A_363 : i1
          %and3A_365 = arith.andi %ne3A_364, %ne3A_359 : i1
          %add3A_366 = arith.addi %rem3A_357, %select_n3A_356 : i32
          %select_n3A_367 = arith.select %and3A_365, %add3A_366, %rem3A_357 : i32
          %mul3A_368 = arith.constant 16 : i32
          %mul3A_369 = arith.muli %select_n3A_367, %mul3A_368 : i32
          %swap3A_370 = arith.constant 5 : i32
          %swap3A_371 = arith.index_cast %swap3A_370 : i32 to index
          %swap3A_372 = arith.index_cast %select_n3A_351 : i32 to index
          %swap3A_373 = arith.index_cast %mul3A_369 : i32 to index
          %swap3A_374 = tpu.vector_load %arg13[%swap3A_371, %swap3A_372, %swap3A_373] {strides = array<i32>} : memref<8x8x128xf32, #tpu.memory_space<vmem>>, vector<16xf32>,
          tpu.vector_store %arg13[%swap3A_371, %swap3A_372, %swap3A_373], %gather3A_327 {strides = array<i32>} : memref<8x8x128xf32, #tpu.memory_space<vmem>>, vector<16xf32>,
          %broadcast_in_dim3A_375 = arith.constant 6 : i32
          %broadcast_in_dim3A_376 = vector.broadcast %broadcast_in_dim3A_375 : i32 to vector<16xi32>
          %gather3A_377 = tpu.vector_load_idx %arg7[%add3A_78, %broadcast_in_dim3A_376] : memref<2048x8xf32, #tpu.memory_space<vmem>>[vector<16xi32>, vector<16xi32>], vector<16xf32>,
          %jit3A_378 = arith.constant 8 : i32
          %div3A_379 = arith.divsi %scan3A_74, %jit3A_378 : i32
          %sign3A_380 = arith.constant 0 : i32
          %sign3A_381 = arith.cmpi sgt, %scan3A_74, %sign3A_380 : i32
          %sign3A_382 = arith.extui %sign3A_381 : i1 to i32
          %sign3A_383 = arith.constant 0 : i32
          %sign3A_384 = arith.cmpi slt, %scan3A_74, %sign3A_383 : i32
          %sign3A_385 = arith.extui %sign3A_384 : i1 to i32
          %sign3A_386 = arith.subi %sign3A_382, %sign3A_385 : i32
          %sign3A_387 = arith.constant 0 : i32
          %sign3A_388 = arith.cmpi sgt, %jit3A_378, %sign3A_387 : i32
          %sign3A_389 = arith.extui %sign3A_388 : i1 to i32
          %sign3A_390 = arith.constant 0 : i32
          %sign3A_391 = arith.cmpi slt, %jit3A_378, %sign3A_390 : i32
          %sign3A_392 = arith.extui %sign3A_391 : i1 to i32
          %sign3A_393 = arith.subi %sign3A_389, %sign3A_392 : i32
          %ne3A_394 = arith.cmpi ne, %sign3A_386, %sign3A_393 : i32
          %rem3A_395 = arith.remsi %scan3A_74, %jit3A_378 : i32
          %ne3A_396 = arith.constant 0 : i32
          %ne3A_397 = arith.cmpi ne, %rem3A_395, %ne3A_396 : i32
          %and3A_398 = arith.andi %ne3A_394, %ne3A_397 : i1
          %sub3A_399 = arith.constant 1 : i32
          %sub3A_400 = arith.subi %div3A_379, %sub3A_399 : i32
          %select_n3A_401 = arith.select %and3A_398, %sub3A_400, %div3A_379 : i32
          %jit3A_402 = arith.constant 8 : i32
          %eq3A_403 = arith.constant 0 : i32
          %eq3A_404 = arith.cmpi eq, %jit3A_402, %eq3A_403 : i32
          %jit3A_405 = arith.constant 1 : i32
          %select_n3A_406 = arith.select %eq3A_404, %jit3A_405, %jit3A_402 : i32
          %rem3A_407 = arith.remsi %scan3A_74, %select_n3A_406 : i32
          %ne3A_408 = arith.constant 0 : i32
          %ne3A_409 = arith.cmpi ne, %rem3A_407, %ne3A_408 : i32
          %lt3A_410 = arith.constant 0 : i32
          %lt3A_411 = arith.cmpi slt, %rem3A_407, %lt3A_410 : i32
          %lt3A_412 = arith.constant 0 : i32
          %lt3A_413 = arith.cmpi slt, %select_n3A_406, %lt3A_412 : i32
          %ne3A_414 = arith.xori %lt3A_411, %lt3A_413 : i1
          %and3A_415 = arith.andi %ne3A_414, %ne3A_409 : i1
          %add3A_416 = arith.addi %rem3A_407, %select_n3A_406 : i32
          %select_n3A_417 = arith.select %and3A_415, %add3A_416, %rem3A_407 : i32
          %mul3A_418 = arith.constant 16 : i32
          %mul3A_419 = arith.muli %select_n3A_417, %mul3A_418 : i32
          %swap3A_420 = arith.constant 6 : i32
          %swap3A_421 = arith.index_cast %swap3A_420 : i32 to index
          %swap3A_422 = arith.index_cast %select_n3A_401 : i32 to index
          %swap3A_423 = arith.index_cast %mul3A_419 : i32 to index
          %swap3A_424 = tpu.vector_load %arg13[%swap3A_421, %swap3A_422, %swap3A_423] {strides = array<i32>} : memref<8x8x128xf32, #tpu.memory_space<vmem>>, vector<16xf32>,
          tpu.vector_store %arg13[%swap3A_421, %swap3A_422, %swap3A_423], %gather3A_377 {strides = array<i32>} : memref<8x8x128xf32, #tpu.memory_space<vmem>>, vector<16xf32>,
          %broadcast_in_dim3A_425 = arith.constant 7 : i32
          %broadcast_in_dim3A_426 = vector.broadcast %broadcast_in_dim3A_425 : i32 to vector<16xi32>
          %gather3A_427 = tpu.vector_load_idx %arg7[%add3A_78, %broadcast_in_dim3A_426] : memref<2048x8xf32, #tpu.memory_space<vmem>>[vector<16xi32>, vector<16xi32>], vector<16xf32>,
          %jit3A_428 = arith.constant 8 : i32
          %div3A_429 = arith.divsi %scan3A_74, %jit3A_428 : i32
          %sign3A_430 = arith.constant 0 : i32
          %sign3A_431 = arith.cmpi sgt, %scan3A_74, %sign3A_430 : i32
          %sign3A_432 = arith.extui %sign3A_431 : i1 to i32
          %sign3A_433 = arith.constant 0 : i32
          %sign3A_434 = arith.cmpi slt, %scan3A_74, %sign3A_433 : i32
          %sign3A_435 = arith.extui %sign3A_434 : i1 to i32
          %sign3A_436 = arith.subi %sign3A_432, %sign3A_435 : i32
          %sign3A_437 = arith.constant 0 : i32
          %sign3A_438 = arith.cmpi sgt, %jit3A_428, %sign3A_437 : i32
          %sign3A_439 = arith.extui %sign3A_438 : i1 to i32
          %sign3A_440 = arith.constant 0 : i32
          %sign3A_441 = arith.cmpi slt, %jit3A_428, %sign3A_440 : i32
          %sign3A_442 = arith.extui %sign3A_441 : i1 to i32
          %sign3A_443 = arith.subi %sign3A_439, %sign3A_442 : i32
          %ne3A_444 = arith.cmpi ne, %sign3A_436, %sign3A_443 : i32
          %rem3A_445 = arith.remsi %scan3A_74, %jit3A_428 : i32
          %ne3A_446 = arith.constant 0 : i32
          %ne3A_447 = arith.cmpi ne, %rem3A_445, %ne3A_446 : i32
          %and3A_448 = arith.andi %ne3A_444, %ne3A_447 : i1
          %sub3A_449 = arith.constant 1 : i32
          %sub3A_450 = arith.subi %div3A_429, %sub3A_449 : i32
          %select_n3A_451 = arith.select %and3A_448, %sub3A_450, %div3A_429 : i32
          %jit3A_452 = arith.constant 8 : i32
          %eq3A_453 = arith.constant 0 : i32
          %eq3A_454 = arith.cmpi eq, %jit3A_452, %eq3A_453 : i32
          %jit3A_455 = arith.constant 1 : i32
          %select_n3A_456 = arith.select %eq3A_454, %jit3A_455, %jit3A_452 : i32
          %rem3A_457 = arith.remsi %scan3A_74, %select_n3A_456 : i32
          %ne3A_458 = arith.constant 0 : i32
          %ne3A_459 = arith.cmpi ne, %rem3A_457, %ne3A_458 : i32
          %lt3A_460 = arith.constant 0 : i32
          %lt3A_461 = arith.cmpi slt, %rem3A_457, %lt3A_460 : i32
          %lt3A_462 = arith.constant 0 : i32
          %lt3A_463 = arith.cmpi slt, %select_n3A_456, %lt3A_462 : i32
          %ne3A_464 = arith.xori %lt3A_461, %lt3A_463 : i1
          %and3A_465 = arith.andi %ne3A_464, %ne3A_459 : i1
          %add3A_466 = arith.addi %rem3A_457, %select_n3A_456 : i32
          %select_n3A_467 = arith.select %and3A_465, %add3A_466, %rem3A_457 : i32
          %mul3A_468 = arith.constant 16 : i32
          %mul3A_469 = arith.muli %select_n3A_467, %mul3A_468 : i32
          %swap3A_470 = arith.constant 7 : i32
          %swap3A_471 = arith.index_cast %swap3A_470 : i32 to index
          %swap3A_472 = arith.index_cast %select_n3A_451 : i32 to index
          %swap3A_473 = arith.index_cast %mul3A_469 : i32 to index
          %swap3A_474 = tpu.vector_load %arg13[%swap3A_471, %swap3A_472, %swap3A_473] {strides = array<i32>} : memref<8x8x128xf32, #tpu.memory_space<vmem>>, vector<16xf32>,
          tpu.vector_store %arg13[%swap3A_471, %swap3A_472, %swap3A_473], %gather3A_427 {strides = array<i32>} : memref<8x8x128xf32, #tpu.memory_space<vmem>>, vector<16xf32>,
        }
        %scan3A_52 = arith.constant 64 : i32
        %mul3A_53 = arith.constant 8 : i32
        %mul3A_54 = arith.muli %scan3A_6, %mul3A_53 : i32
        %mul3A_55 = arith.constant 1024 : i32
        %mul3A_56 = arith.muli %scan3A_38, %mul3A_55 : i32
        %add3A_57 = arith.addi %mul3A_0, %mul3A_56 : i32
        %jit3A = arith.constant 128 : i32
        %div3A = arith.divsi %add3A_57, %jit3A : i32
        %sign3A = arith.constant 0 : i32
        %sign3A_58 = arith.cmpi sgt, %add3A_57, %sign3A : i32
        %sign3A_59 = arith.extui %sign3A_58 : i1 to i32
        %sign3A_60 = arith.constant 0 : i32
        %sign3A_61 = arith.cmpi slt, %add3A_57, %sign3A_60 : i32
        %sign3A_62 = arith.extui %sign3A_61 : i1 to i32
        %sign3A_63 = arith.subi %sign3A_59, %sign3A_62 : i32
        %sign3A_64 = arith.constant 0 : i32
        %sign3A_65 = arith.cmpi sgt, %jit3A, %sign3A_64 : i32
        %sign3A_66 = arith.extui %sign3A_65 : i1 to i32
        %sign3A_67 = arith.constant 0 : i32
        %sign3A_68 = arith.cmpi slt, %jit3A, %sign3A_67 : i32
        %sign3A_69 = arith.extui %sign3A_68 : i1 to i32
        %sign3A_70 = arith.subi %sign3A_66, %sign3A_69 : i32
        %ne3A = arith.cmpi ne, %sign3A_63, %sign3A_70 : i32
        %rem3A = arith.remsi %add3A_57, %jit3A : i32
        %ne3A_71 = arith.constant 0 : i32
        %ne3A_72 = arith.cmpi ne, %rem3A, %ne3A_71 : i32
        %and3A = arith.andi %ne3A, %ne3A_72 : i1
        %sub3A = arith.constant 1 : i32
        %sub3A_73 = arith.subi %div3A, %sub3A : i32
        %select_n3A = arith.select %and3A, %sub3A_73, %div3A : i32
        "tpu.region"() ({
          %run_scoped3A = tpu.sem_alloc : memref<!tpu.dma_semaphore, #tpu.memory_space<semaphore_mem>>
          %dma_start3A = arith.constant 0 : i32
          %dma_start3A_74 = tpu.memref_slice %arg4[%arg0, %mul3A_54, %select_n3A, %dma_start3A] : memref<2x96x1152x128xf32, #tpu.memory_space<hbm>> -> memref<1x8x8x128xf32, #tpu.memory_space<hbm>>
          %dma_start3A_75 = tpu.memref_squeeze %dma_start3A_74 : memref<1x8x8x128xf32, #tpu.memory_space<hbm>> -> memref<8x8x128xf32, #tpu.memory_space<hbm>>
          %dma_start3A_76 = arith.constant 0 : i32
          %dma_start3A_77 = tpu.memref_slice %arg4[%arg0, %mul3A_54, %select_n3A, %dma_start3A_76] : memref<2x96x1152x128xf32, #tpu.memory_space<hbm>> -> memref<1x8x8x128xf32, #tpu.memory_space<hbm>>
          %dma_start3A_78 = tpu.memref_squeeze %dma_start3A_77 : memref<1x8x8x128xf32, #tpu.memory_space<hbm>> -> memref<8x8x128xf32, #tpu.memory_space<hbm>>
          tpu.enqueue_dma source(%arg13 : memref<8x8x128xf32, #tpu.memory_space<vmem>>) target(%dma_start3A_78 : memref<8x8x128xf32, #tpu.memory_space<hbm>>) target_semaphore(%run_scoped3A : memref<!tpu.dma_semaphore, #tpu.memory_space<semaphore_mem>>)
          %dma_wait3A_79 = arith.constant 0 : i32
          %dma_wait3A_80 = tpu.memref_slice %arg4[%arg0, %mul3A_54, %select_n3A, %dma_wait3A_79] : memref<2x96x1152x128xf32, #tpu.memory_space<hbm>> -> memref<1x8x8x128xf32, #tpu.memory_space<hbm>>
          %dma_wait3A_81 = tpu.memref_squeeze %dma_wait3A_80 : memref<1x8x8x128xf32, #tpu.memory_space<hbm>> -> memref<8x8x128xf32, #tpu.memory_space<hbm>>
          %dma_wait3A_82 = arith.constant 0 : i32
          %dma_wait3A_83 = tpu.memref_slice %arg4[%arg0, %mul3A_54, %select_n3A, %dma_wait3A_82] : memref<2x96x1152x128xf32, #tpu.memory_space<hbm>> -> memref<1x8x8x128xf32, #tpu.memory_space<hbm>>
          %dma_wait3A_84 = tpu.memref_squeeze %dma_wait3A_83 : memref<1x8x8x128xf32, #tpu.memory_space<hbm>> -> memref<8x8x128xf32, #tpu.memory_space<hbm>>
          tpu.wait_dma2 semaphore(%run_scoped3A : memref<!tpu.dma_semaphore, #tpu.memory_space<semaphore_mem>>) src(%arg13 : memref<8x8x128xf32, #tpu.memory_space<vmem>>) dst(%dma_wait3A_84 : memref<8x8x128xf32, #tpu.memory_space<hbm>>)
          tpu.yield
        }) : () -> ()
      }
      %scan3A_37 = arith.constant 9 : i32
    }
    %scan3A_5 = arith.constant 12 : i32
    return
  }
}

</mosaic_0001>

<sc_bundles>
// kernel: kernel.3.cloned.1.call-start
scs
__scs_entry_jumppad:
0x0: {  	(pc) =	sbr.rel $0x88, $3  }
0x1: {  	(tag) =	ssettag $0x0;
	lr =	simm.s32 $0x1  }
0x2: {  	[smem:$0x3F9F] =	sst lr;
	_ =	strace $0xD0000000  }
0x3: {  	_ = 	snop  }
0x4: {  	_ = 	snop  }
0x5: {  	_ = 	snop  }
0x6: {  	_ = 	snop  }
0x7: {  	_ = 	snop  }
__scs_overlays_trampoline_lowered:
0x8: {  	[smem:$0x3FAE] =	sst s0  }
0x9: {  	[smem:$0x3FAF] =	sst s1  }
0xa: {  	[smem:$0x3FB0] =	sst s2  }
0xb: {  	[smem:$0x3FB1] =	sst s3  }
0xc: {  	[smem:$0x3FB2] =	sst s4  }
0xd: {  	[smem:$0x3FB3] =	sst s5  }
0xe: {  	[smem:$0x3FB4] =	sst s6  }
0xf: {  	[smem:$0x3FB5] =	sst s7  }
0x10: {  	[smem:$0x3FB6] =	sst s8  }
0x11: {  	[smem:$0x3FB7] =	sst s9;
	s0 =	simm.s32 @!p0 $0x0  }
0x12: {  	s1 =	sld [smem:$0x3F9D];
	s0 =	simm.s32 @p0 $0x1  }
0x13: {  	[smem:$0x3FB8] =	sst s0;
	s0 =	simm.s32 @!p1 $0x0  }
0x14: {  	s2 =	sld [smem:$0x3F9C];
	s0 =	simm.s32 @p1 $0x1  }
0x15: {  	[smem:$0x3FB9] =	sst s0;
	s0 =	simm.s32 @!p2 $0x0  }
0x16: {  	s3 =	sld [smem:$0x3FDB];
	s0 =	simm.s32 @p2 $0x1  }
0x17: {  	s4 =	simm.s32 $0x1BF5;
	[smem:$0x3FBB] =	sst s0  }
0x18: {  	s0 =	sld [smem:$0x3F9E];
	_ =	swait.ge [sflag:s4], $0x0  }
0x19: {  	s7 =	sld [smem:$0x3F9F]  }
0x1a: {  	s8 =	sadd.s32 $0xFFFFE003, lr  }
0x1b: {  	s9 =	sadd.s32 $0xFFFFFEF7, lr;
	s5 =	simm.s32 $0xFFFFFFFF;
	p2 =	slt.u32 s8, $0xFFFFF086  }
0x1c: {  	p1 =	slt.u32 s9, $0xF7A;
	s5 =	simm.s32 @!p2 $0x0  }
0x1d: {  	s5 =	simm.s32 @p1 $0x1;
	p0 =	seq.s32 s7, s2  }
0x1e: {  	s7 =	smul.u32 @!p0 $0xF7A, s2;
	p2 =	seq.s32 @!p0 s5, $0x0  }
0x1f: {  	s9 =	smul.u32 $0xF7A, s1;
	s8 =	simm.s32 @!p0 $0x1BF5;
	p2 =	por !p2, p0  }
0x20: {  	[sflag:s8] =	ssyncset.s32 @!p0 $0xFFFFF086;
	s6 =	sadd.s32 @!p0 s3, s7;
	s7 =	simm.s32 @!p0 $0x108  }
0x21: {  	s3 =	sadd.s32 s3, s9;
	s6 =	sadd.s32 @!p0 $0x88, s6;
	s7 =	simm.s32 @p2 $0x1082  }
0x22: {  	[simem:s7], [sflag:s8] =	dma.local @!p0 [hbm:s6], $0xF7A  }
0x23: {  	s9 =	sor.u32 $0xD0000000, s2;
	s6 =	simm.s32 $0x108;
	_ =	swait.ge @!p0 [sflag:s8], $0x0  }
0x24: {  	s3 =	sadd.s32 $0x88, s3;
	s6 =	simm.s32 @!p1 $0x1082;
	[sflag:s4] =	ssyncset.s32 $0xFFFFF086  }
0x25: {  	[simem:s6], [sflag:s4] =	dma.local [hbm:s3], $0xF7A  }
0x26: {  	[smem:$0x3F9F] =	sst s1;
	(tag) =	ssettag s2;
	_ =	strace s9  }
0x27: {  	s1 =	sld [smem:$0x3FAF]  }
0x28: {  	s2 =	sld [smem:$0x3FB0]  }
0x29: {  	s4 =	sld [smem:$0x3FB2]  }
0x2a: {  	p0 =	seq.s32 s5, $0x0;
	s5 =	sld [smem:$0x3FB3]  }
0x2b: {  	s6 =	sld [smem:$0x3FB4]  }
0x2c: {  	s7 =	sld [smem:$0x3FB5]  }
0x2d: {  	s3 =	simm.s32 $0x108;
	s8 =	sld [smem:$0x3FB6]  }
0x2e: {  	s3 =	simm.s32 @!p0 $0x1082;
	s9 =	sld [smem:$0x3FB7]  }
0x2f: {  	lr =	sadd.s32 s0, s3;
	s0 =	sld [smem:$0x3FAE]  }
0x30: {  	s3 =	sld [smem:$0x3FB1]  }
0x31: {  	[smem:$0x3FBA] =	sst s10  }
0x32: {  	s10 =	sld [smem:$0x3FB8];
	_ =	sdelay $0x3  }
0x33: {  	p0 =	seq.s32 s10, $0x1;
	s10 =	sld [smem:$0x3FBA];
	_ =	sdelay $0x3  }
0x34: {  	[smem:$0x3FBA] =	sst s10  }
0x35: {  	s10 =	sld [smem:$0x3FB9];
	_ =	sdelay $0x3  }
0x36: {  	p1 =	seq.s32 s10, $0x1;
	s10 =	sld [smem:$0x3FBA];
	_ =	sdelay $0x3  }
0x37: {  	[smem:$0x3FBA] =	sst s10  }
0x38: {  	s10 =	sld [smem:$0x3FBB]  }
0x39: {  	_ = 	snop;
	(pc) =	sbr.ind lr, $3  }
0x3a: {  	_ = 	snop  }
0x3b: {  	_ = 	snop  }
0x3c: {  	p2 =	seq.s32 s10, $0x1;
	s10 =	sld [smem:$0x3FBA]  }
0x3d: {  	_ =	shalt  }
0x3e: {  	_ =	shalt  }
0x3f: {  	_ =	shalt  }
0x40: {  	_ =	shalt  }
0x41: {  	_ =	shalt  }
0x42: {  	_ =	shalt  }
0x43: {  	_ =	shalt  }
0x44: {  	_ =	shalt  }
0x45: {  	_ =	shalt  }
0x46: {  	_ =	shalt  }
0x47: {  	_ =	shalt  }
0x48: {  	_ =	shalt  }
0x49: {  	_ =	shalt  }
0x4a: {  	_ =	shalt  }
0x4b: {  	_ =	shalt  }
0x4c: {  	_ =	shalt  }
0x4d: {  	_ =	shalt  }
0x4e: {  	_ =	shalt  }
0x4f: {  	_ =	shalt  }
0x50: {  	_ =	shalt  }
0x51: {  	_ =	shalt  }
0x52: {  	_ =	shalt  }
0x53: {  	_ =	shalt  }
0x54: {  	_ =	shalt  }
0x55: {  	_ =	shalt  }
0x56: {  	_ =	shalt  }
0x57: {  	_ =	shalt  }
0x58: {  	_ =	shalt  }
0x59: {  	_ =	shalt  }
0x5a: {  	_ =	shalt  }
0x5b: {  	_ =	shalt  }
0x5c: {  	_ =	shalt  }
0x5d: {  	_ =	shalt  }
0x5e: {  	_ =	shalt  }
0x5f: {  	_ =	shalt  }
0x60: {  	_ =	shalt  }
0x61: {  	_ =	shalt  }
0x62: {  	_ =	shalt  }
0x63: {  	_ =	shalt  }
0x64: {  	_ =	shalt  }
0x65: {  	_ =	shalt  }
0x66: {  	_ =	shalt  }
0x67: {  	_ =	shalt  }
0x68: {  	_ =	shalt  }
0x69: {  	_ =	shalt  }
0x6a: {  	_ =	shalt  }
0x6b: {  	_ =	shalt  }
0x6c: {  	_ =	shalt  }
0x6d: {  	_ =	shalt  }
0x6e: {  	_ =	shalt  }
0x6f: {  	_ =	shalt  }
0x70: {  	_ =	shalt  }
0x71: {  	_ =	shalt  }
0x72: {  	_ =	shalt  }
0x73: {  	_ =	shalt  }
0x74: {  	_ =	shalt  }
0x75: {  	_ =	shalt  }
0x76: {  	_ =	shalt  }
0x77: {  	_ =	shalt  }
0x78: {  	_ =	shalt  }
0x79: {  	_ =	shalt  }
0x7a: {  	_ =	shalt  }
0x7b: {  	_ =	shalt  }
0x7c: {  	_ =	shalt  }
0x7d: {  	_ =	shalt  }
0x7e: {  	_ =	shalt  }
0x7f: {  	_ =	shalt  }
0x80: {  	_ =	shalt  }
0x81: {  	_ =	shalt  }
0x82: {  	_ =	shalt  }
0x83: {  	_ =	shalt  }
0x84: {  	_ =	shalt  }
0x85: {  	_ =	shalt  }
0x86: {  	_ =	shalt  }
0x87: {  	_ =	shalt  }
.Lfunc_end0:
.L_simem_size_0:
called_computation_lowered:
.L_overlay_start_0:
0x88: {  	s2 =	sld [smem:$0x3FD9]  }
0x89: {  	s3 =	sld [smem:$0x3FFE];
	_ =	sdelay $0x1  }
0x8a: {  	s1 =	srdreg.scid  }
0x8b: {  	s0 =	sand.u32 $0x1, s1  }
0x8c: {  	s17 =	sshll.u32 s0, $0xA;
	s2 =	sadd.s32 s3, s2  }
0x8d: {  	s2 =	sadd.s32 s2, s17  }
0x8e: {  	[smem:$0x3FC6] =	sst s2  }
0x8f: {  	_ = 	snop  }
0x90: {  	s2 =	sld [smem:$0x3FD0];
	(tm) =	ssettm $0x1  }
0x91: {  	s18 =	sld [smem:$0x3FFB];
	_ =	sdelay $0x3  }
0x92: {  	_ =	strace s18  }
0x93: {  	s3 =	sld [smem:$0x3FFC];
	_ =	sdelay $0x3  }
0x94: {  	_ =	strace s3  }
0x95: {  	s3 =	sld [smem:$0x3FFD];
	_ =	sdelay $0x3  }
0x96: {  	_ =	strace s3  }
0x97: {  	_ =	strace $0x8FFFFFFF  }
0x98: {  	s19 =	sld [smem:$0x3FDB];
	_ =	sdelay $0x1  }
0x99: {  	s4 =	simm.s32 $_scs_section_size  }
0x9a: {  	s5 =	simm.s32 $_size__tile_overlayer_lowered;
	s6 =	simm.s32 $_tile_overlayer_lowered  }
0x9b: {  	s22 =	simm.s32 $0x1BFF;
	s21 =	sshll.u32 s6, $0x1;
	s3 =	sadd.s32 s4, s19  }
0x9c: {  	s7 =	simm.s32 $0x0;
	s20 =	sshll.u32 s5, $0x1;
	s5 =	sadd.s32 s21, s3  }
0x9d: {  	[timem:s7], [sflag:s22] =	dma.local [hbm:s5], s20  }
0x9e: {  	_ =	swait.ge [sflag:s22], s20  }
0x9f: {  	s4 =	ssub.s32 $0x0, s20;
	[sflag:s22] =	ssyncset.done $0x0  }
0xa0: {  	[sflag:s22] =	ssyncadd.s32 s4;
	_ =	sdelay $0x1  }
0xa1: {  	s23 =	simm.s32 $0x1B8B  }
0xa2: {  	_ =	swait.ge [sflag:s23], $0x1  }
0xa3: {  	[sflag:s23] =	ssyncset.done $0x0  }
0xa4: {  	s25 =	simm.s32 $0x1B8E;
	s24 =	sld [smem:$0x3FFE];
	[sflag:s23] =	ssyncadd.s32 $0xFFFFFFFF  }
0xa5: {  	s26 =	simm.s32 $execute0_lowered;
	[smem:$0x3FD2] =	sst s25  }
0xa6: {  	s5 =	sshll.u32 s26, $0x1;
	_ =	strace $0x80000046;
	[dreg:$0x1] =	wrdreg $0xFFFFFFFF  }
0xa7: {  	s28 =	simm.s32 $_size_execute0_lowered;
	s3 =	sadd.s32 s3, s5;
	[dreg:$0x0] =	wrdreg $0x0  }
0xa8: {  	s5 =	sshll.u32 s28, $0x1;
	[dreg:$0x2] =	wrdreg s3  }
0xa9: {  	[dreg:$0x3] =	wrdreg s5  }
0xaa: {  	[dreg:$0x4] =	wrdreg $0xC0  }
0xab: {  	_ =	task [dreg:s7], $0x5FFFF  }
0xac: {  	[dreg:$0x1] =	wrdreg $0xFFFFFFFF  }
0xad: {  	[dreg:$0x0] =	wrdreg $0x60  }
0xae: {  	[dreg:$0x2] =	wrdreg s2  }
0xaf: {  	[dreg:$0x3] =	wrdreg s24  }
0xb0: {  	[dreg:$0x4] =	wrdreg $0x0  }
0xb1: {  	[dreg:$0x5] =	wrdreg $0x9  }
0xb2: {  	_ =	task.clear_ibuf [dreg:s7], $0x6FFFF;
	_ =	strace $0x90000046  }
0xb3: {  	s29 =	simm.s32 $0x9;
	_ =	strace $0x80000048  }
0xb4: {  	_ =	swait.ge [sflag:s29], $0x1  }
0xb5: {  	[sflag:s29] =	ssyncadd.s32 $0xFFFFFFFF  }
0xb6: {  	_ =	strace $0x90000048  }
0xb7: {  	_ =	sfence  }
0xb8: {  	s30 =	sld [smem:$0x0];
	_ =	sdelay $0x2  }
0xb9: {  	s31 =	sshll.u32 s1, $0xD;
	s1 =	sshrl.u32 s1, $0x2  }
0xba: {  	s3 =	sand.u32 $0x4000, s31;
	s1 =	sadd.s32 s1, s30  }
0xbb: {  	s0 =	sor.u32 s3, s0;
	s1 =	sshll.u32 s1, $0x11  }
0xbc: {  	s0 =	sor.u32 s1, s0  }
0xbd: {  	s0 =	sadd.s32 $0x8F2B, s0  }
0xbe: {  	[sflag:s0] =	ssyncadd.remote.s32 $0x1  }
0xbf: {  	_ =	sfence.sel $0xFFFF  }
0xc0: {  	[dreg:$0x0] =	wrdreg $0xFFFFFFFF;
	(pc) =	sbr.abs _section_cstart, $3  }
0xc1: {  	[dreg:$0x1] =	wrdreg $0xFFFFFFFF  }
0xc2: {  	_ =	task.clear_ibuf [dreg:s7], $0x2FFFF;
	_ =	strace $0x9FFFFFFF  }
0xc3: {  	(tm) =	ssettm $0x7FFFFFFF  }
tec
execute0_lowered:
.L_overlay_start_1:
0x0: {  	(tag) =	ssettag $0x1  }
0x1: {  	s1 =	rddreg [dreg:$0x0]  }
0x2: {  	s0 =	rddreg [dreg:$0x1]  }
0x3: {  	s2 =	rddreg [dreg:$0x2]  }
0x4: {  	s5 =	simm.s32 $0x0;
	s3 =	srdreg.scid;
	s4 =	simm.s32 $0x0  }
0x5: {  	s7 =	stileid.u32;
	s13 =	simm.s32 $0x13008;
	s14 =	simm.s32 $0x1C008  }
0x6: {  	s15 =	simm.s32 $0x400;
	s16 =	simm.s32 $0x3;
	s17 =	simm.s32 $0x200  }
0x7: {  	s18 =	simm.s32 $0x24000;
	s19 =	simm.s32 $0x12008;
	s20 =	simm.s32 $0x1C408  }
0x8: {  	s21 =	simm.s32 $0x1B008;
	s22 =	simm.s32 $0x800;
	s23 =	simm.s32 $0x1B808  }
0x9: {  	s28 =	simm.s32 $0x1C808;
	s31 =	simm.s32 $0x0;
	[dreg:$0x4] =	wrdreg s4  }
0xa: {  	v0 =	vlaneseq.u32;
	vm0 =	vcmask $0x3F24;
	vm1 =	vcmask $0x1F04;
	[smem:$0x7FF] =	sst s5;
	s24 =	sand.u32 $0x1, s3;
	s3 =	smul.u32 $0x2400, s7  }
0xb: {  	v4 =	vimm.f32 $0.0e+00;
	s6 =	sadd.s32 $0x400, s0;
	v1 =	vand.u32 $0x1, v0;
	v3 =	vmul.u32 $0x4, v0;
	s25 =	ssub.s32 $0x2, s24;
	s29 =	smul.u32 $0xD80000, s24  }
0xc: {  	s7 =	smul.u32 $0x12, s7;
	vm0 =	vmor vm1, vm0;
	v2 =	vand.u32 $0x7, v0;
	_ =	strace $0x80000047;
	v12 =	vmul.u32 $0x4, v1;
	s9 =	sshrl.u32 s25, $0x1  }
0xd: {  	v5 =	vor.u32 $0xFFFFFFF8, v0;
	v1 =	vimm.s32 $0x0;
	s30 =	sor.u32 $0x200, s3;
	v7 =	vor.u32 $0x1, v3;
	s26 =	ssub.s32 s25, s9;
	[dreg:$0x5] =	wrdreg s29  }
0xe: {  	s8 =	sadd.s32 $0x12400, s0;
	v9 =	vor.u32 $0x2, v3;
	v11 =	vor.u32 $0x3, v3;
	[dreg:$0x7] =	wrdreg s30;
	v6 =	vor.u32 $0xFFFFFFF8, v12;
	s0 =	smax.u32 s26, $0x1  }
0xf: {  	s10 =	smul.u32 $0x48000, s24;
	s24 =	simm.s32 $0x17008;
	v8 =	vor.u32 $0xFFFFFFF9, v12;
	v10 =	vor.u32 $0xFFFFFFFA, v12;
	v12 =	vor.u32 $0xFFFFFFFB, v12;
	[dreg:$0x6] =	wrdreg s0  }
.LBB2_1:
0x10: {  	s9 =	simm.s32 $0x0  }
.LBB2_2:
0x11: {  	s0 =	simm.s32 $0x0  }
0x12: {  	v13 =	vmov s0  }
0x13: {  	vm1 =	veq.s32 v13, v0  }
0x14: {  	vm1 =	vmand vm1, vm0  }
0x15: {  	v13 =	vsel vm1, $0xFFFFFFFF, v1  }
0x16: {  	v13 =	vshll.u32 v13, $0x3  }
0x17: {  	s5 =	simm.s32 $0x10;
	v13 =	vadd.s32 s0, v13  }
0x18: {  	v14 =	vmov s5;
	v13 =	vadd.s32 v0, v13  }
0x19: {  	vm1 =	veq.s32 v14, v0;
	v13 =	vand.u32 $0xFFFFFFF8, v13  }
0x1a: {  	vm1 =	vmand vm1, vm0;
	v13 =	vor.u32 v2, v13  }
0x1b: {  	v14 =	vsel vm1, $0xFFFFFFFF, v1  }
0x1c: {  	v14 =	vshll.u32 v14, $0x3  }
0x1d: {  	s4 =	simm.s32 $0x20;
	v14 =	vadd.s32 s5, v14  }
.LBB2_3:
0x1e: {  	v15 =	vmov s4;
	p0 =	sne.s32 s4, $0x3FF0;
	v14 =	vadd.s32 v0, v14;
	s5 =	smov.u32 s4;
	s4 =	sadd.s32 $0x10, s4  }
.Ltmp0:
0x1f: {  	vm1 =	veq.s32 v15, v0;
	v14 =	vand.u32 $0xFFFFFFF8, v14;
	[tilespmem:v13+s13+$0x0] =	vst.idx.msk $0xffff, v4;
	(pc) =	sbr.rel @p0 .LBB2_3-.Ltmp0, $4  }
0x20: {  	vm1 =	vmand vm1, vm0;
	v13 =	vor.u32 v2, v14  }
0x21: {  	v14 =	vsel vm1, $0xFFFFFFFF, v1  }
0x22: {  	v14 =	vshll.u32 v14, $0x3  }
0x23: {  	v14 =	vadd.s32 s5, v14  }
0x24: {  	v14 =	vadd.s32 v0, v14  }
0x25: {  	v14 =	vand.u32 $0xFFFFFFF8, v14  }
0x26: {  	v14 =	vor.u32 v2, v14;
	_ =	sdelay $0x3  }
0x27: {  	[tilespmem:v13+s13+$0x0] =	vst.idx.msk $0xffff, v4  }
0x28: {  	[tilespmem:v14+s13+$0x0] =	vst.idx.msk $0xffff, v4  }
.LBB2_5:
0x29: {  	s5 =	simm.s32 $0x0  }
0x2a: {  	v14 =	vor.u32 s5, v0  }
0x2b: {  	v14 =	vand.u32 v5, v14  }
0x2c: {  	s4 =	sshll.u32 s0, $0xA  }
0x2d: {  	s4 =	sadd.s32 s3, s4  }
0x2e: {  	v13 =	vor.u32 s4, v0  }
0x2f: {  	s4 =	simm.s32 $0x10;
	v15 =	vor.u32 s5, v13  }
.LBB2_6:
0x30: {  	v16 =	vor.u32 s4, v0;
	p0 =	sne.s32 s4, $0x3F0;
	[tilespmem:v14+s14+$0x0] =	vst.idx.msk $0xffff, v15;
	s5 =	smov.u32 s4;
	s4 =	sadd.s32 $0x10, s4  }
.Ltmp1:
0x31: {  	v14 =	vand.u32 v5, v16;
	(pc) =	sbr.rel @p0 .LBB2_6-.Ltmp1, $2  }
0x32: {  	_ =	sdelay $0x2  }
0x33: {  	v15 =	vor.u32 s5, v13  }
0x34: {  	_ =	sdelay $0x1  }
0x35: {  	s0 =	sadd.s32 $0x1, s0  }
0x36: {  	p0 =	sne.s32 s0, $0x9  }
.Ltmp2:
0x37: {  	[tilespmem:v14+s14+$0x0] =	vst.idx.msk $0xffff, v15;
	(pc) =	sbr.rel @p0 .LBB2_5-.Ltmp2, $4  }
0x38: {  	[spmem:s2] =	stream.indirect.scatter [tilespmem:s13], [sflag:$0x3], $0x8, s14, s15, $0xb8;
	[tilespmem:$0x1E808] =	vst v63  }
0x39: {  	_ =	swait.ge [sflag:s16], $0x2000  }
0x3a: {  	[sflag:s16] =	ssyncset.done $0x0  }
0x3b: {  	[sflag:s16] =	ssyncadd.s32 $0xFFFFE000  }
0x3c: {  	[dreg:$0x8] =	wrdreg s9  }
0x3d: {  	s0 =	smul.u32 $0x120000, s9;
	[bflag:$0x0] =	sbarrier.arrive $0xFFFF  }
0x3e: {  	s5 =	smov.u32 s3;
	s4 =	rddreg [dreg:$0x5]  }
0x3f: {  	s11 =	simm.s32 $0x0;
	s12 =	rddreg [dreg:$0x7];
	s30 =	sadd.s32 s4, s0  }
.LBB2_9:
0x40: {  	s4 =	sshll.u32 s11, $0x1  }
0x41: {  	s0 =	sadd.s32 s7, s4  }
0x42: {  	s0 =	sshll.u32 s0, $0x9  }
0x43: {  	s9 =	sadd.s32 s30, s0  }
0x44: {  	s9 =	sshrl.u32 s9, $0x3  }
0x45: {  	s9 =	sadd.s32 s1, s9  }
0x46: {  	[tilespmem:s19], [sflag:$0x3] =	stream.strided.gather [hbm4b:s9+s17], $0x1000, s18, s17, $0x38;
	[tilespmem:$0x1E808] =	vst v63  }
0x47: {  	s0 =	sadd.s32 s10, s0;
	_ =	swait.ge [sflag:s16], $0x1000  }
0x48: {  	s0 =	sshrl.u32 s0, $0x3;
	[sflag:s16] =	ssyncset.done $0x0  }
0x49: {  	v13 =	vor.u32 s5, v0;
	s0 =	sadd.s32 s6, s0;
	[sflag:s16] =	ssyncadd.s32 $0xFFFFF000  }
0x4a: {  	v14 =	vmulhi.u32 $0xAAAAAAAB, v13;
	[tilespmem:s20], [sflag:$0x3] =	stream.strided.gather [hbm4b:s0+s17], $0x400, s18, s17, $0x38;
	[tilespmem:$0x1E808] =	vst v63  }
0x4b: {  	_ =	swait.ge [sflag:s16], $0x400  }
0x4c: {  	p0 =	seq.s32 s11, $0x0;
	v14 =	vshrl.u32 v14, $0x8;
	[sflag:s16] =	ssyncset.done $0x0  }
0x4d: {  	v14 =	vmul.u32 $0x180, v14;
	s0 =	simm.s32 @!p0 $0x1;
	[sflag:s16] =	ssyncadd.s32 $0xFFFFFC00  }
0x4e: {  	_ =	swait.ge @!p0 [sflag:s0], $0x4000  }
0x4f: {  	v15 =	vmov s5;
	v13 =	vsub.s32 v13, v14;
	[sflag:s0] =	ssyncset.done @!p0 $0x0  }
0x50: {  	s26 =	simm.s32 $0x0;
	vm2 =	veq.s32 v15, v0;
	v14 =	vmulhi.u32 $0xAAAAAAAB, v15;
	vm1 =	vne.s32 v13, $0x0;
	[sflag:s0] =	ssyncadd.s32 @!p0 $0xFFFFC000  }
0x51: {  	vm1 =	vmand vm2, vm1;
	v15 =	vld [tilespmem:s26+$0x1C608]  }
0x52: {  	v14 =	vshrl.u32 v14, $0x8;
	v16 =	vsel vm1, $0xFFFFFFFF, v1;
	v17 =	vld [tilespmem:s26+$0x1C408]  }
0x53: {  	v14 =	vadd.s32 v16, v14  }
0x54: {  	v14 =	vcvt.s32.f32 v14  }
0x55: {  	v18 =	vor.u32 s31, v9;
	v16 =	vcvt.s32.f32 v13  }
0x56: {  	v19 =	vor.u32 s31, v7;
	v13 =	vshll.u32 v18, $0x3;
	v14 =	vadd.f32 v14, v15  }
0x57: {  	v15 =	vand.u32 v10, v18;
	v16 =	vadd.f32 v16, v17;
	v17 =	vor.u32 s31, v3  }
0x58: {  	v18 =	vand.u32 v8, v19;
	v19 =	vshll.u32 v19, $0x3;
	v20 =	vtrunc.f32 v14  }
0x59: {  	v21 =	vand.u32 v6, v17;
	v23 =	vcvt.f32.s32 v20;
	vm1 =	vlt.f32 v14, v20  }
0x5a: {  	v22 =	vtrunc.f32 v16;
	v20 =	vor.u32 s31, v11;
	v24 =	vsel vm1, $0xFFFFFFFF, v1  }
0x5b: {  	vm2 =	vlt.f32 v16, v22;
	v22 =	vcvt.f32.s32 v22;
	v23 =	vadd.s32 v23, v24  }
0x5c: {  	v25 =	vsel vm2, $0xFFFFFFFF, v1;
	v34 =	vand.u32 v12, v20;
	vm1 =	vgt.s32 v23, $0x0  }
0x5d: {  	v22 =	vadd.s32 v22, v25;
	v26 =	vadd.s32 $0x1, v23;
	v35 =	vnsel vm1, $0x0, v23  }
0x5e: {  	vm2 =	vgt.s32 v22, $0x0;
	vm1 =	vgt.s32 v26, $0x0;
	v25 =	vmin.u32 v35, $0x17F  }
0x5f: {  	v28 =	vnsel vm2, $0x0, v22;
	v27 =	vnsel vm1, $0x0, v26;
	v25 =	vmul.u32 $0x180, v25  }
0x60: {  	v29 =	vcvt.s32.f32 v22;
	v28 =	vmin.u32 v28, $0x17F;
	v27 =	vmin.u32 v27, $0x17F  }
0x61: {  	v30 =	vcvt.s32.f32 v23;
	v27 =	vmul.u32 $0x180, v27;
	v25 =	vadd.s32 v28, v25  }
0x62: {  	v31 =	vshll.u32 v17, $0x3;
	v16 =	vsub.f32 v16, v29;
	[tilespmem:v21+s21+$0x0] =	vst.idx.msk $0xffff, v25;
	v21 =	vadd.s32 $0x1, v25  }
0x63: {  	v36 =	vadd.s32 $0x1, v22;
	v37 =	vsub.f32 v14, v30;
	v17 =	vadd.s32 v28, v27;
	[tilespmem:v18+s21+$0x0] =	vst.idx.msk $0xffff, v21  }
0x64: {  	vm3 =	vlt.u32 v23, $0x180;
	vm5 =	veq.s32 v22, $0xFFFFFFFF;
	v18 =	vadd.s32 $0x1, v17;
	[tilespmem:v15+s21+$0x0] =	vst.idx.msk $0xffff, v17  }
0x65: {  	vm2 =	vlt.u32 v36, $0x180;
	v15 =	vsub.f32 $1.000000000e+00, v16;
	v17 =	vsub.f32 $1.000000000e+00, v37;
	[tilespmem:v34+s21+$0x0] =	vst.idx.msk $0xffff, v18  }
0x66: {  	vm4 =	vlt.u32 v26, $0x180;
	v14 =	vshll.u32 v20, $0x3;
	v18 =	vmul.f32 v37, v16;
	v20 =	vld [tilespmem:s26+$0x12008]  }
0x67: {  	vm1 =	vlt.u32 v22, $0x180;
	v21 =	vmul.f32 v17, v15;
	v16 =	vmul.f32 v17, v16  }
0x68: {  	vm6 =	vmand vm1, vm3;
	vm3 =	vmand vm2, vm3;
	vm2 =	vmand vm2, vm4  }
0x69: {  	v17 =	vmul.f32 v37, v15;
	v15 =	vnsel vm6, $0x0, v21;
	v21 =	vnsel vm3, $0x0, v16  }
0x6a: {  	vm1 =	vmand vm1, vm4;
	v22 =	vnsel vm2, $0x0, v18;
	v16 =	vsel vm5, v21, v15  }
0x6b: {  	v17 =	vnsel vm1, $0x0, v17;
	v15 =	vsel vm5, $0x0, v21;
	v21 =	vmul.f32 v16, v20  }
0x6c: {  	v18 =	vsel vm5, v22, v17;
	v23 =	vmul.f32 v15, v20  }
0x6d: {  	v17 =	vsel vm5, $0x0, v22;
	[tilespmem:v31+s13+$0x0] =	vst.idx.msk $0xffff, v21;
	v21 =	vmul.f32 v18, v20  }
0x6e: {  	v20 =	vmul.f32 v17, v20;
	[tilespmem:v19+s13+$0x0] =	vst.idx.msk $0xffff, v23  }
0x6f: {  	[tilespmem:v13+s13+$0x0] =	vst.idx.msk $0xffff, v21  }
0x70: {  	[tilespmem:v14+s13+$0x0] =	vst.idx.msk $0xffff, v20  }
0x71: {  	v20 =	vld [tilespmem:s26+$0x12208];
	_ =	sdelay $0x1  }
0x72: {  	v21 =	vor.u32 $0x1, v31  }
0x73: {  	v22 =	vor.u32 $0x1, v19  }
0x74: {  	v23 =	vor.u32 $0x1, v13  }
0x75: {  	v39 =	vor.u32 $0x1, v14;
	v38 =	vmul.f32 v16, v20  }
0x76: {  	v40 =	vmul.f32 v15, v20  }
0x77: {  	v41 =	vmul.f32 v18, v20;
	[tilespmem:v21+s13+$0x0] =	vst.idx.msk $0xffff, v38  }
0x78: {  	v20 =	vmul.f32 v17, v20;
	[tilespmem:v22+s13+$0x0] =	vst.idx.msk $0xffff, v40  }
0x79: {  	[tilespmem:v23+s13+$0x0] =	vst.idx.msk $0xffff, v41  }
0x7a: {  	[tilespmem:v39+s13+$0x0] =	vst.idx.msk $0xffff, v20  }
0x7b: {  	v20 =	vld [tilespmem:s26+$0x12408];
	_ =	sdelay $0x1  }
0x7c: {  	v21 =	vor.u32 $0x2, v31  }
0x7d: {  	v22 =	vor.u32 $0x2, v19  }
0x7e: {  	v23 =	vor.u32 $0x2, v13  }
0x7f: {  	v43 =	vor.u32 $0x2, v14;
	v42 =	vmul.f32 v20, v16  }
0x80: {  	v44 =	vmul.f32 v20, v15  }
0x81: {  	v45 =	vmul.f32 v20, v18;
	[tilespmem:v21+s13+$0x0] =	vst.idx.msk $0xffff, v42  }
0x82: {  	v20 =	vmul.f32 v20, v17;
	[tilespmem:v22+s13+$0x0] =	vst.idx.msk $0xffff, v44  }
0x83: {  	[tilespmem:v23+s13+$0x0] =	vst.idx.msk $0xffff, v45  }
0x84: {  	[tilespmem:v43+s13+$0x0] =	vst.idx.msk $0xffff, v20  }
0x85: {  	v20 =	vld [tilespmem:s26+$0x12608];
	_ =	sdelay $0x1  }
0x86: {  	v21 =	vor.u32 $0x3, v31  }
0x87: {  	v22 =	vor.u32 $0x3, v19  }
0x88: {  	v23 =	vor.u32 $0x3, v13  }
0x89: {  	v47 =	vor.u32 $0x3, v14;
	v46 =	vmul.f32 v20, v16  }
0x8a: {  	v48 =	vmul.f32 v20, v15  }
0x8b: {  	v49 =	vmul.f32 v20, v18;
	[tilespmem:v21+s13+$0x0] =	vst.idx.msk $0xffff, v46  }
0x8c: {  	v20 =	vmul.f32 v20, v17;
	[tilespmem:v22+s13+$0x0] =	vst.idx.msk $0xffff, v48  }
0x8d: {  	[tilespmem:v23+s13+$0x0] =	vst.idx.msk $0xffff, v49  }
0x8e: {  	[tilespmem:v47+s13+$0x0] =	vst.idx.msk $0xffff, v20  }
0x8f: {  	v20 =	vld [tilespmem:s26+$0x12808];
	_ =	sdelay $0x1  }
0x90: {  	v21 =	vor.u32 $0x4, v31  }
0x91: {  	v22 =	vor.u32 $0x4, v19  }
0x92: {  	v23 =	vor.u32 $0x4, v13  }
0x93: {  	v51 =	vor.u32 $0x4, v14;
	v50 =	vmul.f32 v20, v16  }
0x94: {  	v52 =	vmul.f32 v20, v15  }
0x95: {  	v53 =	vmul.f32 v20, v18;
	[tilespmem:v21+s13+$0x0] =	vst.idx.msk $0xffff, v50  }
0x96: {  	v20 =	vmul.f32 v20, v17;
	[tilespmem:v22+s13+$0x0] =	vst.idx.msk $0xffff, v52  }
0x97: {  	[tilespmem:v23+s13+$0x0] =	vst.idx.msk $0xffff, v53  }
0x98: {  	[tilespmem:v51+s13+$0x0] =	vst.idx.msk $0xffff, v20  }
0x99: {  	v20 =	vld [tilespmem:s26+$0x12A08];
	_ =	sdelay $0x1  }
0x9a: {  	v21 =	vor.u32 $0x5, v31  }
0x9b: {  	v22 =	vor.u32 $0x5, v19  }
0x9c: {  	v23 =	vor.u32 $0x5, v13  }
0x9d: {  	v55 =	vor.u32 $0x5, v14;
	v54 =	vmul.f32 v20, v16  }
0x9e: {  	v56 =	vmul.f32 v20, v15  }
0x9f: {  	v57 =	vmul.f32 v20, v18;
	[tilespmem:v21+s13+$0x0] =	vst.idx.msk $0xffff, v54  }
0xa0: {  	v20 =	vmul.f32 v20, v17;
	[tilespmem:v22+s13+$0x0] =	vst.idx.msk $0xffff, v56  }
0xa1: {  	[tilespmem:v23+s13+$0x0] =	vst.idx.msk $0xffff, v57  }
0xa2: {  	[tilespmem:v55+s13+$0x0] =	vst.idx.msk $0xffff, v20  }
0xa3: {  	v20 =	vld [tilespmem:s26+$0x12C08];
	_ =	sdelay $0x1  }
0xa4: {  	v21 =	vor.u32 $0x6, v31  }
0xa5: {  	v22 =	vor.u32 $0x6, v19  }
0xa6: {  	s0 =	sadd.s32 $0x10, s5;
	v23 =	vor.u32 $0x6, v13  }
0xa7: {  	v59 =	vor.u32 s0, v0;
	v58 =	vor.u32 $0x6, v14;
	v60 =	vmul.f32 v20, v16  }
0xa8: {  	v62 =	vmulhi.u32 $0xAAAAAAAB, v59;
	v61 =	vmul.f32 v20, v15  }
0xa9: {  	v63 =	vmul.f32 v20, v18;
	[tilespmem:v21+s13+$0x0] =	vst.idx.msk $0xffff, v60  }
0xaa: {  	v21 =	vmul.f32 v20, v17;
	v20 =	vshrl.u32 v62, $0x8;
	[tilespmem:v22+s13+$0x0] =	vst.idx.msk $0xffff, v61  }
0xab: {  	v22 =	vmul.u32 $0x180, v20;
	[tilespmem:v23+s13+$0x0] =	vst.idx.msk $0xffff, v63  }
0xac: {  	v20 =	vor.u32 $0x7, v31;
	[tilespmem:v58+s13+$0x0] =	vst.idx.msk $0xffff, v21  }
0xad: {  	s25 =	simm.s32 $0x80;
	s9 =	simm.s32 $0x40;
	v23 =	vmov s0;
	v21 =	vor.u32 $0x7, v19;
	v19 =	vsub.s32 v59, v22;
	v22 =	vld [tilespmem:s26+$0x12E08]  }
.LBB2_10:
0xae: {  	p1 =	sne.s32 s25, $0x7C0;
	vm1 =	vne.s32 v19, $0x0;
	v24 =	vmulhi.u32 $0xAAAAAAAB, v23;
	vm2 =	veq.s32 v23, v0;
	s29 =	smov.u32 s25;
	s25 =	sadd.s32 $0x40, s25  }
0xaf: {  	vm1 =	vmand vm2, vm1  }
0xb0: {  	v23 =	vshrl.u32 v24, $0x8;
	v24 =	vsel vm1, $0xFFFFFFFF, v1  }
0xb1: {  	v13 =	vor.u32 $0x7, v13;
	v23 =	vadd.s32 v24, v23  }
0xb2: {  	s26 =	sshra.s32 s9, $0x2;
	v14 =	vor.u32 $0x7, v14;
	v23 =	vcvt.s32.f32 v23;
	v16 =	vmul.f32 v22, v16  }
0xb3: {  	v15 =	vmul.f32 v22, v15;
	v18 =	vmul.f32 v22, v18  }
0xb4: {  	v19 =	vcvt.s32.f32 v19;
	[tilespmem:v20+s13+$0x0] =	vst.idx.msk $0xffff, v16;
	v16 =	vmul.f32 v22, v17  }
0xb5: {  	[tilespmem:v21+s13+$0x0] =	vst.idx.msk $0xffff, v15  }
0xb6: {  	[tilespmem:v13+s13+$0x0] =	vst.idx.msk $0xffff, v18  }
0xb7: {  	[tilespmem:v14+s13+$0x0] =	vst.idx.msk $0xffff, v16  }
0xb8: {  	v14 =	vld [tilespmem:s26+$0x1C608]  }
0xb9: {  	v16 =	vor.u32 s9, v9;
	v15 =	vld [tilespmem:s26+$0x1C408]  }
0xba: {  	v17 =	vor.u32 s9, v7;
	v13 =	vshll.u32 v16, $0x3  }
0xbb: {  	v16 =	vand.u32 v10, v16;
	_ =	sdelay $0x1  }
0xbc: {  	v18 =	vand.u32 v8, v17;
	v14 =	vadd.f32 v23, v14  }
0xbd: {  	v20 =	vor.u32 s9, v3;
	v15 =	vadd.f32 v19, v15  }
0xbe: {  	v22 =	vor.u32 s9, v11;
	v21 =	vand.u32 v6, v20;
	s9 =	smov.u32 s29;
	v19 =	vtrunc.f32 v14  }
0xbf: {  	v23 =	vtrunc.f32 v15;
	v24 =	vcvt.f32.s32 v19;
	vm1 =	vlt.f32 v14, v19  }
0xc0: {  	v19 =	vcvt.f32.s32 v23;
	vm2 =	vlt.f32 v15, v23;
	v23 =	vsel vm1, $0xFFFFFFFF, v1  }
0xc1: {  	v25 =	vsel vm2, $0xFFFFFFFF, v1;
	v23 =	vadd.s32 v24, v23;
	v24 =	vand.u32 v12, v22  }
0xc2: {  	v25 =	vadd.s32 v19, v25;
	v26 =	vadd.s32 $0x1, v23;
	vm1 =	vgt.s32 v23, $0x0  }
0xc3: {  	vm2 =	vgt.s32 v25, $0x0;
	v19 =	vnsel vm1, $0x0, v23;
	vm1 =	vgt.s32 v26, $0x0  }
0xc4: {  	v27 =	vmin.u32 v19, $0x17F;
	v28 =	vnsel vm1, $0x0, v26;
	v19 =	vshll.u32 v17, $0x3  }
0xc5: {  	v17 =	vnsel vm2, $0x0, v25;
	v27 =	vmul.u32 $0x180, v27;
	v28 =	vmin.u32 v28, $0x17F  }
0xc6: {  	v20 =	vshll.u32 v20, $0x3;
	v17 =	vmin.u32 v17, $0x17F;
	v28 =	vmul.u32 $0x180, v28  }
0xc7: {  	v30 =	vcvt.s32.f32 v23;
	v29 =	vcvt.s32.f32 v25;
	v27 =	vadd.s32 v17, v27  }
0xc8: {  	v31 =	vadd.s32 $0x1, v25;
	v17 =	vadd.s32 v17, v28;
	[tilespmem:v21+s21+$0x0] =	vst.idx.msk $0xffff, v27;
	v21 =	vadd.s32 $0x1, v27  }
0xc9: {  	v15 =	vsub.f32 v15, v29;
	v27 =	vsub.f32 v14, v30;
	[tilespmem:v18+s21+$0x0] =	vst.idx.msk $0xffff, v21;
	v18 =	vadd.s32 $0x1, v17  }
0xca: {  	vm1 =	vlt.u32 v25, $0x180;
	vm2 =	vlt.u32 v31, $0x180;
	v14 =	vshll.u32 v22, $0x3;
	[tilespmem:v16+s21+$0x0] =	vst.idx.msk $0xffff, v17  }
0xcb: {  	v16 =	vsub.f32 $1.000000000e+00, v15;
	v17 =	vsub.f32 $1.000000000e+00, v27;
	v21 =	vmul.f32 v27, v15;
	[tilespmem:v24+s21+$0x0] =	vst.idx.msk $0xffff, v18  }
0xcc: {  	vm3 =	vlt.u32 v23, $0x180;
	vm4 =	vlt.u32 v26, $0x180;
	vm5 =	veq.s32 v25, $0xFFFFFFFF;
	v22 =	vld [tilespmem:s26+$0x12008]  }
0xcd: {  	vm6 =	vmand vm1, vm3;
	v18 =	vmul.f32 v17, v16;
	v15 =	vmul.f32 v17, v15  }
0xce: {  	vm3 =	vmand vm2, vm3;
	vm2 =	vmand vm2, vm4;
	v17 =	vmul.f32 v27, v16  }
0xcf: {  	v21 =	vnsel vm2, $0x0, v21;
	v16 =	vnsel vm6, $0x0, v18;
	v15 =	vnsel vm3, $0x0, v15  }
0xd0: {  	vm1 =	vmand vm1, vm4;
	v16 =	vsel vm5, v15, v16;
	v15 =	vsel vm5, $0x0, v15  }
0xd1: {  	v17 =	vnsel vm1, $0x0, v17;
	v23 =	vmul.f32 v16, v22;
	v24 =	vmul.f32 v15, v22  }
0xd2: {  	v18 =	vsel vm5, v21, v17;
	v17 =	vsel vm5, $0x0, v21  }
0xd3: {  	v21 =	vmul.f32 v18, v22;
	v22 =	vmul.f32 v17, v22;
	[tilespmem:v20+s13+$0x0] =	vst.idx.msk $0xffff, v23  }
0xd4: {  	v23 =	vor.u32 $0x1, v20;
	[tilespmem:v19+s13+$0x0] =	vst.idx.msk $0xffff, v24  }
0xd5: {  	[tilespmem:v13+s13+$0x0] =	vst.idx.msk $0xffff, v21;
	v21 =	vor.u32 $0x1, v19  }
0xd6: {  	[tilespmem:v14+s13+$0x0] =	vst.idx.msk $0xffff, v22  }
0xd7: {  	v22 =	vld [tilespmem:s26+$0x12208];
	_ =	sdelay $0x3  }
0xd8: {  	v24 =	vor.u32 $0x1, v13  }
0xd9: {  	v27 =	vor.u32 $0x1, v14;
	v25 =	vmul.f32 v16, v22;
	v26 =	vmul.f32 v15, v22  }
0xda: {  	v28 =	vmul.f32 v18, v22;
	v22 =	vmul.f32 v17, v22  }
0xdb: {  	[tilespmem:v23+s13+$0x0] =	vst.idx.msk $0xffff, v25  }
0xdc: {  	[tilespmem:v21+s13+$0x0] =	vst.idx.msk $0xffff, v26;
	v21 =	vor.u32 $0x2, v20  }
0xdd: {  	v23 =	vor.u32 $0x2, v19;
	[tilespmem:v24+s13+$0x0] =	vst.idx.msk $0xffff, v28  }
0xde: {  	[tilespmem:v27+s13+$0x0] =	vst.idx.msk $0xffff, v22  }
0xdf: {  	v22 =	vld [tilespmem:s26+$0x12408];
	_ =	sdelay $0x3  }
0xe0: {  	v24 =	vor.u32 $0x2, v13  }
0xe1: {  	v27 =	vor.u32 $0x2, v14;
	v25 =	vmul.f32 v22, v16;
	v26 =	vmul.f32 v22, v15  }
0xe2: {  	v28 =	vmul.f32 v22, v18;
	v22 =	vmul.f32 v22, v17  }
0xe3: {  	[tilespmem:v21+s13+$0x0] =	vst.idx.msk $0xffff, v25  }
0xe4: {  	v21 =	vor.u32 $0x3, v20;
	[tilespmem:v23+s13+$0x0] =	vst.idx.msk $0xffff, v26  }
0xe5: {  	v23 =	vor.u32 $0x3, v19;
	[tilespmem:v24+s13+$0x0] =	vst.idx.msk $0xffff, v28  }
0xe6: {  	[tilespmem:v27+s13+$0x0] =	vst.idx.msk $0xffff, v22  }
0xe7: {  	v22 =	vld [tilespmem:s26+$0x12608];
	_ =	sdelay $0x3  }
0xe8: {  	v24 =	vor.u32 $0x3, v13  }
0xe9: {  	v27 =	vor.u32 $0x3, v14;
	v25 =	vmul.f32 v22, v16;
	v26 =	vmul.f32 v22, v15  }
0xea: {  	v28 =	vmul.f32 v22, v18;
	v22 =	vmul.f32 v22, v17  }
0xeb: {  	[tilespmem:v21+s13+$0x0] =	vst.idx.msk $0xffff, v25  }
0xec: {  	v21 =	vor.u32 $0x4, v20;
	[tilespmem:v23+s13+$0x0] =	vst.idx.msk $0xffff, v26  }
0xed: {  	v23 =	vor.u32 $0x4, v19;
	[tilespmem:v24+s13+$0x0] =	vst.idx.msk $0xffff, v28  }
0xee: {  	[tilespmem:v27+s13+$0x0] =	vst.idx.msk $0xffff, v22  }
0xef: {  	v22 =	vld [tilespmem:s26+$0x12808];
	_ =	sdelay $0x3  }
0xf0: {  	v24 =	vor.u32 $0x4, v13  }
0xf1: {  	v27 =	vor.u32 $0x4, v14;
	v25 =	vmul.f32 v22, v16;
	v26 =	vmul.f32 v22, v15  }
0xf2: {  	v28 =	vmul.f32 v22, v18;
	v22 =	vmul.f32 v22, v17  }
0xf3: {  	[tilespmem:v21+s13+$0x0] =	vst.idx.msk $0xffff, v25  }
0xf4: {  	v21 =	vor.u32 $0x5, v20;
	[tilespmem:v23+s13+$0x0] =	vst.idx.msk $0xffff, v26  }
0xf5: {  	v23 =	vor.u32 $0x5, v19;
	[tilespmem:v24+s13+$0x0] =	vst.idx.msk $0xffff, v28  }
0xf6: {  	[tilespmem:v27+s13+$0x0] =	vst.idx.msk $0xffff, v22  }
0xf7: {  	v22 =	vld [tilespmem:s26+$0x12A08];
	_ =	sdelay $0x3  }
0xf8: {  	v24 =	vor.u32 $0x5, v13  }
0xf9: {  	v27 =	vor.u32 $0x5, v14;
	v25 =	vmul.f32 v22, v16;
	v26 =	vmul.f32 v22, v15  }
0xfa: {  	v28 =	vmul.f32 v22, v18;
	v22 =	vmul.f32 v22, v17  }
0xfb: {  	[tilespmem:v21+s13+$0x0] =	vst.idx.msk $0xffff, v25  }
0xfc: {  	v21 =	vor.u32 $0x6, v20;
	[tilespmem:v23+s13+$0x0] =	vst.idx.msk $0xffff, v26  }
0xfd: {  	v23 =	vor.u32 $0x6, v19;
	[tilespmem:v24+s13+$0x0] =	vst.idx.msk $0xffff, v28  }
0xfe: {  	[tilespmem:v27+s13+$0x0] =	vst.idx.msk $0xffff, v22  }
0xff: {  	v22 =	vld [tilespmem:s26+$0x12C08];
	_ =	sdelay $0x3  }
0x100: {  	s0 =	sadd.s32 $0x10, s0;
	v25 =	vor.u32 $0x6, v14;
	v24 =	vor.u32 $0x6, v13  }
0x101: {  	v26 =	vor.u32 s0, v0;
	v27 =	vmul.f32 v22, v16;
	v28 =	vmul.f32 v22, v15  }
0x102: {  	v29 =	vmulhi.u32 $0xAAAAAAAB, v26;
	v30 =	vmul.f32 v22, v18  }
.Ltmp3:
0x103: {  	v22 =	vmul.f32 v22, v17;
	[tilespmem:v21+s13+$0x0] =	vst.idx.msk $0xffff, v27;
	(pc) =	sbr.rel @p1 .LBB2_10-.Ltmp3, $4  }
0x104: {  	v20 =	vor.u32 $0x7, v20;
	v21 =	vshrl.u32 v29, $0x8;
	[tilespmem:v23+s13+$0x0] =	vst.idx.msk $0xffff, v28  }
0x105: {  	v27 =	vmul.u32 $0x180, v21;
	v21 =	vor.u32 $0x7, v19;
	[tilespmem:v24+s13+$0x0] =	vst.idx.msk $0xffff, v30  }
0x106: {  	v23 =	vmov s0;
	[tilespmem:v25+s13+$0x0] =	vst.idx.msk $0xffff, v22  }
0x107: {  	v19 =	vsub.s32 v26, v27;
	v22 =	vld [tilespmem:s26+$0x12E08]  }
0x108: {  	_ =	sdelay $0x2  }
0x109: {  	v13 =	vor.u32 $0x7, v13  }
0x10a: {  	v14 =	vor.u32 $0x7, v14;
	v16 =	vmul.f32 v22, v16  }
0x10b: {  	v15 =	vmul.f32 v22, v15  }
0x10c: {  	v18 =	vmul.f32 v22, v18;
	[tilespmem:v20+s13+$0x0] =	vst.idx.msk $0xffff, v16  }
0x10d: {  	v16 =	vmul.f32 v22, v17;
	[tilespmem:v21+s13+$0x0] =	vst.idx.msk $0xffff, v15  }
0x10e: {  	[tilespmem:v13+s13+$0x0] =	vst.idx.msk $0xffff, v18  }
0x10f: {  	vm1 =	vne.s32 v19, $0x0;
	vm2 =	veq.s32 v23, v0;
	s0 =	sshra.s32 s9, $0x2;
	v13 =	vmulhi.u32 $0xAAAAAAAB, v23;
	[tilespmem:v14+s13+$0x0] =	vst.idx.msk $0xffff, v16  }
0x110: {  	vm1 =	vmand vm2, vm1;
	v14 =	vld [tilespmem:s0+$0x1C608]  }
0x111: {  	v15 =	vsel vm1, $0xFFFFFFFF, v1;
	v13 =	vshrl.u32 v13, $0x8;
	v16 =	vld [tilespmem:s0+$0x1C408]  }
0x112: {  	v13 =	vadd.s32 v15, v13  }
0x113: {  	v15 =	vcvt.s32.f32 v13  }
0x114: {  	v24 =	vor.u32 s9, v11;
	v17 =	vcvt.s32.f32 v19  }
0x115: {  	v26 =	vand.u32 v12, v24;
	v19 =	vor.u32 s9, v7;
	v15 =	vadd.f32 v15, v14  }
0x116: {  	v37 =	vand.u32 v8, v19;
	v18 =	vor.u32 s9, v9;
	v16 =	vadd.f32 v17, v16  }
0x117: {  	v13 =	vshll.u32 v18, $0x3;
	v18 =	vand.u32 v10, v18;
	v14 =	vtrunc.f32 v15  }
0x118: {  	v39 =	vtrunc.f32 v16;
	v40 =	vcvt.f32.s32 v14;
	vm1 =	vlt.f32 v15, v14  }
0x119: {  	vm2 =	vlt.f32 v16, v39;
	v22 =	vcvt.f32.s32 v39;
	v14 =	vsel vm1, $0xFFFFFFFF, v1  }
0x11a: {  	v17 =	vor.u32 s9, v3;
	v25 =	vsel vm2, $0xFFFFFFFF, v1;
	v23 =	vadd.s32 v40, v14  }
0x11b: {  	v38 =	vand.u32 v6, v17;
	v22 =	vadd.s32 v22, v25;
	vm1 =	vgt.s32 v23, $0x0  }
0x11c: {  	v27 =	vadd.s32 $0x1, v23;
	vm2 =	vgt.s32 v22, $0x0;
	v14 =	vnsel vm1, $0x0, v23  }
0x11d: {  	v42 =	vcvt.s32.f32 v22;
	vm1 =	vgt.s32 v27, $0x0;
	v14 =	vmin.u32 v14, $0x17F  }
0x11e: {  	v28 =	vnsel vm2, $0x0, v22;
	v41 =	vnsel vm1, $0x0, v27;
	v29 =	vmul.u32 $0x180, v14  }
0x11f: {  	v25 =	vmin.u32 v41, $0x17F;
	v14 =	vshll.u32 v19, $0x3;
	v19 =	vmin.u32 v28, $0x17F  }
0x120: {  	v30 =	vcvt.s32.f32 v23;
	v25 =	vmul.u32 $0x180, v25;
	v29 =	vadd.s32 v19, v29  }
0x121: {  	v17 =	vshll.u32 v17, $0x3;
	v16 =	vsub.f32 v16, v42;
	[tilespmem:v38+s21+$0x0] =	vst.idx.msk $0xffff, v29;
	v43 =	vadd.s32 $0x1, v29  }
0x122: {  	v44 =	vadd.s32 $0x1, v22;
	v15 =	vsub.f32 v15, v30;
	v19 =	vadd.s32 v19, v25;
	[tilespmem:v37+s21+$0x0] =	vst.idx.msk $0xffff, v43  }
0x123: {  	vm3 =	vlt.u32 v23, $0x180;
	vm5 =	veq.s32 v22, $0xFFFFFFFF;
	v45 =	vadd.s32 $0x1, v19;
	[tilespmem:v18+s21+$0x0] =	vst.idx.msk $0xffff, v19  }
0x124: {  	vm2 =	vlt.u32 v44, $0x180;
	v46 =	vsub.f32 $1.000000000e+00, v15;
	v19 =	vsub.f32 $1.000000000e+00, v16;
	[tilespmem:v26+s21+$0x0] =	vst.idx.msk $0xffff, v45  }
0x125: {  	vm4 =	vlt.u32 v27, $0x180;
	vm1 =	vlt.u32 v22, $0x180;
	v47 =	vmul.f32 v15, v16;
	v48 =	vld [tilespmem:s0+$0x12008]  }
0x126: {  	vm6 =	vmand vm1, vm3;
	v16 =	vmul.f32 v46, v16;
	v49 =	vmul.f32 v46, v19  }
0x127: {  	vm3 =	vmand vm2, vm3;
	vm2 =	vmand vm2, vm4;
	vm1 =	vmand vm1, vm4  }
0x128: {  	v15 =	vmul.f32 v15, v19;
	v16 =	vnsel vm3, $0x0, v16;
	v19 =	vnsel vm6, $0x0, v49  }
0x129: {  	v20 =	vnsel vm2, $0x0, v47;
	v18 =	vshll.u32 v24, $0x3;
	v19 =	vsel vm5, v16, v19  }
0x12a: {  	v15 =	vnsel vm1, $0x0, v15;
	v16 =	vsel vm5, $0x0, v16;
	v50 =	vmul.f32 v19, v48  }
0x12b: {  	v15 =	vsel vm5, v20, v15;
	v51 =	vmul.f32 v16, v48  }
0x12c: {  	v20 =	vsel vm5, $0x0, v20;
	v52 =	vmul.f32 v15, v48;
	[tilespmem:v17+s13+$0x0] =	vst.idx.msk $0xffff, v50  }
0x12d: {  	v23 =	vmul.f32 v20, v48;
	[tilespmem:v14+s13+$0x0] =	vst.idx.msk $0xffff, v51  }
0x12e: {  	[tilespmem:v13+s13+$0x0] =	vst.idx.msk $0xffff, v52  }
0x12f: {  	[tilespmem:v18+s13+$0x0] =	vst.idx.msk $0xffff, v23  }
0x130: {  	v21 =	vld [tilespmem:s0+$0x12208];
	_ =	sdelay $0x1  }
0x131: {  	v53 =	vor.u32 $0x1, v17  }
0x132: {  	v54 =	vor.u32 $0x1, v14  }
0x133: {  	v55 =	vor.u32 $0x1, v13  }
0x134: {  	v57 =	vor.u32 $0x1, v18;
	v56 =	vmul.f32 v19, v21  }
0x135: {  	v58 =	vmul.f32 v16, v21  }
0x136: {  	v59 =	vmul.f32 v15, v21;
	[tilespmem:v53+s13+$0x0] =	vst.idx.msk $0xffff, v56  }
0x137: {  	v21 =	vmul.f32 v20, v21;
	[tilespmem:v54+s13+$0x0] =	vst.idx.msk $0xffff, v58  }
0x138: {  	[tilespmem:v55+s13+$0x0] =	vst.idx.msk $0xffff, v59  }
0x139: {  	[tilespmem:v57+s13+$0x0] =	vst.idx.msk $0xffff, v21  }
0x13a: {  	v21 =	vld [tilespmem:s0+$0x12408];
	_ =	sdelay $0x1  }
0x13b: {  	v60 =	vor.u32 $0x2, v17  }
0x13c: {  	v61 =	vor.u32 $0x2, v14  }
0x13d: {  	v62 =	vor.u32 $0x2, v13  }
0x13e: {  	v32 =	vor.u32 $0x2, v18;
	v63 =	vmul.f32 v21, v19  }
0x13f: {  	v33 =	vmul.f32 v21, v16  }
0x140: {  	v34 =	vmul.f32 v21, v15;
	[tilespmem:v60+s13+$0x0] =	vst.idx.msk $0xffff, v63  }
0x141: {  	v21 =	vmul.f32 v21, v20;
	[tilespmem:v61+s13+$0x0] =	vst.idx.msk $0xffff, v33  }
0x142: {  	[tilespmem:v62+s13+$0x0] =	vst.idx.msk $0xffff, v34  }
0x143: {  	[tilespmem:v32+s13+$0x0] =	vst.idx.msk $0xffff, v21  }
0x144: {  	v21 =	vld [tilespmem:s0+$0x12608];
	_ =	sdelay $0x1  }
0x145: {  	v35 =	vor.u32 $0x3, v17  }
0x146: {  	v36 =	vor.u32 $0x3, v14  }
0x147: {  	v37 =	vor.u32 $0x3, v13  }
0x148: {  	v39 =	vor.u32 $0x3, v18;
	v38 =	vmul.f32 v21, v19  }
0x149: {  	v40 =	vmul.f32 v21, v16  }
0x14a: {  	v41 =	vmul.f32 v21, v15;
	[tilespmem:v35+s13+$0x0] =	vst.idx.msk $0xffff, v38  }
0x14b: {  	v21 =	vmul.f32 v21, v20;
	[tilespmem:v36+s13+$0x0] =	vst.idx.msk $0xffff, v40  }
0x14c: {  	[tilespmem:v37+s13+$0x0] =	vst.idx.msk $0xffff, v41  }
0x14d: {  	[tilespmem:v39+s13+$0x0] =	vst.idx.msk $0xffff, v21  }
0x14e: {  	v21 =	vld [tilespmem:s0+$0x12808];
	_ =	sdelay $0x1  }
0x14f: {  	v42 =	vor.u32 $0x4, v17  }
0x150: {  	v43 =	vor.u32 $0x4, v14  }
0x151: {  	v44 =	vor.u32 $0x4, v13  }
0x152: {  	v46 =	vor.u32 $0x4, v18;
	v45 =	vmul.f32 v21, v19  }
0x153: {  	v47 =	vmul.f32 v21, v16  }
0x154: {  	v48 =	vmul.f32 v21, v15;
	[tilespmem:v42+s13+$0x0] =	vst.idx.msk $0xffff, v45  }
0x155: {  	v21 =	vmul.f32 v21, v20;
	[tilespmem:v43+s13+$0x0] =	vst.idx.msk $0xffff, v47  }
0x156: {  	[tilespmem:v44+s13+$0x0] =	vst.idx.msk $0xffff, v48  }
0x157: {  	[tilespmem:v46+s13+$0x0] =	vst.idx.msk $0xffff, v21  }
0x158: {  	v21 =	vld [tilespmem:s0+$0x12A08];
	_ =	sdelay $0x1  }
0x159: {  	v49 =	vor.u32 $0x5, v17  }
0x15a: {  	v50 =	vor.u32 $0x5, v14  }
0x15b: {  	v51 =	vor.u32 $0x5, v13  }
0x15c: {  	v53 =	vor.u32 $0x5, v18;
	v52 =	vmul.f32 v21, v19  }
0x15d: {  	v54 =	vmul.f32 v21, v16  }
0x15e: {  	v55 =	vmul.f32 v21, v15;
	[tilespmem:v49+s13+$0x0] =	vst.idx.msk $0xffff, v52  }
0x15f: {  	v21 =	vmul.f32 v21, v20;
	[tilespmem:v50+s13+$0x0] =	vst.idx.msk $0xffff, v54  }
0x160: {  	[tilespmem:v51+s13+$0x0] =	vst.idx.msk $0xffff, v55  }
0x161: {  	[tilespmem:v53+s13+$0x0] =	vst.idx.msk $0xffff, v21  }
0x162: {  	v21 =	vld [tilespmem:s0+$0x12C08];
	_ =	sdelay $0x1  }
0x163: {  	v56 =	vor.u32 $0x6, v17  }
0x164: {  	v57 =	vor.u32 $0x6, v14  }
0x165: {  	v58 =	vor.u32 $0x6, v13  }
0x166: {  	v59 =	vor.u32 $0x6, v18;
	v60 =	vmul.f32 v21, v19  }
0x167: {  	v61 =	vmul.f32 v21, v16  }
0x168: {  	v62 =	vmul.f32 v21, v15;
	[tilespmem:v56+s13+$0x0] =	vst.idx.msk $0xffff, v60  }
0x169: {  	v21 =	vmul.f32 v21, v20;
	[tilespmem:v57+s13+$0x0] =	vst.idx.msk $0xffff, v61  }
0x16a: {  	[tilespmem:v58+s13+$0x0] =	vst.idx.msk $0xffff, v62  }
0x16b: {  	[tilespmem:v59+s13+$0x0] =	vst.idx.msk $0xffff, v21  }
0x16c: {  	v21 =	vld [tilespmem:s0+$0x12E08];
	_ =	sdelay $0x1  }
0x16d: {  	v17 =	vor.u32 $0x7, v17  }
0x16e: {  	v14 =	vor.u32 $0x7, v14  }
0x16f: {  	v13 =	vor.u32 $0x7, v13  }
0x170: {  	v18 =	vor.u32 $0x7, v18;
	v19 =	vmul.f32 v21, v19  }
0x171: {  	s9 =	sadd.s32 s4, s7;
	v16 =	vmul.f32 v21, v16  }
0x172: {  	s0 =	sshll.u32 s9, $0x9;
	v15 =	vmul.f32 v21, v15;
	[tilespmem:v17+s13+$0x0] =	vst.idx.msk $0xffff, v19  }
0x173: {  	s0 =	sadd.s32 $0x200, s0;
	v17 =	vmul.f32 v21, v20;
	[tilespmem:v14+s13+$0x0] =	vst.idx.msk $0xffff, v16  }
0x174: {  	s25 =	sadd.s32 s30, s0;
	[tilespmem:v13+s13+$0x0] =	vst.idx.msk $0xffff, v15  }
0x175: {  	s4 =	sshrl.u32 s25, $0x3;
	[tilespmem:v18+s13+$0x0] =	vst.idx.msk $0xffff, v17  }
0x176: {  	[spmem:s2] =	stream.indirect.scatter.add.f32 [tilespmem:s13], [sflag:$0x1], $0x8, s21, s22, $0xb8;
	[tilespmem:$0x1E808] =	vst v63  }
0x177: {  	s4 =	sadd.s32 s1, s4  }
0x178: {  	[tilespmem:s19], [sflag:$0x3] =	stream.strided.gather [hbm4b:s4+s17], $0x1000, s18, s17, $0x38;
	[tilespmem:$0x1E808] =	vst v63  }
0x179: {  	s0 =	sadd.s32 s10, s0;
	_ =	swait.ge [sflag:s16], $0x1000  }
0x17a: {  	s0 =	sshrl.u32 s0, $0x3;
	[sflag:s16] =	ssyncset.done $0x0  }
0x17b: {  	s0 =	sadd.s32 s6, s0;
	[sflag:s16] =	ssyncadd.s32 $0xFFFFF000  }
0x17c: {  	[tilespmem:s20], [sflag:$0x3] =	stream.strided.gather [hbm4b:s0+s17], $0x400, s18, s17, $0x38;
	[tilespmem:$0x1E808] =	vst v63  }
0x17d: {  	_ =	swait.ge [sflag:s16], $0x400  }
0x17e: {  	[sflag:s16] =	ssyncset.done $0x0  }
0x17f: {  	s0 =	simm.s32 @!p0 $0x2;
	[sflag:s16] =	ssyncadd.s32 $0xFFFFFC00  }
0x180: {  	v13 =	vor.u32 s12, v0;
	_ =	swait.ge @!p0 [sflag:s0], $0x4000  }
0x181: {  	v15 =	vmulhi.u32 $0xAAAAAAAB, v13;
	[sflag:s0] =	ssyncset.done @!p0 $0x0  }
0x182: {  	s26 =	simm.s32 $0x0;
	v14 =	vmov s12;
	[sflag:s0] =	ssyncadd.s32 @!p0 $0xFFFFC000  }
0x183: {  	v14 =	vmulhi.u32 $0xAAAAAAAB, v14;
	v15 =	vshrl.u32 v15, $0x8;
	v16 =	vld [tilespmem:s26+$0x1C608]  }
0x184: {  	v15 =	vmul.u32 $0x180, v15;
	v17 =	vld [tilespmem:s26+$0x1C408]  }
0x185: {  	v14 =	vshrl.u32 v14, $0x8  }
0x186: {  	s29 =	simm.s32 $0x0;
	v14 =	vcvt.s32.f32 v14;
	v13 =	vsub.s32 v13, v15  }
0x187: {  	v19 =	vor.u32 s29, v11;
	v13 =	vcvt.s32.f32 v13  }
0x188: {  	v63 =	vand.u32 v12, v19;
	v19 =	vshll.u32 v19, $0x3;
	v14 =	vadd.f32 v14, v16  }
0x189: {  	v18 =	vor.u32 s29, v9;
	v15 =	vor.u32 s29, v7;
	v13 =	vadd.f32 v13, v17  }
0x18a: {  	v36 =	vand.u32 v8, v15;
	v15 =	vshll.u32 v15, $0x3;
	v17 =	vtrunc.f32 v14  }
0x18b: {  	v33 =	vtrunc.f32 v13;
	v32 =	vcvt.f32.s32 v17;
	vm1 =	vlt.f32 v14, v17  }
0x18c: {  	v35 =	vcvt.f32.s32 v33;
	v34 =	vsel vm1, $0xFFFFFFFF, v1;
	vm1 =	vlt.f32 v13, v33  }
0x18d: {  	v16 =	vor.u32 s29, v3;
	v21 =	vadd.s32 v32, v34;
	v37 =	vsel vm1, $0xFFFFFFFF, v1  }
0x18e: {  	v38 =	vand.u32 v6, v16;
	vm1 =	vgt.s32 v21, $0x0;
	v23 =	vadd.s32 v35, v37  }
0x18f: {  	v39 =	vadd.s32 $0x1, v21;
	v40 =	vnsel vm1, $0x0, v21;
	vm1 =	vgt.s32 v23, $0x0  }
0x190: {  	v26 =	vmin.u32 v40, $0x17F;
	v42 =	vnsel vm1, $0x0, v23;
	vm1 =	vgt.s32 v39, $0x0  }
0x191: {  	v17 =	vand.u32 v10, v18;
	v26 =	vmul.u32 $0x180, v26;
	v44 =	vnsel vm1, $0x0, v39  }
0x192: {  	v43 =	vcvt.s32.f32 v21;
	v28 =	vmin.u32 v42, $0x17F;
	v30 =	vmin.u32 v44, $0x17F  }
0x193: {  	v41 =	vcvt.s32.f32 v23;
	v26 =	vadd.s32 v28, v26;
	v45 =	vmul.u32 $0x180, v30  }
0x194: {  	v16 =	vshll.u32 v16, $0x3;
	v14 =	vsub.f32 v14, v43;
	[tilespmem:v38+s23+$0x0] =	vst.idx.msk $0xffff, v26;
	v46 =	vadd.s32 $0x1, v26  }
0x195: {  	v18 =	vshll.u32 v18, $0x3;
	v13 =	vsub.f32 v13, v41;
	[tilespmem:v36+s23+$0x0] =	vst.idx.msk $0xffff, v46;
	v48 =	vadd.s32 v28, v45  }
0x196: {  	vm3 =	vlt.u32 v21, $0x180;
	v31 =	vadd.s32 $0x1, v23;
	[tilespmem:v17+s23+$0x0] =	vst.idx.msk $0xffff, v48;
	v17 =	vadd.s32 $0x1, v48  }
0x197: {  	vm15 =	vlt.u32 v39, $0x180;
	v47 =	vsub.f32 $1.000000000e+00, v14;
	v49 =	vsub.f32 $1.000000000e+00, v13;
	[tilespmem:v63+s23+$0x0] =	vst.idx.msk $0xffff, v17  }
0x198: {  	vm2 =	vlt.u32 v31, $0x180;
	vm1 =	vlt.u32 v23, $0x180;
	v27 =	vmul.f32 v14, v13;
	v20 =	vld [tilespmem:s26+$0x12008]  }
0x199: {  	vm14 =	vmand vm1, vm3;
	v13 =	vmul.f32 v47, v13;
	v17 =	vmul.f32 v47, v49  }
0x19a: {  	vm3 =	vmand vm2, vm3;
	vm1 =	vmand vm1, vm15;
	v14 =	vmul.f32 v14, v49  }
0x19b: {  	v13 =	vnsel vm3, $0x0, v13;
	vm3 =	veq.s32 v23, $0xFFFFFFFF;
	v17 =	vnsel vm14, $0x0, v17  }
0x19c: {  	v14 =	vnsel vm1, $0x0, v14;
	vm1 =	vmand vm2, vm15;
	v17 =	vsel vm3, v13, v17  }
0x19d: {  	v50 =	vnsel vm1, $0x0, v27;
	v13 =	vsel vm3, $0x0, v13;
	v51 =	vmul.f32 v17, v20  }
0x19e: {  	v14 =	vsel vm3, v50, v14;
	v52 =	vmul.f32 v13, v20  }
0x19f: {  	v21 =	vsel vm3, $0x0, v50;
	v53 =	vmul.f32 v14, v20;
	[tilespmem:v16+s24+$0x0] =	vst.idx.msk $0xffff, v51  }
0x1a0: {  	v20 =	vmul.f32 v21, v20;
	[tilespmem:v15+s24+$0x0] =	vst.idx.msk $0xffff, v52  }
0x1a1: {  	[tilespmem:v18+s24+$0x0] =	vst.idx.msk $0xffff, v53  }
0x1a2: {  	[tilespmem:v19+s24+$0x0] =	vst.idx.msk $0xffff, v20  }
0x1a3: {  	v20 =	vld [tilespmem:s26+$0x12208];
	_ =	sdelay $0x1  }
0x1a4: {  	v54 =	vor.u32 $0x1, v16  }
0x1a5: {  	v55 =	vor.u32 $0x1, v15  }
0x1a6: {  	v56 =	vor.u32 $0x1, v18  }
0x1a7: {  	v58 =	vor.u32 $0x1, v19;
	v57 =	vmul.f32 v17, v20  }
0x1a8: {  	v59 =	vmul.f32 v13, v20  }
0x1a9: {  	v60 =	vmul.f32 v14, v20;
	[tilespmem:v54+s24+$0x0] =	vst.idx.msk $0xffff, v57  }
0x1aa: {  	v20 =	vmul.f32 v21, v20;
	[tilespmem:v55+s24+$0x0] =	vst.idx.msk $0xffff, v59  }
0x1ab: {  	[tilespmem:v56+s24+$0x0] =	vst.idx.msk $0xffff, v60  }
0x1ac: {  	[tilespmem:v58+s24+$0x0] =	vst.idx.msk $0xffff, v20  }
0x1ad: {  	v20 =	vld [tilespmem:s26+$0x12408];
	_ =	sdelay $0x1  }
0x1ae: {  	v61 =	vor.u32 $0x2, v16  }
0x1af: {  	v62 =	vor.u32 $0x2, v15  }
0x1b0: {  	v63 =	vor.u32 $0x2, v18  }
0x1b1: {  	v31 =	vor.u32 $0x2, v19;
	v30 =	vmul.f32 v20, v17  }
0x1b2: {  	v32 =	vmul.f32 v20, v13  }
0x1b3: {  	v33 =	vmul.f32 v20, v14;
	[tilespmem:v61+s24+$0x0] =	vst.idx.msk $0xffff, v30  }
0x1b4: {  	v20 =	vmul.f32 v20, v21;
	[tilespmem:v62+s24+$0x0] =	vst.idx.msk $0xffff, v32  }
0x1b5: {  	[tilespmem:v63+s24+$0x0] =	vst.idx.msk $0xffff, v33  }
0x1b6: {  	[tilespmem:v31+s24+$0x0] =	vst.idx.msk $0xffff, v20  }
0x1b7: {  	v20 =	vld [tilespmem:s26+$0x12608];
	_ =	sdelay $0x1  }
0x1b8: {  	v34 =	vor.u32 $0x3, v16  }
0x1b9: {  	v35 =	vor.u32 $0x3, v15  }
0x1ba: {  	v36 =	vor.u32 $0x3, v18  }
0x1bb: {  	v38 =	vor.u32 $0x3, v19;
	v37 =	vmul.f32 v20, v17  }
0x1bc: {  	v39 =	vmul.f32 v20, v13  }
0x1bd: {  	v40 =	vmul.f32 v20, v14;
	[tilespmem:v34+s24+$0x0] =	vst.idx.msk $0xffff, v37  }
0x1be: {  	v20 =	vmul.f32 v20, v21;
	[tilespmem:v35+s24+$0x0] =	vst.idx.msk $0xffff, v39  }
0x1bf: {  	[tilespmem:v36+s24+$0x0] =	vst.idx.msk $0xffff, v40  }
0x1c0: {  	[tilespmem:v38+s24+$0x0] =	vst.idx.msk $0xffff, v20  }
0x1c1: {  	v20 =	vld [tilespmem:s26+$0x12808];
	_ =	sdelay $0x1  }
0x1c2: {  	v41 =	vor.u32 $0x4, v16  }
0x1c3: {  	v42 =	vor.u32 $0x4, v15  }
0x1c4: {  	v43 =	vor.u32 $0x4, v18  }
0x1c5: {  	v45 =	vor.u32 $0x4, v19;
	v44 =	vmul.f32 v20, v17  }
0x1c6: {  	v46 =	vmul.f32 v20, v13  }
0x1c7: {  	v47 =	vmul.f32 v20, v14;
	[tilespmem:v41+s24+$0x0] =	vst.idx.msk $0xffff, v44  }
0x1c8: {  	v20 =	vmul.f32 v20, v21;
	[tilespmem:v42+s24+$0x0] =	vst.idx.msk $0xffff, v46  }
0x1c9: {  	[tilespmem:v43+s24+$0x0] =	vst.idx.msk $0xffff, v47  }
0x1ca: {  	[tilespmem:v45+s24+$0x0] =	vst.idx.msk $0xffff, v20  }
0x1cb: {  	v20 =	vld [tilespmem:s26+$0x12A08];
	_ =	sdelay $0x1  }
0x1cc: {  	v48 =	vor.u32 $0x5, v16  }
0x1cd: {  	v49 =	vor.u32 $0x5, v15  }
0x1ce: {  	v50 =	vor.u32 $0x5, v18  }
0x1cf: {  	v52 =	vor.u32 $0x5, v19;
	v51 =	vmul.f32 v20, v17  }
0x1d0: {  	v53 =	vmul.f32 v20, v13  }
0x1d1: {  	v54 =	vmul.f32 v20, v14;
	[tilespmem:v48+s24+$0x0] =	vst.idx.msk $0xffff, v51  }
0x1d2: {  	v20 =	vmul.f32 v20, v21;
	[tilespmem:v49+s24+$0x0] =	vst.idx.msk $0xffff, v53  }
0x1d3: {  	[tilespmem:v50+s24+$0x0] =	vst.idx.msk $0xffff, v54  }
0x1d4: {  	[tilespmem:v52+s24+$0x0] =	vst.idx.msk $0xffff, v20  }
0x1d5: {  	v20 =	vld [tilespmem:s26+$0x12C08];
	_ =	sdelay $0x1  }
0x1d6: {  	v55 =	vor.u32 $0x6, v16  }
0x1d7: {  	v56 =	vor.u32 $0x6, v15  }
0x1d8: {  	v57 =	vor.u32 $0x6, v18  }
0x1d9: {  	v59 =	vor.u32 $0x6, v19;
	v58 =	vmul.f32 v20, v17  }
0x1da: {  	v60 =	vmul.f32 v20, v13  }
0x1db: {  	v61 =	vmul.f32 v20, v14;
	[tilespmem:v55+s24+$0x0] =	vst.idx.msk $0xffff, v58  }
0x1dc: {  	v20 =	vmul.f32 v20, v21;
	[tilespmem:v56+s24+$0x0] =	vst.idx.msk $0xffff, v60  }
0x1dd: {  	[tilespmem:v57+s24+$0x0] =	vst.idx.msk $0xffff, v61  }
0x1de: {  	[tilespmem:v59+s24+$0x0] =	vst.idx.msk $0xffff, v20  }
0x1df: {  	v20 =	vld [tilespmem:s26+$0x12E08];
	_ =	sdelay $0x1  }
0x1e0: {  	v62 =	vor.u32 $0x7, v16  }
0x1e1: {  	v63 =	vor.u32 $0x7, v15  }
0x1e2: {  	v16 =	vor.u32 $0x7, v18  }
0x1e3: {  	v15 =	vmul.f32 v20, v17;
	v17 =	vmul.f32 v20, v13;
	v13 =	vor.u32 $0x7, v19;
	_ =	sdelay $0x1  }
0x1e4: {  	[tilespmem:v62+s24+$0x0] =	vst.idx.msk $0xffff, v15;
	v15 =	vmul.f32 v20, v14  }
0x1e5: {  	s9 =	sadd.s32 $0x10, s12;
	s4 =	simm.s32 $0x40;
	s0 =	simm.s32 $0x80;
	v14 =	vmul.f32 v20, v21;
	[tilespmem:v63+s24+$0x0] =	vst.idx.msk $0xffff, v17  }
.LBB2_12:
0x1e6: {  	p0 =	sne.s32 s0, $0x7C0;
	v17 =	vor.u32 s9, v0;
	[tilespmem:v16+s24+$0x0] =	vst.idx.msk $0xffff, v15;
	s26 =	smov.u32 s0;
	s0 =	sadd.s32 $0x40, s0  }
0x1e7: {  	s25 =	sshra.s32 s4, $0x2;
	v15 =	vmov s9;
	v16 =	vmulhi.u32 $0xAAAAAAAB, v17;
	[tilespmem:v13+s24+$0x0] =	vst.idx.msk $0xffff, v14  }
0x1e8: {  	v14 =	vmulhi.u32 $0xAAAAAAAB, v15;
	v13 =	vld [tilespmem:s25+$0x1C608]  }
0x1e9: {  	v15 =	vshrl.u32 v16, $0x8  }
0x1ea: {  	v14 =	vshrl.u32 v14, $0x8;
	v16 =	vld [tilespmem:s25+$0x1C408];
	v15 =	vmul.u32 $0x180, v15  }
0x1eb: {  	v14 =	vcvt.s32.f32 v14  }
0x1ec: {  	v15 =	vsub.s32 v17, v15  }
0x1ed: {  	v15 =	vcvt.s32.f32 v15;
	v13 =	vadd.f32 v14, v13;
	v14 =	vor.u32 s4, v7  }
0x1ee: {  	v18 =	vor.u32 s4, v9;
	v19 =	vor.u32 s4, v11;
	v17 =	vor.u32 s4, v3;
	s4 =	smov.u32 s26  }
0x1ef: {  	v20 =	vand.u32 v12, v19;
	v15 =	vadd.f32 v15, v16;
	v16 =	vtrunc.f32 v13  }
0x1f0: {  	v21 =	vcvt.f32.s32 v16;
	vm1 =	vlt.f32 v13, v16;
	v16 =	vand.u32 v10, v18  }
0x1f1: {  	v24 =	vand.u32 v8, v14;
	v22 =	vtrunc.f32 v15;
	v23 =	vsel vm1, $0xFFFFFFFF, v1  }
0x1f2: {  	v25 =	vcvt.f32.s32 v22;
	vm1 =	vlt.f32 v15, v22;
	v21 =	vadd.s32 v21, v23  }
0x1f3: {  	v23 =	vand.u32 v6, v17;
	v22 =	vsel vm1, $0xFFFFFFFF, v1;
	vm1 =	vgt.s32 v21, $0x0  }
0x1f4: {  	v22 =	vadd.s32 v25, v22;
	v25 =	vadd.s32 $0x1, v21;
	v26 =	vnsel vm1, $0x0, v21  }
0x1f5: {  	v27 =	vcvt.s32.f32 v22;
	vm1 =	vgt.s32 v22, $0x0;
	v26 =	vmin.u32 v26, $0x17F  }
0x1f6: {  	v28 =	vnsel vm1, $0x0, v22;
	v26 =	vmul.u32 $0x180, v26;
	vm1 =	vgt.s32 v25, $0x0  }
0x1f7: {  	v29 =	vcvt.s32.f32 v21;
	v28 =	vmin.u32 v28, $0x17F;
	v30 =	vnsel vm1, $0x0, v25  }
0x1f8: {  	v31 =	vadd.s32 $0x1, v22;
	v26 =	vadd.s32 v28, v26;
	v30 =	vmin.u32 v30, $0x17F  }
0x1f9: {  	v29 =	vsub.f32 v13, v29;
	v13 =	vmul.u32 $0x180, v30;
	[tilespmem:v23+s23+$0x0] =	vst.idx.msk $0xffff, v26;
	v23 =	vadd.s32 $0x1, v26  }
0x1fa: {  	vm2 =	vlt.u32 v22, $0x180;
	v15 =	vsub.f32 v15, v27;
	vm1 =	vlt.u32 v31, $0x180;
	[tilespmem:v24+s23+$0x0] =	vst.idx.msk $0xffff, v23  }
0x1fb: {  	v23 =	vsub.f32 $1.000000000e+00, v29;
	v13 =	vadd.s32 v28, v13  }
0x1fc: {  	v26 =	vmul.f32 v29, v15;
	v24 =	vsub.f32 $1.000000000e+00, v15;
	[tilespmem:v16+s23+$0x0] =	vst.idx.msk $0xffff, v13;
	v13 =	vadd.s32 $0x1, v13  }
0x1fd: {  	vm3 =	vlt.u32 v21, $0x180;
	v15 =	vmul.f32 v23, v15;
	[tilespmem:v20+s23+$0x0] =	vst.idx.msk $0xffff, v13;
	v13 =	vshll.u32 v17, $0x3  }
0x1fe: {  	vm4 =	vmand vm2, vm3;
	vm3 =	vmand vm1, vm3;
	v16 =	vmul.f32 v23, v24;
	v21 =	vld [tilespmem:s25+$0x12008]  }
0x1ff: {  	vm5 =	vlt.u32 v25, $0x180;
	v17 =	vnsel vm3, $0x0, v15;
	v15 =	vmul.f32 v29, v24  }
0x200: {  	vm2 =	vmand vm2, vm5;
	v20 =	vnsel vm4, $0x0, v16;
	vm3 =	veq.s32 v22, $0xFFFFFFFF  }
0x201: {  	v16 =	vshll.u32 v14, $0x3;
	v14 =	vshll.u32 v19, $0x3;
	v22 =	vnsel vm2, $0x0, v15  }
0x202: {  	vm1 =	vmand vm1, vm5;
	v15 =	vsel vm3, v17, v20;
	v20 =	vshll.u32 v18, $0x3  }
0x203: {  	v19 =	vnsel vm1, $0x0, v26;
	v17 =	vsel vm3, $0x0, v17;
	v23 =	vmul.f32 v15, v21  }
0x204: {  	v18 =	vsel vm3, v19, v22;
	v22 =	vmul.f32 v17, v21  }
0x205: {  	v19 =	vsel vm3, $0x0, v19;
	[tilespmem:v13+s24+$0x0] =	vst.idx.msk $0xffff, v23;
	v23 =	vmul.f32 v18, v21  }
0x206: {  	v21 =	vmul.f32 v19, v21;
	[tilespmem:v16+s24+$0x0] =	vst.idx.msk $0xffff, v22  }
0x207: {  	[tilespmem:v20+s24+$0x0] =	vst.idx.msk $0xffff, v23  }
0x208: {  	[tilespmem:v14+s24+$0x0] =	vst.idx.msk $0xffff, v21  }
0x209: {  	v21 =	vld [tilespmem:s25+$0x12208];
	_ =	sdelay $0x1  }
0x20a: {  	v22 =	vor.u32 $0x1, v13  }
0x20b: {  	v23 =	vor.u32 $0x1, v16  }
0x20c: {  	v24 =	vor.u32 $0x1, v20  }
0x20d: {  	v26 =	vor.u32 $0x1, v14;
	v25 =	vmul.f32 v15, v21  }
0x20e: {  	v27 =	vmul.f32 v17, v21  }
0x20f: {  	[tilespmem:v22+s24+$0x0] =	vst.idx.msk $0xffff, v25;
	v22 =	vmul.f32 v18, v21  }
0x210: {  	v21 =	vmul.f32 v19, v21;
	[tilespmem:v23+s24+$0x0] =	vst.idx.msk $0xffff, v27  }
0x211: {  	[tilespmem:v24+s24+$0x0] =	vst.idx.msk $0xffff, v22  }
0x212: {  	[tilespmem:v26+s24+$0x0] =	vst.idx.msk $0xffff, v21  }
0x213: {  	v21 =	vld [tilespmem:s25+$0x12408];
	_ =	sdelay $0x1  }
0x214: {  	v22 =	vor.u32 $0x2, v13  }
0x215: {  	v23 =	vor.u32 $0x2, v16  }
0x216: {  	v24 =	vor.u32 $0x2, v20  }
0x217: {  	v26 =	vor.u32 $0x2, v14;
	v25 =	vmul.f32 v21, v15  }
0x218: {  	v27 =	vmul.f32 v21, v17  }
0x219: {  	[tilespmem:v22+s24+$0x0] =	vst.idx.msk $0xffff, v25;
	v22 =	vmul.f32 v21, v18  }
0x21a: {  	v21 =	vmul.f32 v21, v19;
	[tilespmem:v23+s24+$0x0] =	vst.idx.msk $0xffff, v27  }
0x21b: {  	[tilespmem:v24+s24+$0x0] =	vst.idx.msk $0xffff, v22  }
0x21c: {  	[tilespmem:v26+s24+$0x0] =	vst.idx.msk $0xffff, v21  }
0x21d: {  	v21 =	vld [tilespmem:s25+$0x12608];
	_ =	sdelay $0x1  }
0x21e: {  	v22 =	vor.u32 $0x3, v13  }
0x21f: {  	v23 =	vor.u32 $0x3, v16  }
0x220: {  	v24 =	vor.u32 $0x3, v20  }
0x221: {  	v26 =	vor.u32 $0x3, v14;
	v25 =	vmul.f32 v21, v15  }
0x222: {  	v27 =	vmul.f32 v21, v17  }
0x223: {  	[tilespmem:v22+s24+$0x0] =	vst.idx.msk $0xffff, v25;
	v22 =	vmul.f32 v21, v18  }
0x224: {  	v21 =	vmul.f32 v21, v19;
	[tilespmem:v23+s24+$0x0] =	vst.idx.msk $0xffff, v27  }
0x225: {  	[tilespmem:v24+s24+$0x0] =	vst.idx.msk $0xffff, v22  }
0x226: {  	[tilespmem:v26+s24+$0x0] =	vst.idx.msk $0xffff, v21  }
0x227: {  	v21 =	vld [tilespmem:s25+$0x12808];
	_ =	sdelay $0x1  }
0x228: {  	v22 =	vor.u32 $0x4, v13  }
0x229: {  	v23 =	vor.u32 $0x4, v16  }
0x22a: {  	v24 =	vor.u32 $0x4, v20  }
0x22b: {  	v26 =	vor.u32 $0x4, v14;
	v25 =	vmul.f32 v21, v15  }
0x22c: {  	v27 =	vmul.f32 v21, v17  }
0x22d: {  	[tilespmem:v22+s24+$0x0] =	vst.idx.msk $0xffff, v25;
	v22 =	vmul.f32 v21, v18  }
0x22e: {  	v21 =	vmul.f32 v21, v19;
	[tilespmem:v23+s24+$0x0] =	vst.idx.msk $0xffff, v27  }
0x22f: {  	[tilespmem:v24+s24+$0x0] =	vst.idx.msk $0xffff, v22  }
0x230: {  	[tilespmem:v26+s24+$0x0] =	vst.idx.msk $0xffff, v21  }
0x231: {  	v21 =	vld [tilespmem:s25+$0x12A08];
	_ =	sdelay $0x1  }
0x232: {  	v22 =	vor.u32 $0x5, v13  }
0x233: {  	v23 =	vor.u32 $0x5, v16  }
0x234: {  	v24 =	vor.u32 $0x5, v20  }
0x235: {  	v26 =	vor.u32 $0x5, v14;
	v25 =	vmul.f32 v21, v15  }
0x236: {  	v27 =	vmul.f32 v21, v17  }
0x237: {  	[tilespmem:v22+s24+$0x0] =	vst.idx.msk $0xffff, v25;
	v22 =	vmul.f32 v21, v18  }
0x238: {  	v21 =	vmul.f32 v21, v19;
	[tilespmem:v23+s24+$0x0] =	vst.idx.msk $0xffff, v27  }
0x239: {  	[tilespmem:v24+s24+$0x0] =	vst.idx.msk $0xffff, v22  }
0x23a: {  	[tilespmem:v26+s24+$0x0] =	vst.idx.msk $0xffff, v21  }
0x23b: {  	v21 =	vld [tilespmem:s25+$0x12C08];
	_ =	sdelay $0x1  }
0x23c: {  	v22 =	vor.u32 $0x6, v13  }
0x23d: {  	v23 =	vor.u32 $0x6, v16  }
0x23e: {  	v24 =	vor.u32 $0x6, v20  }
0x23f: {  	v26 =	vor.u32 $0x6, v14;
	v25 =	vmul.f32 v21, v15  }
0x240: {  	v27 =	vmul.f32 v21, v17  }
0x241: {  	[tilespmem:v22+s24+$0x0] =	vst.idx.msk $0xffff, v25;
	v22 =	vmul.f32 v21, v18  }
0x242: {  	v21 =	vmul.f32 v21, v19;
	[tilespmem:v23+s24+$0x0] =	vst.idx.msk $0xffff, v27  }
0x243: {  	[tilespmem:v24+s24+$0x0] =	vst.idx.msk $0xffff, v22  }
0x244: {  	[tilespmem:v26+s24+$0x0] =	vst.idx.msk $0xffff, v21  }
0x245: {  	v21 =	vld [tilespmem:s25+$0x12E08];
	_ =	sdelay $0x1  }
0x246: {  	v22 =	vor.u32 $0x7, v13  }
0x247: {  	v23 =	vor.u32 $0x7, v16  }
.Ltmp4:
0x248: {  	v16 =	vor.u32 $0x7, v20;
	(pc) =	sbr.rel @p0 .LBB2_12-.Ltmp4, $4  }
0x249: {  	v13 =	vor.u32 $0x7, v14;
	v15 =	vmul.f32 v21, v15  }
0x24a: {  	v14 =	vmul.f32 v21, v17  }
0x24b: {  	[tilespmem:v22+s24+$0x0] =	vst.idx.msk $0xffff, v15;
	v15 =	vmul.f32 v21, v18  }
0x24c: {  	s9 =	sadd.s32 $0x10, s9;
	[tilespmem:v23+s24+$0x0] =	vst.idx.msk $0xffff, v14;
	v14 =	vmul.f32 v21, v19  }
0x24d: {  	_ =	sdelay $0x2  }
0x24e: {  	v17 =	vor.u32 s9, v0  }
0x24f: {  	[tilespmem:v16+s24+$0x0] =	vst.idx.msk $0xffff, v15;
	v37 =	vmulhi.u32 $0xAAAAAAAB, v17  }
0x250: {  	s0 =	sshra.s32 s4, $0x2;
	v15 =	vmov s9;
	[tilespmem:v13+s24+$0x0] =	vst.idx.msk $0xffff, v14  }
0x251: {  	v14 =	vmulhi.u32 $0xAAAAAAAB, v15;
	v13 =	vld [tilespmem:s0+$0x1C608];
	v15 =	vshrl.u32 v37, $0x8  }
0x252: {  	v38 =	vld [tilespmem:s0+$0x1C408];
	v15 =	vmul.u32 $0x180, v15  }
0x253: {  	v14 =	vshrl.u32 v14, $0x8  }
0x254: {  	v14 =	vcvt.s32.f32 v14;
	v15 =	vsub.s32 v17, v15  }
0x255: {  	v39 =	vor.u32 s4, v3;
	v15 =	vcvt.s32.f32 v15  }
0x256: {  	v18 =	vor.u32 s4, v9;
	v19 =	vor.u32 s4, v11;
	v13 =	vadd.f32 v14, v13  }
0x257: {  	v20 =	vand.u32 v12, v19;
	v41 =	vand.u32 v10, v18;
	v15 =	vadd.f32 v15, v38  }
0x258: {  	v25 =	vand.u32 v6, v39;
	v16 =	vshll.u32 v39, $0x3;
	v40 =	vtrunc.f32 v13  }
0x259: {  	v21 =	vcvt.f32.s32 v40;
	vm1 =	vlt.f32 v13, v40;
	v22 =	vtrunc.f32 v15  }
0x25a: {  	v23 =	vsel vm1, $0xFFFFFFFF, v1;
	v24 =	vcvt.f32.s32 v22;
	vm1 =	vlt.f32 v15, v22  }
0x25b: {  	v14 =	vor.u32 s4, v7;
	v21 =	vadd.s32 v21, v23;
	v43 =	vsel vm1, $0xFFFFFFFF, v1  }
0x25c: {  	v42 =	vand.u32 v8, v14;
	vm1 =	vgt.s32 v21, $0x0;
	v23 =	vadd.s32 v24, v43  }
0x25d: {  	v44 =	vadd.s32 $0x1, v21;
	v26 =	vnsel vm1, $0x0, v21;
	vm1 =	vgt.s32 v23, $0x0  }
0x25e: {  	v26 =	vmin.u32 v26, $0x17F;
	v28 =	vnsel vm1, $0x0, v23;
	vm1 =	vgt.s32 v44, $0x0  }
0x25f: {  	v19 =	vshll.u32 v19, $0x3;
	v26 =	vmul.u32 $0x180, v26;
	v30 =	vnsel vm1, $0x0, v44  }
0x260: {  	v29 =	vcvt.s32.f32 v21;
	v28 =	vmin.u32 v28, $0x17F;
	v30 =	vmin.u32 v30, $0x17F  }
0x261: {  	v27 =	vcvt.s32.f32 v23;
	v26 =	vadd.s32 v28, v26;
	v45 =	vmul.u32 $0x180, v30  }
0x262: {  	v18 =	vshll.u32 v18, $0x3;
	v13 =	vsub.f32 v13, v29;
	[tilespmem:v25+s23+$0x0] =	vst.idx.msk $0xffff, v26;
	v46 =	vadd.s32 $0x1, v26  }
0x263: {  	v14 =	vshll.u32 v14, $0x3;
	v15 =	vsub.f32 v15, v27;
	[tilespmem:v42+s23+$0x0] =	vst.idx.msk $0xffff, v46;
	v48 =	vadd.s32 v28, v45  }
0x264: {  	vm3 =	vlt.u32 v21, $0x180;
	vm5 =	vlt.u32 v44, $0x180;
	[tilespmem:v41+s23+$0x0] =	vst.idx.msk $0xffff, v48;
	v50 =	vadd.s32 $0x1, v48  }
0x265: {  	v31 =	vadd.s32 $0x1, v23;
	v47 =	vsub.f32 $1.000000000e+00, v13;
	v49 =	vsub.f32 $1.000000000e+00, v15;
	[tilespmem:v20+s23+$0x0] =	vst.idx.msk $0xffff, v50  }
0x266: {  	vm2 =	vlt.u32 v31, $0x180;
	vm1 =	vlt.u32 v23, $0x180;
	v27 =	vmul.f32 v13, v15;
	v20 =	vld [tilespmem:s0+$0x12008]  }
0x267: {  	vm4 =	vmand vm1, vm3;
	v15 =	vmul.f32 v47, v15;
	v51 =	vmul.f32 v47, v49  }
0x268: {  	vm3 =	vmand vm2, vm3;
	vm1 =	vmand vm1, vm5;
	v13 =	vmul.f32 v13, v49  }
0x269: {  	v15 =	vnsel vm3, $0x0, v15;
	vm3 =	veq.s32 v23, $0xFFFFFFFF;
	v17 =	vnsel vm4, $0x0, v51  }
0x26a: {  	v13 =	vnsel vm1, $0x0, v13;
	vm1 =	vmand vm2, vm5;
	v17 =	vsel vm3, v15, v17  }
0x26b: {  	v52 =	vnsel vm1, $0x0, v27;
	v15 =	vsel vm3, $0x0, v15;
	v53 =	vmul.f32 v17, v20  }
0x26c: {  	v13 =	vsel vm3, v52, v13;
	v54 =	vmul.f32 v15, v20  }
0x26d: {  	v21 =	vsel vm3, $0x0, v52;
	v55 =	vmul.f32 v13, v20;
	[tilespmem:v16+s24+$0x0] =	vst.idx.msk $0xffff, v53  }
0x26e: {  	v20 =	vmul.f32 v21, v20;
	[tilespmem:v14+s24+$0x0] =	vst.idx.msk $0xffff, v54  }
0x26f: {  	[tilespmem:v18+s24+$0x0] =	vst.idx.msk $0xffff, v55  }
0x270: {  	[tilespmem:v19+s24+$0x0] =	vst.idx.msk $0xffff, v20  }
0x271: {  	v20 =	vld [tilespmem:s0+$0x12208];
	_ =	sdelay $0x1  }
0x272: {  	v56 =	vor.u32 $0x1, v16  }
0x273: {  	v57 =	vor.u32 $0x1, v14  }
0x274: {  	v58 =	vor.u32 $0x1, v18  }
0x275: {  	v60 =	vor.u32 $0x1, v19;
	v59 =	vmul.f32 v17, v20  }
0x276: {  	v61 =	vmul.f32 v15, v20  }
0x277: {  	v62 =	vmul.f32 v13, v20;
	[tilespmem:v56+s24+$0x0] =	vst.idx.msk $0xffff, v59  }
0x278: {  	v20 =	vmul.f32 v21, v20;
	[tilespmem:v57+s24+$0x0] =	vst.idx.msk $0xffff, v61  }
0x279: {  	[tilespmem:v58+s24+$0x0] =	vst.idx.msk $0xffff, v62  }
0x27a: {  	[tilespmem:v60+s24+$0x0] =	vst.idx.msk $0xffff, v20  }
0x27b: {  	v20 =	vld [tilespmem:s0+$0x12408];
	_ =	sdelay $0x1  }
0x27c: {  	v63 =	vor.u32 $0x2, v16  }
0x27d: {  	v30 =	vor.u32 $0x2, v14  }
0x27e: {  	v31 =	vor.u32 $0x2, v18  }
0x27f: {  	v33 =	vor.u32 $0x2, v19;
	v32 =	vmul.f32 v20, v17  }
0x280: {  	v34 =	vmul.f32 v20, v15  }
0x281: {  	v35 =	vmul.f32 v20, v13;
	[tilespmem:v63+s24+$0x0] =	vst.idx.msk $0xffff, v32  }
0x282: {  	v20 =	vmul.f32 v20, v21;
	[tilespmem:v30+s24+$0x0] =	vst.idx.msk $0xffff, v34  }
0x283: {  	[tilespmem:v31+s24+$0x0] =	vst.idx.msk $0xffff, v35  }
0x284: {  	[tilespmem:v33+s24+$0x0] =	vst.idx.msk $0xffff, v20  }
0x285: {  	v20 =	vld [tilespmem:s0+$0x12608];
	_ =	sdelay $0x1  }
0x286: {  	v36 =	vor.u32 $0x3, v16  }
0x287: {  	v37 =	vor.u32 $0x3, v14  }
0x288: {  	v38 =	vor.u32 $0x3, v18  }
0x289: {  	v40 =	vor.u32 $0x3, v19;
	v39 =	vmul.f32 v20, v17  }
0x28a: {  	v41 =	vmul.f32 v20, v15  }
0x28b: {  	v42 =	vmul.f32 v20, v13;
	[tilespmem:v36+s24+$0x0] =	vst.idx.msk $0xffff, v39  }
0x28c: {  	v20 =	vmul.f32 v20, v21;
	[tilespmem:v37+s24+$0x0] =	vst.idx.msk $0xffff, v41  }
0x28d: {  	[tilespmem:v38+s24+$0x0] =	vst.idx.msk $0xffff, v42  }
0x28e: {  	[tilespmem:v40+s24+$0x0] =	vst.idx.msk $0xffff, v20  }
0x28f: {  	v20 =	vld [tilespmem:s0+$0x12808];
	_ =	sdelay $0x1  }
0x290: {  	v43 =	vor.u32 $0x4, v16  }
0x291: {  	v44 =	vor.u32 $0x4, v14  }
0x292: {  	v45 =	vor.u32 $0x4, v18  }
0x293: {  	v47 =	vor.u32 $0x4, v19;
	v46 =	vmul.f32 v20, v17  }
0x294: {  	v48 =	vmul.f32 v20, v15  }
0x295: {  	v49 =	vmul.f32 v20, v13;
	[tilespmem:v43+s24+$0x0] =	vst.idx.msk $0xffff, v46  }
0x296: {  	v20 =	vmul.f32 v20, v21;
	[tilespmem:v44+s24+$0x0] =	vst.idx.msk $0xffff, v48  }
0x297: {  	[tilespmem:v45+s24+$0x0] =	vst.idx.msk $0xffff, v49  }
0x298: {  	[tilespmem:v47+s24+$0x0] =	vst.idx.msk $0xffff, v20  }
0x299: {  	v20 =	vld [tilespmem:s0+$0x12A08];
	_ =	sdelay $0x1  }
0x29a: {  	v50 =	vor.u32 $0x5, v16  }
0x29b: {  	v51 =	vor.u32 $0x5, v14  }
0x29c: {  	v52 =	vor.u32 $0x5, v18  }
0x29d: {  	v54 =	vor.u32 $0x5, v19;
	v53 =	vmul.f32 v20, v17  }
0x29e: {  	v55 =	vmul.f32 v20, v15  }
0x29f: {  	v56 =	vmul.f32 v20, v13;
	[tilespmem:v50+s24+$0x0] =	vst.idx.msk $0xffff, v53  }
0x2a0: {  	v20 =	vmul.f32 v20, v21;
	[tilespmem:v51+s24+$0x0] =	vst.idx.msk $0xffff, v55  }
0x2a1: {  	[tilespmem:v52+s24+$0x0] =	vst.idx.msk $0xffff, v56  }
0x2a2: {  	[tilespmem:v54+s24+$0x0] =	vst.idx.msk $0xffff, v20  }
0x2a3: {  	v20 =	vld [tilespmem:s0+$0x12C08];
	_ =	sdelay $0x1  }
0x2a4: {  	v57 =	vor.u32 $0x6, v16  }
0x2a5: {  	v58 =	vor.u32 $0x6, v14  }
0x2a6: {  	v59 =	vor.u32 $0x6, v18  }
0x2a7: {  	v61 =	vor.u32 $0x6, v19;
	v60 =	vmul.f32 v20, v17  }
0x2a8: {  	v62 =	vmul.f32 v20, v15  }
0x2a9: {  	v63 =	vmul.f32 v20, v13;
	[tilespmem:v57+s24+$0x0] =	vst.idx.msk $0xffff, v60  }
0x2aa: {  	v20 =	vmul.f32 v20, v21;
	[tilespmem:v58+s24+$0x0] =	vst.idx.msk $0xffff, v62  }
0x2ab: {  	[tilespmem:v59+s24+$0x0] =	vst.idx.msk $0xffff, v63  }
0x2ac: {  	[tilespmem:v61+s24+$0x0] =	vst.idx.msk $0xffff, v20  }
0x2ad: {  	v20 =	vld [tilespmem:s0+$0x12E08];
	_ =	sdelay $0x1  }
0x2ae: {  	v16 =	vor.u32 $0x7, v16  }
0x2af: {  	v14 =	vor.u32 $0x7, v14  }
0x2b0: {  	v18 =	vor.u32 $0x7, v18  }
0x2b1: {  	s11 =	sadd.s32 $0x1, s11;
	v19 =	vor.u32 $0x7, v19;
	v17 =	vmul.f32 v20, v17  }
0x2b2: {  	p0 =	sne.s32 s11, $0x9;
	v15 =	vmul.f32 v20, v15  }
.Ltmp5:
0x2b3: {  	v13 =	vmul.f32 v20, v13;
	[tilespmem:v16+s24+$0x0] =	vst.idx.msk $0xffff, v17;
	(pc) =	sbr.rel @p0 .LBB2_9-.Ltmp5, $4  }
0x2b4: {  	[tilespmem:v14+s24+$0x0] =	vst.idx.msk $0xffff, v15;
	v14 =	vmul.f32 v20, v21  }
0x2b5: {  	[tilespmem:v18+s24+$0x0] =	vst.idx.msk $0xffff, v13  }
0x2b6: {  	s5 =	sadd.s32 $0x400, s5;
	s12 =	sadd.s32 $0x400, s12;
	[tilespmem:v19+s24+$0x0] =	vst.idx.msk $0xffff, v14  }
0x2b7: {  	[spmem:s2] =	stream.indirect.scatter.add.f32 [tilespmem:s24], [sflag:$0x2], $0x8, s23, s22, $0xb8;
	[tilespmem:$0x1E808] =	vst v63  }
0x2b8: {  	s0 =	simm.s32 $0x1  }
0x2b9: {  	_ =	swait.ge [sflag:s0], $0x4000  }
0x2ba: {  	[sflag:s0] =	ssyncset.done $0x0  }
0x2bb: {  	s29 =	simm.s32 $0x2;
	[sflag:s0] =	ssyncadd.s32 $0xFFFFC000  }
0x2bc: {  	_ =	swait.ge [sflag:s29], $0x4000  }
0x2bd: {  	[sflag:s29] =	ssyncset.done $0x0  }
0x2be: {  	[sflag:s29] =	ssyncadd.s32 $0xFFFFC000  }
0x2bf: {  	s4 =	simm.s32 $0x0;
	s0 =	simm.s32 $0x0;
	[bflag:$0x0] =	sbarrier.arrive $0xFFFF  }
.LBB2_15:
0x2c0: {  	v14 =	vor.u32 s0, v0  }
0x2c1: {  	v14 =	vand.u32 v5, v14  }
0x2c2: {  	s5 =	sshll.u32 s4, $0xA  }
0x2c3: {  	s5 =	sadd.s32 s3, s5  }
0x2c4: {  	v13 =	vor.u32 s5, v0  }
0x2c5: {  	s9 =	simm.s32 $0x10;
	v15 =	vor.u32 s0, v13  }
.LBB2_16:
0x2c6: {  	v16 =	vor.u32 s9, v0;
	p0 =	sne.s32 s9, $0x3F0;
	[tilespmem:v14+s14+$0x0] =	vst.idx.msk $0xffff, v15;
	s11 =	smov.u32 s9;
	s9 =	sadd.s32 $0x10, s9  }
.Ltmp6:
0x2c7: {  	v14 =	vand.u32 v5, v16;
	(pc) =	sbr.rel @p0 .LBB2_16-.Ltmp6, $2  }
0x2c8: {  	_ =	sdelay $0x2  }
0x2c9: {  	v15 =	vor.u32 s11, v13  }
0x2ca: {  	_ = 	snop  }
0x2cb: {  	s9 =	simm.s32 $0x0  }
0x2cc: {  	v13 =	vmul.u32 $0x8, v0;
	v16 =	vmov s9  }
0x2cd: {  	v16 =	vshll.u32 v16, $0x3  }
0x2ce: {  	[tilespmem:v14+s14+$0x0] =	vst.idx.msk $0xffff, v15;
	v14 =	vor.u32 v13, v16  }
0x2cf: {  	[tilespmem:s13], [sflag:$0x3] =	stream.indirect.gather [spmem:s2], $0x8, s14, s15, $0xb8;
	[tilespmem:$0x1E808] =	vst v63  }
0x2d0: {  	_ =	swait.ge [sflag:s16], $0x2000  }
0x2d1: {  	[sflag:s16] =	ssyncset.done $0x0  }
0x2d2: {  	[sflag:s16] =	ssyncadd.s32 $0xFFFFE000  }
0x2d3: {  	v15 =	vld.idx.msk [tilespmem:v14+s13+$0x0], $0xffff  }
0x2d4: {  	v16 =	vor.u32 $0x1, v14;
	_ =	sdelay $0x2  }
0x2d5: {  	s9 =	sand.u32 $0x3F0, s9  }
0x2d6: {  	[tilespmem:s9+$0x1C808] =	vst v15  }
0x2d7: {  	v15 =	vld.idx.msk [tilespmem:v16+s13+$0x0], $0xffff  }
0x2d8: {  	v16 =	vor.u32 $0x2, v14;
	_ =	sdelay $0x3  }
0x2d9: {  	[tilespmem:s9+$0x1CC08] =	vst v15  }
0x2da: {  	v15 =	vld.idx.msk [tilespmem:v16+s13+$0x0], $0xffff  }
0x2db: {  	v16 =	vor.u32 $0x3, v14;
	_ =	sdelay $0x3  }
0x2dc: {  	[tilespmem:s9+$0x1D008] =	vst v15  }
0x2dd: {  	v15 =	vld.idx.msk [tilespmem:v16+s13+$0x0], $0xffff  }
0x2de: {  	v16 =	vor.u32 $0x4, v14;
	_ =	sdelay $0x3  }
0x2df: {  	[tilespmem:s9+$0x1D408] =	vst v15  }
0x2e0: {  	v15 =	vld.idx.msk [tilespmem:v16+s13+$0x0], $0xffff  }
0x2e1: {  	v16 =	vor.u32 $0x5, v14;
	_ =	sdelay $0x3  }
0x2e2: {  	[tilespmem:s9+$0x1D808] =	vst v15  }
0x2e3: {  	v15 =	vld.idx.msk [tilespmem:v16+s13+$0x0], $0xffff  }
0x2e4: {  	v16 =	vor.u32 $0x6, v14;
	_ =	sdelay $0x3  }
0x2e5: {  	[tilespmem:s9+$0x1DC08] =	vst v15  }
0x2e6: {  	v15 =	vld.idx.msk [tilespmem:v16+s13+$0x0], $0xffff  }
0x2e7: {  	v14 =	vor.u32 $0x7, v14;
	_ =	sdelay $0x3  }
0x2e8: {  	s11 =	simm.s32 $0x10;
	[tilespmem:s9+$0x1E008] =	vst v15  }
0x2e9: {  	s12 =	simm.s32 $0x20;
	v15 =	vmov s11;
	v14 =	vld.idx.msk [tilespmem:v14+s13+$0x0], $0xffff  }
.LBB2_18:
0x2ea: {  	p0 =	sne.s32 s12, $0x3F0;
	v15 =	vshll.u32 v15, $0x3  }
0x2eb: {  	v15 =	vor.u32 v13, v15;
	_ =	sdelay $0x3  }
0x2ec: {  	[tilespmem:s9+$0x1E408] =	vst v14  }
0x2ed: {  	v14 =	vld.idx.msk [tilespmem:v15+s13+$0x0], $0xffff;
	_ =	sdelay $0x1  }
0x2ee: {  	v16 =	vor.u32 $0x1, v15;
	_ =	sdelay $0x2  }
0x2ef: {  	s9 =	sand.u32 $0x3F0, s11;
	s11 =	smov.u32 s12  }
0x2f0: {  	[tilespmem:s9+$0x1C808] =	vst v14  }
0x2f1: {  	v14 =	vld.idx.msk [tilespmem:v16+s13+$0x0], $0xffff;
	_ =	sdelay $0x1  }
0x2f2: {  	v16 =	vor.u32 $0x2, v15;
	_ =	sdelay $0x3  }
0x2f3: {  	[tilespmem:s9+$0x1CC08] =	vst v14  }
0x2f4: {  	v14 =	vld.idx.msk [tilespmem:v16+s13+$0x0], $0xffff;
	_ =	sdelay $0x1  }
0x2f5: {  	v16 =	vor.u32 $0x3, v15;
	_ =	sdelay $0x3  }
0x2f6: {  	[tilespmem:s9+$0x1D008] =	vst v14  }
0x2f7: {  	v14 =	vld.idx.msk [tilespmem:v16+s13+$0x0], $0xffff;
	_ =	sdelay $0x1  }
0x2f8: {  	v16 =	vor.u32 $0x4, v15;
	_ =	sdelay $0x3  }
0x2f9: {  	[tilespmem:s9+$0x1D408] =	vst v14  }
0x2fa: {  	v14 =	vld.idx.msk [tilespmem:v16+s13+$0x0], $0xffff;
	_ =	sdelay $0x1  }
0x2fb: {  	v16 =	vor.u32 $0x5, v15;
	_ =	sdelay $0x3  }
0x2fc: {  	[tilespmem:s9+$0x1D808] =	vst v14  }
0x2fd: {  	v14 =	vld.idx.msk [tilespmem:v16+s13+$0x0], $0xffff;
	_ =	sdelay $0x1  }
0x2fe: {  	v16 =	vor.u32 $0x6, v15;
	_ =	sdelay $0x3  }
0x2ff: {  	[tilespmem:s9+$0x1DC08] =	vst v14  }
0x300: {  	v14 =	vld.idx.msk [tilespmem:v16+s13+$0x0], $0xffff;
	_ =	sdelay $0x1  }
0x301: {  	v16 =	vor.u32 $0x7, v15  }
.Ltmp7:
0x302: {  	(pc) =	sbr.rel @p0 .LBB2_18-.Ltmp7, $3  }
0x303: {  	_ =	sdelay $0x1  }
0x304: {  	[tilespmem:s9+$0x1E008] =	vst v14  }
0x305: {  	s12 =	sadd.s32 $0x10, s12;
	v15 =	vmov s11;
	v14 =	vld.idx.msk [tilespmem:v16+s13+$0x0], $0xffff  }
0x306: {  	v15 =	vshll.u32 v15, $0x3  }
0x307: {  	v13 =	vor.u32 v13, v15;
	_ =	sdelay $0x3  }
0x308: {  	[tilespmem:s9+$0x1E408] =	vst v14  }
0x309: {  	v14 =	vld.idx.msk [tilespmem:v13+s13+$0x0], $0xffff  }
0x30a: {  	v15 =	vor.u32 $0x1, v13;
	_ =	sdelay $0x2  }
0x30b: {  	s29 =	sand.u32 $0x3F0, s11  }
0x30c: {  	[tilespmem:s29+$0x1C808] =	vst v14  }
0x30d: {  	v14 =	vld.idx.msk [tilespmem:v15+s13+$0x0], $0xffff  }
0x30e: {  	v15 =	vor.u32 $0x2, v13;
	_ =	sdelay $0x3  }
0x30f: {  	[tilespmem:s29+$0x1CC08] =	vst v14  }
0x310: {  	v14 =	vld.idx.msk [tilespmem:v15+s13+$0x0], $0xffff  }
0x311: {  	v15 =	vor.u32 $0x3, v13;
	_ =	sdelay $0x3  }
0x312: {  	[tilespmem:s29+$0x1D008] =	vst v14  }
0x313: {  	v14 =	vld.idx.msk [tilespmem:v15+s13+$0x0], $0xffff  }
0x314: {  	v15 =	vor.u32 $0x4, v13;
	_ =	sdelay $0x3  }
0x315: {  	[tilespmem:s29+$0x1D408] =	vst v14  }
0x316: {  	v14 =	vld.idx.msk [tilespmem:v15+s13+$0x0], $0xffff  }
0x317: {  	v15 =	vor.u32 $0x5, v13;
	_ =	sdelay $0x3  }
0x318: {  	[tilespmem:s29+$0x1D808] =	vst v14  }
0x319: {  	v14 =	vld.idx.msk [tilespmem:v15+s13+$0x0], $0xffff  }
0x31a: {  	v15 =	vor.u32 $0x6, v13;
	_ =	sdelay $0x3  }
0x31b: {  	[tilespmem:s29+$0x1DC08] =	vst v14  }
0x31c: {  	v14 =	vld.idx.msk [tilespmem:v15+s13+$0x0], $0xffff  }
0x31d: {  	v13 =	vor.u32 $0x7, v13;
	_ =	sdelay $0x3  }
0x31e: {  	[tilespmem:s29+$0x1E008] =	vst v14  }
0x31f: {  	v13 =	vld.idx.msk [tilespmem:v13+s13+$0x0], $0xffff;
	_ =	sdelay $0x2  }
0x320: {  	s5 =	sadd.s32 s5, s30;
	s4 =	sadd.s32 $0x1, s4  }
0x321: {  	s5 =	sshrl.u32 s5, $0x3;
	p0 =	sne.s32 s4, $0x9  }
.Ltmp8:
0x322: {  	s5 =	sadd.s32 s8, s5;
	[tilespmem:s29+$0x1E408] =	vst v13;
	(pc) =	sbr.rel @p0 .LBB2_15-.Ltmp8, $4  }
0x323: {  	[hbm4b:s5+s15] =	stream.strided.scatter [tilespmem:s28], [sflag:$0x3], $0x2000, s18, s15, $0x38;
	[tilespmem:$0x1E808] =	vst v63  }
0x324: {  	_ =	swait.ge [sflag:s16], $0x2000  }
0x325: {  	[sflag:s16] =	ssyncset.done $0x0  }
0x326: {  	[sflag:s16] =	ssyncadd.s32 $0xFFFFE000  }
0x327: {  	s9 =	rddreg [dreg:$0x8]  }
0x328: {  	s9 =	sadd.s32 $0x1, s9  }
0x329: {  	p0 =	sne.s32 s9, $0xC  }
.Ltmp9:
0x32a: {  	_ = 	snop;
	(pc) =	sbr.rel @p0 .LBB2_2-.Ltmp9, $1  }
0x32b: {  	_ =	sdelay $0x3  }
0x32c: {  	s0 =	rddreg [dreg:$0x4]  }
0x32d: {  	s4 =	rddreg [dreg:$0x6];
	s0 =	sadd.s32 $0x1, s0  }
0x32e: {  	p0 =	sne.s32 s0, s4  }
.Ltmp10:
0x32f: {  	_ = 	snop;
	(pc) =	sbr.rel @p0 .LBB2_1-.Ltmp10, $2  }
0x330: {  	_ =	sdelay $0x2  }
0x331: {  	[dreg:$0x4] =	wrdreg s0  }
0x332: {  	_ =	sfence.sel $0x180000  }
0x333: {  	[bflag:$0x0] =	sbarrier.arrive $0xFFFF  }
0x334: {  	_ =	strace $0x90000047  }
0x335: {  	s0 =	stileid.u32;
	[bflag:$0x2] =	sbarrier.arrive $0xFFFF  }
0x336: {  	p0 =	sne.s32 s0, $0x0;
	s0 =	rddreg [dreg:$0x3]  }
0x337: {  	s0 =	sadd.s32 @!p0 $0x100000, s0  }
0x338: {  	[sflag:s0] =	ssyncadd.tile.s32 @!p0 $0x1;
	_ =	shalt  }
.Lfunc_end2:
_tile_overlayer_lowered:
.L_overlay_start_2:
0x339: {  	(tag) =	ssettag $0x2  }
0x33a: {  	s0 =	rddreg [dreg:$0x0];
	s2 =	stileid.u32  }
0x33b: {  	s1 =	rddreg [dreg:$0x1];
	p0 =	sne.s32 s2, $0x0  }
0x33c: {  	s3 =	rddreg [dreg:$0x2];
	[bflag:$0x3] =	sbarrier.arrive $0xFFFF;
	s2 =	simm.s32 @!p0 $0x1C03  }
0x33d: {  	[timem:s3], [sflag:s2] =	dma.local @!p0 [hbm:s0], s1  }
0x33e: {  	s0 =	simm.s32 @!p0 $0x3  }
0x33f: {  	_ =	swait.ge @!p0 [sflag:s0], s1  }
0x340: {  	s1 =	ssub.s32 @!p0 $0x0, s1;
	[sflag:s0] =	ssyncset.done @!p0 $0x0  }
0x341: {  	[sflag:s0] =	ssyncadd.s32 @!p0 s1  }
0x342: {  	[bflag:$0x3] =	sbarrier.arrive $0xFFFF  }
0x343: {  	_ =	shalt  }

</sc_bundles>
